<compile_context>
chip_gen: v7x
topology: tpu7x:2x2x1
jax: 0.10.2.dev20260603
libtpu: 0.0.44.dev20260713+nightly
codegen_flags: <defaults>
</compile_context>

<pallas_src>
import dataclasses

import jax
import jax.numpy as jnp
from jax import lax
from jax.experimental import pallas as pl
from jax.experimental.pallas import tpu as pltpu
from jax.experimental.pallas import tpu_sc as plsc

_N = 2048
_D = 768
_R = 256
_K = 5
_SETS = 4
_PAD = 16

_INF = float("inf")



def _d2_body(x_blk_ref, xt_ref, out_ref):
    x_blk = x_blk_ref[...]
    xt = xt_ref[...]
    g = lax.dot_general(
        x_blk, xt, (((1,), (0,)), ((), ())),
        preferred_element_type=jnp.float32,
        precision=lax.Precision.DEFAULT,
    )
    sq_r = jnp.sum(x_blk * x_blk, axis=1, keepdims=True)
    sq_c = jnp.sum(xt * xt, axis=0, keepdims=True)
    out_ref[...] = sq_r + sq_c - 2.0 * g


def _d2_producer(x, xt):
    return pl.pallas_call(
        _d2_body,
        grid=(_N // _R,),
        in_specs=[
            pl.BlockSpec((_R, _D), lambda i: (i, 0)),
            pl.BlockSpec((_D, _N), lambda i: (0, 0)),
        ],
        out_specs=pl.BlockSpec((_R, _N), lambda i: (i, 0)),
        out_shape=jax.ShapeDtypeStruct((_N, _N), jnp.float32),
    )(x, xt)



def _sc_row_body(in_vmem, out_vmem):
    nslices = _N // 16
    acc = [[jnp.full((16,), _INF, jnp.float32) for _ in range(_K)]
           for _ in range(_SETS)]

    def insert(aset, v):
        for j in range(_K):
            lo = jnp.minimum(aset[j], v)
            v = jnp.maximum(aset[j], v)
            aset[j] = lo

    for s in range(nslices):
        v = in_vmem[0, pl.ds(s * 16, 16)]
        insert(acc[s % _SETS], v)

    for p in range(1, _SETS):
        for j in range(_K):
            insert(acc[0], acc[p][j])
    a = acc[0]

    lane = lax.iota(jnp.int32, 16)
    z = jnp.full((16,), _INF, jnp.float32)
    for t in range(_K):
        m = jnp.min(a[0])
        z = jnp.where(lane == t, m, z)
        if t < _K - 1:
            hit = a[0] <= m
            for j in range(_K - 1):
                a[j] = jnp.where(hit, a[j + 1], a[j])
            a[_K - 1] = jnp.where(hit, _INF, a[_K - 1])
    out_vmem[0, :] = z


def _sc_selector(d2):
    mesh = plsc.VectorSubcoreMesh(core_axis_name="core",
                                  subcore_axis_name="subcore")
    cp = pltpu.CompilerParams()
    if "needs_layout_passes" in pltpu.CompilerParams.__dataclass_fields__:
        cp = dataclasses.replace(cp, needs_layout_passes=False)

    @pl.kernel(out_type=jax.ShapeDtypeStruct((_N, _PAD), jnp.float32),
               mesh=mesh, compiler_params=cp)
    def sel_kernel(d2_hbm, out_hbm):
        pltpu.emit_pipeline(
            _sc_row_body,
            grid=(_N,),
            in_specs=[pl.BlockSpec((1, _N), index_map=lambda i: (i, 0))],
            out_specs=[pl.BlockSpec((1, _PAD), index_map=lambda i: (i, 0))],
            core_axis_name=("core", "subcore"),
            dimension_semantics=(pltpu.PARALLEL,),
        )(d2_hbm, out_hbm)

    return sel_kernel(d2)



def _fin_body(sel_ref, out_ref):
    x = sel_ref[...]
    col = lax.broadcasted_iota(jnp.int32, (_N, _PAD), 1)
    dist = jnp.sqrt(jnp.maximum(x, 0.0) + 1e-12)
    dist = jnp.where(col < _K, dist, 0.0)
    s1 = jnp.sum(dist)
    s2 = jnp.sum(dist * dist)
    cnt = jnp.float32(_N * _K)
    var = (s2 - s1 * s1 / cnt) / (cnt - 1.0)
    out_ref[0, 0] = -jnp.sqrt(jnp.maximum(var, 0.0))


def _finisher(sel):
    return pl.pallas_call(
        _fin_body,
        out_specs=pl.BlockSpec(memory_space=pltpu.SMEM),
        out_shape=jax.ShapeDtypeStruct((1, 1), jnp.float32),
    )(sel)


def kernel(latent):
    x = latent[0]
    xt = x.T
    d2 = _d2_producer(x, xt)
    sel = _sc_selector(d2)
    out = _finisher(sel)
    return out[0, 0]

# --- scband reference (transcript-rebuilt; emitter-appended) ---
"""Pipeline reference for scband-topological-qualia-loss-15513421873467 (READ-ONLY COPY).

The authoritative reference and input builder live on the scoring server;
editing this copy changes nothing except your own understanding.
"""

import jax, jax.numpy as jnp
import numpy as np


def setup_inputs(seed: int = 0) -> dict:
    key = jax.random.key(seed)
    latent = jax.random.normal(key, (4, 2048, 768), dtype=jnp.float32)
    return {"latent": latent}


def _cdist(x):
    # euclidean pairwise distances, matching torch.cdist(x, x)
    sq = jnp.sum(x * x, axis=-1)
    d2 = sq[:, None] + sq[None, :] - 2.0 * (x @ x.T)
    # clamp for numerical safety; tiny eps keeps sqrt differentiable at 0
    return jnp.sqrt(jnp.maximum(d2, 0.0) + 1e-12)


def reference(latent) -> jnp.ndarray:
    if latent.shape[0] < 2:
        return jnp.array(0.0, dtype=latent.dtype)
    sample = latent[0]
    dist = _cdist(sample)
    k = min(5, dist.shape[0] - 1)
    # smallest-k per row == top_k of negated distances
    neg_vals, _ = jax.lax.top_k(-dist, k)
    knn_dist = -neg_vals
    # torch.std default is unbiased (ddof=1)
    return -jnp.std(knn_dist, ddof=1)

if __name__ == "__main__":
    import jax
    _d = setup_inputs()
    print(jax.jit(kernel)(*tuple(_d.values())))

</pallas_src>

<mosaic_0001>
#map = affine_map<(d0, d1) -> (0, 0)>
module attributes {stable_mosaic.version = 14 : i64} {
  func.func @sel_kernel(%arg0: i32, %arg1: i32, %arg2: memref<2048x2048xf32, #tpu.memory_space<hbm>>, %arg3: memref<2048x16xf32, #tpu.memory_space<hbm>>) attributes {dimension_semantics = [#tpu.dimension_semantics<core_parallel>, #tpu.dimension_semantics<subcore_parallel>], iteration_bounds = array<i64: 2, 16>, scalar_prefetch = 0 : i64, scratch_operands = 0 : i64, tpu.core_type = #tpu.core_type<sc_vector_subcore>, window_params = [{transform_indices = #map}, {transform_indices = #map}]} {
    %mul3A = arith.constant 1 : i32
    %mul3A_0 = arith.muli %arg1, %mul3A : i32
    %add3A = arith.constant 0 : i32
    %add3A_1 = arith.addi %add3A, %mul3A_0 : i32
    %mul3A_2 = arith.constant 16 : i32
    %mul3A_3 = arith.muli %arg0, %mul3A_2 : i32
    %add3A_4 = arith.addi %add3A_1, %mul3A_3 : i32
    %mul3A_5 = arith.constant 64 : i32
    %mul3A_6 = arith.muli %add3A_4, %mul3A_5 : i32
    "tpu.region"() ({
      %run_scoped3A = memref.alloca() : memref<2x1x2048xf32, #tpu.memory_space<vmem>>
      %run_scoped3A_7 = tpu.sem_alloc : memref<2x!tpu.dma_semaphore, #tpu.memory_space<semaphore_mem>>
      %run_scoped3A_8 = memref.alloca() : memref<2x1x16xf32, #tpu.memory_space<vmem>>
      %run_scoped3A_9 = tpu.sem_alloc : memref<2x!tpu.dma_semaphore, #tpu.memory_space<semaphore_mem>>
      %add3A_10 = arith.constant 0 : i32
      %add3A_11 = arith.addi %add3A_10, %mul3A_6 : i32
      %select_n3A = arith.constant true
      %select_n3A_12 = arith.constant 0 : i32
      %select_n3A_13 = arith.constant -1 : i32
      %select_n3A_14 = arith.select %select_n3A, %select_n3A_13, %select_n3A_12 : i32
      %eq3A = arith.constant -1 : i32
      %eq3A_15 = arith.cmpi eq, %select_n3A_14, %eq3A : i32
      %select_n3A_16 = arith.constant 63 : i32
      %select_n3A_17 = arith.select %eq3A_15, %select_n3A_16, %select_n3A_14 : i32
      %add3A_18 = arith.addi %select_n3A_17, %mul3A_6 : i32
      %select_n3A_19 = arith.constant true
      %select_n3A_20 = arith.constant 0 : i32
      %select_n3A_21 = arith.constant 1 : i32
      %select_n3A_22 = arith.select %select_n3A_19, %select_n3A_21, %select_n3A_20 : i32
      %eq3A_23 = arith.constant 64 : i32
      %eq3A_24 = arith.cmpi eq, %select_n3A_22, %eq3A_23 : i32
      %select_n3A_25 = arith.constant 0 : i32
      %select_n3A_26 = arith.select %eq3A_24, %select_n3A_25, %select_n3A_22 : i32
      %add3A_27 = arith.addi %select_n3A_26, %mul3A_6 : i32
      %add3A_28 = arith.constant 1 : i32
      %add3A_29 = arith.addi %select_n3A_26, %add3A_28 : i32
      %select_n3A_30 = arith.constant true
      %select_n3A_31 = arith.select %select_n3A_30, %add3A_29, %select_n3A_26 : i32
      %eq3A_32 = arith.constant 64 : i32
      %eq3A_33 = arith.cmpi eq, %select_n3A_31, %eq3A_32 : i32
      %select_n3A_34 = arith.constant 0 : i32
      %select_n3A_35 = arith.select %eq3A_33, %select_n3A_34, %select_n3A_31 : i32
      %add3A_36 = arith.addi %select_n3A_35, %mul3A_6 : i32
      "tpu.trace_start"() <{level = 10 : i32, message = "ep_initialize_0"}> : () -> ()
      %rem3A = arith.constant 0 : i32
      %rem3A_37 = arith.constant 2 : i32
      %rem3A_38 = arith.remui %rem3A, %rem3A_37 : i32
      %mul3A_39 = arith.constant 1 : i32
      %mul3A_40 = arith.muli %mul3A_39, %add3A_11 : i32
      %dma_start3A = arith.constant 0 : i32
      %dma_start3A_41 = arith.constant 0 : i32
      %dma_start3A_42 = tpu.memref_slice %run_scoped3A[%rem3A_38, %dma_start3A, %dma_start3A_41] : memref<2x1x2048xf32, #tpu.memory_space<vmem>> -> memref<1x1x2048xf32, #tpu.memory_space<vmem>>
      %dma_start3A_43 = tpu.memref_squeeze %dma_start3A_42 : memref<1x1x2048xf32, #tpu.memory_space<vmem>> -> memref<1x2048xf32, #tpu.memory_space<vmem>>
      %dma_start3A_44 = arith.constant 0 : i32
      %dma_start3A_45 = tpu.memref_slice %arg2[%mul3A_40, %dma_start3A_44] : memref<2048x2048xf32, #tpu.memory_space<hbm>> -> memref<1x2048xf32, #tpu.memory_space<hbm>>
      %dma_start3A_46 = tpu.memref_slice %run_scoped3A_7[%rem3A_38] : memref<2x!tpu.dma_semaphore, #tpu.memory_space<semaphore_mem>> -> memref<1x!tpu.dma_semaphore, #tpu.memory_space<semaphore_mem>>
      %dma_start3A_47 = tpu.memref_squeeze %dma_start3A_46 : memref<1x!tpu.dma_semaphore, #tpu.memory_space<semaphore_mem>> -> memref<!tpu.dma_semaphore, #tpu.memory_space<semaphore_mem>>
      %dma_start3A_48 = arith.constant 0 : i32
      %dma_start3A_49 = arith.constant 0 : i32
      %dma_start3A_50 = tpu.memref_slice %run_scoped3A[%rem3A_38, %dma_start3A_48, %dma_start3A_49] : memref<2x1x2048xf32, #tpu.memory_space<vmem>> -> memref<1x1x2048xf32, #tpu.memory_space<vmem>>
      %dma_start3A_51 = tpu.memref_squeeze %dma_start3A_50 : memref<1x1x2048xf32, #tpu.memory_space<vmem>> -> memref<1x2048xf32, #tpu.memory_space<vmem>>
      %dma_start3A_52 = arith.constant 0 : i32
      %dma_start3A_53 = tpu.memref_slice %arg2[%mul3A_40, %dma_start3A_52] : memref<2048x2048xf32, #tpu.memory_space<hbm>> -> memref<1x2048xf32, #tpu.memory_space<hbm>>
      tpu.enqueue_dma source(%dma_start3A_53 : memref<1x2048xf32, #tpu.memory_space<hbm>>) target(%dma_start3A_51 : memref<1x2048xf32, #tpu.memory_space<vmem>>) target_semaphore(%dma_start3A_47 : memref<!tpu.dma_semaphore, #tpu.memory_space<semaphore_mem>>)
      %add3A_54 = arith.constant 0 : i32
      %add3A_55 = arith.constant 1 : i32
      %add3A_56 = arith.addi %add3A_54, %add3A_55 : i32
      %select_n3A_57 = arith.constant true
      %select_n3A_58 = arith.constant 0 : i32
      %select_n3A_59 = arith.select %select_n3A_57, %add3A_56, %select_n3A_58 : i32
      "tpu.trace_stop"() : () -> ()
      %scan3A = arith.constant 0 : i32
      %scan3A_60 = arith.constant 0 : i32
      %scan3A_61 = arith.constant 0 : i32
      %scan3A_62 = arith.constant 0 : i32
      %scan3A_63 = arith.constant 0 : i32
      %scan3A_64 = arith.constant 64 : i32
      %scan3A_65 = arith.addi %scan3A_63, %scan3A_64 : i32
      %scan3A_66 = arith.constant 1 : i32
      %scan3A_67:5 = scf.for %scan3A_121 = %scan3A_63 to %scan3A_65 step %scan3A_66 iter_args(%scan3A_122 = %select_n3A_59, %scan3A_123 = %scan3A, %scan3A_124 = %scan3A_60, %scan3A_125 = %scan3A_61, %scan3A_126 = %scan3A_62) -> (i32, i32, i32, i32, i32)  : i32 {
        %eq3A_127 = arith.constant 0 : i32
        %eq3A_128 = arith.cmpi eq, %scan3A_121, %eq3A_127 : i32
        %eq3A_129 = arith.constant 63 : i32
        %eq3A_130 = arith.cmpi eq, %scan3A_121, %eq3A_129 : i32
        %add3A_131 = arith.addi %scan3A_126, %mul3A_6 : i32
        %sub3A_132 = arith.constant 1 : i32
        %sub3A_133 = arith.subi %scan3A_126, %sub3A_132 : i32
        %select_n3A_134 = arith.constant true
        %select_n3A_135 = arith.select %select_n3A_134, %sub3A_133, %scan3A_126 : i32
        %eq3A_136 = arith.constant -1 : i32
        %eq3A_137 = arith.cmpi eq, %select_n3A_135, %eq3A_136 : i32
        %select_n3A_138 = arith.constant 63 : i32
        %select_n3A_139 = arith.select %eq3A_137, %select_n3A_138, %select_n3A_135 : i32
        %add3A_140 = arith.addi %select_n3A_139, %mul3A_6 : i32
        %add3A_141 = arith.constant 1 : i32
        %add3A_142 = arith.addi %scan3A_126, %add3A_141 : i32
        %select_n3A_143 = arith.constant true
        %select_n3A_144 = arith.select %select_n3A_143, %add3A_142, %scan3A_126 : i32
        %eq3A_145 = arith.constant 64 : i32
        %eq3A_146 = arith.cmpi eq, %select_n3A_144, %eq3A_145 : i32
        %select_n3A_147 = arith.constant 0 : i32
        %select_n3A_148 = arith.select %eq3A_146, %select_n3A_147, %select_n3A_144 : i32
        %add3A_149 = arith.addi %select_n3A_148, %mul3A_6 : i32
        %add3A_150 = arith.constant 1 : i32
        %add3A_151 = arith.addi %select_n3A_148, %add3A_150 : i32
        %select_n3A_152 = arith.constant true
        %select_n3A_153 = arith.select %select_n3A_152, %add3A_151, %select_n3A_148 : i32
        %eq3A_154 = arith.constant 64 : i32
        %eq3A_155 = arith.cmpi eq, %select_n3A_153, %eq3A_154 : i32
        %select_n3A_156 = arith.constant 0 : i32
        %select_n3A_157 = arith.select %eq3A_155, %select_n3A_156, %select_n3A_153 : i32
        %add3A_158 = arith.addi %select_n3A_157, %mul3A_6 : i32
        %ne3A = arith.cmpi ne, %add3A_131, %add3A_149 : i32
        %or3A = arith.constant false
        %or3A_159 = arith.ori %or3A, %ne3A : i1
        %or3A_160 = arith.constant false
        %or3A_161 = arith.ori %or3A_159, %or3A_160 : i1
        %ge3A = arith.constant 63 : i32
        %ge3A_162 = arith.cmpi sge, %scan3A_121, %ge3A : i32
        %not3A = arith.constant true
        %not3A_163 = arith.xori %ge3A_162, %not3A : i1
        %and3A = arith.andi %or3A_161, %not3A_163 : i1
        %convert_element_type3A = arith.extui %and3A : i1 to i32
        %cond3A = arith.constant 0 : i32
        %cond3A_164 = arith.cmpi ne, %convert_element_type3A, %cond3A : i32
        scf.if %cond3A_164 {
          "tpu.trace_start"() <{level = 10 : i32, message = "ep_copy_in"}> : () -> ()
          %rem3A_2850 = arith.constant 2 : i32
          %rem3A_2851 = arith.remui %scan3A_122, %rem3A_2850 : i32
          %mul3A_2852 = arith.constant 1 : i32
          %mul3A_2853 = arith.muli %mul3A_2852, %add3A_149 : i32
          %dma_start3A_2854 = arith.constant 0 : i32
          %dma_start3A_2855 = arith.constant 0 : i32
          %dma_start3A_2856 = tpu.memref_slice %run_scoped3A[%rem3A_2851, %dma_start3A_2854, %dma_start3A_2855] : memref<2x1x2048xf32, #tpu.memory_space<vmem>> -> memref<1x1x2048xf32, #tpu.memory_space<vmem>>
          %dma_start3A_2857 = tpu.memref_squeeze %dma_start3A_2856 : memref<1x1x2048xf32, #tpu.memory_space<vmem>> -> memref<1x2048xf32, #tpu.memory_space<vmem>>
          %dma_start3A_2858 = arith.constant 0 : i32
          %dma_start3A_2859 = tpu.memref_slice %arg2[%mul3A_2853, %dma_start3A_2858] : memref<2048x2048xf32, #tpu.memory_space<hbm>> -> memref<1x2048xf32, #tpu.memory_space<hbm>>
          %dma_start3A_2860 = tpu.memref_slice %run_scoped3A_7[%rem3A_2851] : memref<2x!tpu.dma_semaphore, #tpu.memory_space<semaphore_mem>> -> memref<1x!tpu.dma_semaphore, #tpu.memory_space<semaphore_mem>>
          %dma_start3A_2861 = tpu.memref_squeeze %dma_start3A_2860 : memref<1x!tpu.dma_semaphore, #tpu.memory_space<semaphore_mem>> -> memref<!tpu.dma_semaphore, #tpu.memory_space<semaphore_mem>>
          %dma_start3A_2862 = arith.constant 0 : i32
          %dma_start3A_2863 = arith.constant 0 : i32
          %dma_start3A_2864 = tpu.memref_slice %run_scoped3A[%rem3A_2851, %dma_start3A_2862, %dma_start3A_2863] : memref<2x1x2048xf32, #tpu.memory_space<vmem>> -> memref<1x1x2048xf32, #tpu.memory_space<vmem>>
          %dma_start3A_2865 = tpu.memref_squeeze %dma_start3A_2864 : memref<1x1x2048xf32, #tpu.memory_space<vmem>> -> memref<1x2048xf32, #tpu.memory_space<vmem>>
          %dma_start3A_2866 = arith.constant 0 : i32
          %dma_start3A_2867 = tpu.memref_slice %arg2[%mul3A_2853, %dma_start3A_2866] : memref<2048x2048xf32, #tpu.memory_space<hbm>> -> memref<1x2048xf32, #tpu.memory_space<hbm>>
          tpu.enqueue_dma source(%dma_start3A_2867 : memref<1x2048xf32, #tpu.memory_space<hbm>>) target(%dma_start3A_2865 : memref<1x2048xf32, #tpu.memory_space<vmem>>) target_semaphore(%dma_start3A_2861 : memref<!tpu.dma_semaphore, #tpu.memory_space<semaphore_mem>>)
          "tpu.trace_stop"() : () -> ()
        } else {
        }
        %and3A_165 = arith.constant true
        %and3A_166 = arith.andi %and3A, %and3A_165 : i1
        %add3A_167 = arith.constant 1 : i32
        %add3A_168 = arith.addi %scan3A_122, %add3A_167 : i32
        %select_n3A_169 = arith.select %and3A_166, %add3A_168, %scan3A_122 : i32
        %ne3A_170 = arith.cmpi ne, %add3A_131, %add3A_149 : i32
        %or3A_171 = arith.constant false
        %or3A_172 = arith.ori %or3A_171, %ne3A_170 : i1
        %or3A_173 = arith.constant false
        %or3A_174 = arith.ori %or3A_172, %or3A_173 : i1
        %ge3A_175 = arith.constant 63 : i32
        %ge3A_176 = arith.cmpi sge, %scan3A_121, %ge3A_175 : i32
        %not3A_177 = arith.constant true
        %not3A_178 = arith.xori %ge3A_176, %not3A_177 : i1
        %and3A_179 = arith.andi %or3A_174, %not3A_178 : i1
        %ne3A_180 = arith.cmpi ne, %add3A_131, %add3A_140 : i32
        %or3A_181 = arith.constant false
        %or3A_182 = arith.ori %or3A_181, %ne3A_180 : i1
        %or3A_183 = arith.constant false
        %or3A_184 = arith.ori %or3A_182, %or3A_183 : i1
        %or3A_185 = arith.ori %or3A_184, %eq3A_128 : i1
        %convert_element_type3A_186 = arith.extui %or3A_185 : i1 to i32
        %cond3A_187 = arith.constant 0 : i32
        %cond3A_188 = arith.cmpi ne, %convert_element_type3A_186, %cond3A_187 : i32
        scf.if %cond3A_188 {
          "tpu.trace_start"() <{level = 10 : i32, message = "ep_wait_in"}> : () -> ()
          %mul3A_2850 = arith.constant 1 : i32
          %mul3A_2851 = arith.muli %mul3A_2850, %add3A_131 : i32
          %rem3A_2852 = arith.constant 2 : i32
          %rem3A_2853 = arith.remui %scan3A_123, %rem3A_2852 : i32
          %dma_wait3A_2854 = arith.constant 0 : i32
          %dma_wait3A_2855 = arith.constant 0 : i32
          %dma_wait3A_2856 = tpu.memref_slice %run_scoped3A[%rem3A_2853, %dma_wait3A_2854, %dma_wait3A_2855] : memref<2x1x2048xf32, #tpu.memory_space<vmem>> -> memref<1x1x2048xf32, #tpu.memory_space<vmem>>
          %dma_wait3A_2857 = tpu.memref_squeeze %dma_wait3A_2856 : memref<1x1x2048xf32, #tpu.memory_space<vmem>> -> memref<1x2048xf32, #tpu.memory_space<vmem>>
          %dma_wait3A_2858 = arith.constant 0 : i32
          %dma_wait3A_2859 = tpu.memref_slice %arg2[%mul3A_2851, %dma_wait3A_2858] : memref<2048x2048xf32, #tpu.memory_space<hbm>> -> memref<1x2048xf32, #tpu.memory_space<hbm>>
          %dma_wait3A_2860 = tpu.memref_slice %run_scoped3A_7[%rem3A_2853] : memref<2x!tpu.dma_semaphore, #tpu.memory_space<semaphore_mem>> -> memref<1x!tpu.dma_semaphore, #tpu.memory_space<semaphore_mem>>
          %dma_wait3A_2861 = tpu.memref_squeeze %dma_wait3A_2860 : memref<1x!tpu.dma_semaphore, #tpu.memory_space<semaphore_mem>> -> memref<!tpu.dma_semaphore, #tpu.memory_space<semaphore_mem>>
          %dma_wait3A_2862 = arith.constant 0 : i32
          %dma_wait3A_2863 = arith.constant 0 : i32
          %dma_wait3A_2864 = tpu.memref_slice %run_scoped3A[%rem3A_2853, %dma_wait3A_2862, %dma_wait3A_2863] : memref<2x1x2048xf32, #tpu.memory_space<vmem>> -> memref<1x1x2048xf32, #tpu.memory_space<vmem>>
          %dma_wait3A_2865 = tpu.memref_squeeze %dma_wait3A_2864 : memref<1x1x2048xf32, #tpu.memory_space<vmem>> -> memref<1x2048xf32, #tpu.memory_space<vmem>>
          %dma_wait3A_2866 = arith.constant 0 : i32
          %dma_wait3A_2867 = tpu.memref_slice %arg2[%mul3A_2851, %dma_wait3A_2866] : memref<2048x2048xf32, #tpu.memory_space<hbm>> -> memref<1x2048xf32, #tpu.memory_space<hbm>>
          tpu.wait_dma2 semaphore(%dma_wait3A_2861 : memref<!tpu.dma_semaphore, #tpu.memory_space<semaphore_mem>>) src(%dma_wait3A_2867 : memref<1x2048xf32, #tpu.memory_space<hbm>>) dst(%dma_wait3A_2865 : memref<1x2048xf32, #tpu.memory_space<vmem>>)
          "tpu.trace_stop"() : () -> ()
        } else {
        }
        %ne3A_189 = arith.cmpi ne, %add3A_131, %add3A_140 : i32
        %or3A_190 = arith.constant false
        %or3A_191 = arith.ori %or3A_190, %ne3A_189 : i1
        %or3A_192 = arith.constant false
        %or3A_193 = arith.ori %or3A_191, %or3A_192 : i1
        %or3A_194 = arith.ori %or3A_193, %eq3A_128 : i1
        %convert_element_type3A_195 = arith.extui %or3A_194 : i1 to i32
        %cond3A_196 = arith.constant 0 : i32
        %cond3A_197 = arith.cmpi ne, %convert_element_type3A_195, %cond3A_196 : i32
        scf.if %cond3A_197 {
        } else {
        }
        %rem3A_198 = arith.constant 2 : i32
        %rem3A_199 = arith.remui %scan3A_123, %rem3A_198 : i32
        %rem3A_200 = arith.constant 2 : i32
        %rem3A_201 = arith.remui %scan3A_124, %rem3A_200 : i32
        %broadcast_in_dim3A = arith.constant 0x7F800000 : f32
        "tpu.trace_start"() <{level = 10 : i32, message = "ep_run_kernel"}> : () -> ()
        %broadcast_in_dim3A_202 = vector.broadcast %broadcast_in_dim3A : f32 to vector<16xf32>
        %broadcast_in_dim3A_203 = arith.constant 0x7F800000 : f32
        %broadcast_in_dim3A_204 = vector.broadcast %broadcast_in_dim3A_203 : f32 to vector<16xf32>
        %broadcast_in_dim3A_205 = arith.constant 0x7F800000 : f32
        %broadcast_in_dim3A_206 = vector.broadcast %broadcast_in_dim3A_205 : f32 to vector<16xf32>
        %broadcast_in_dim3A_207 = arith.constant 0x7F800000 : f32
        %broadcast_in_dim3A_208 = vector.broadcast %broadcast_in_dim3A_207 : f32 to vector<16xf32>
        %broadcast_in_dim3A_209 = arith.constant 0x7F800000 : f32
        %broadcast_in_dim3A_210 = vector.broadcast %broadcast_in_dim3A_209 : f32 to vector<16xf32>
        %broadcast_in_dim3A_211 = arith.constant 0x7F800000 : f32
        %broadcast_in_dim3A_212 = vector.broadcast %broadcast_in_dim3A_211 : f32 to vector<16xf32>
        %broadcast_in_dim3A_213 = arith.constant 0x7F800000 : f32
        %broadcast_in_dim3A_214 = vector.broadcast %broadcast_in_dim3A_213 : f32 to vector<16xf32>
        %broadcast_in_dim3A_215 = arith.constant 0x7F800000 : f32
        %broadcast_in_dim3A_216 = vector.broadcast %broadcast_in_dim3A_215 : f32 to vector<16xf32>
        %broadcast_in_dim3A_217 = arith.constant 0x7F800000 : f32
        %broadcast_in_dim3A_218 = vector.broadcast %broadcast_in_dim3A_217 : f32 to vector<16xf32>
        %broadcast_in_dim3A_219 = arith.constant 0x7F800000 : f32
        %broadcast_in_dim3A_220 = vector.broadcast %broadcast_in_dim3A_219 : f32 to vector<16xf32>
        %broadcast_in_dim3A_221 = arith.constant 0x7F800000 : f32
        %broadcast_in_dim3A_222 = vector.broadcast %broadcast_in_dim3A_221 : f32 to vector<16xf32>
        %broadcast_in_dim3A_223 = arith.constant 0x7F800000 : f32
        %broadcast_in_dim3A_224 = vector.broadcast %broadcast_in_dim3A_223 : f32 to vector<16xf32>
        %broadcast_in_dim3A_225 = arith.constant 0x7F800000 : f32
        %broadcast_in_dim3A_226 = vector.broadcast %broadcast_in_dim3A_225 : f32 to vector<16xf32>
        %broadcast_in_dim3A_227 = arith.constant 0x7F800000 : f32
        %broadcast_in_dim3A_228 = vector.broadcast %broadcast_in_dim3A_227 : f32 to vector<16xf32>
        %broadcast_in_dim3A_229 = arith.constant 0x7F800000 : f32
        %broadcast_in_dim3A_230 = vector.broadcast %broadcast_in_dim3A_229 : f32 to vector<16xf32>
        %broadcast_in_dim3A_231 = arith.constant 0x7F800000 : f32
        %broadcast_in_dim3A_232 = vector.broadcast %broadcast_in_dim3A_231 : f32 to vector<16xf32>
        %broadcast_in_dim3A_233 = arith.constant 0x7F800000 : f32
        %broadcast_in_dim3A_234 = vector.broadcast %broadcast_in_dim3A_233 : f32 to vector<16xf32>
        %broadcast_in_dim3A_235 = arith.constant 0x7F800000 : f32
        %broadcast_in_dim3A_236 = vector.broadcast %broadcast_in_dim3A_235 : f32 to vector<16xf32>
        %broadcast_in_dim3A_237 = arith.constant 0x7F800000 : f32
        %broadcast_in_dim3A_238 = vector.broadcast %broadcast_in_dim3A_237 : f32 to vector<16xf32>
        %broadcast_in_dim3A_239 = arith.constant 0x7F800000 : f32
        %broadcast_in_dim3A_240 = vector.broadcast %broadcast_in_dim3A_239 : f32 to vector<16xf32>
        %get3A = arith.constant 0 : i32
        %get3A_241 = arith.constant 0 : i32
        %get3A_242 = arith.constant 0 : i32
        %get3A_243 = tpu.memref_slice %run_scoped3A[%rem3A_199, %get3A_241, %get3A_242] : memref<2x1x2048xf32, #tpu.memory_space<vmem>> -> memref<1x1x2048xf32, #tpu.memory_space<vmem>>
        %get3A_244 = tpu.memref_squeeze %get3A_243 : memref<1x1x2048xf32, #tpu.memory_space<vmem>> -> memref<1x2048xf32, #tpu.memory_space<vmem>>
        %get3A_245 = arith.index_cast %get3A : i32 to index
        %get3A_246 = arith.constant 0 : index
        %get3A_247 = tpu.vector_load %get3A_244[%get3A_245, %get3A_246] {strides = array<i32>} : memref<1x2048xf32, #tpu.memory_space<vmem>>, vector<16xf32>,
        %min3A = arith.minimumf %broadcast_in_dim3A_202, %get3A_247 : vector<16xf32>
        %max3A = arith.maximumf %broadcast_in_dim3A_202, %get3A_247 : vector<16xf32>
        %min3A_248 = arith.minimumf %broadcast_in_dim3A_204, %max3A : vector<16xf32>
        %max3A_249 = arith.maximumf %broadcast_in_dim3A_204, %max3A : vector<16xf32>
        %min3A_250 = arith.minimumf %broadcast_in_dim3A_206, %max3A_249 : vector<16xf32>
        %max3A_251 = arith.maximumf %broadcast_in_dim3A_206, %max3A_249 : vector<16xf32>
        %min3A_252 = arith.minimumf %broadcast_in_dim3A_208, %max3A_251 : vector<16xf32>
        %max3A_253 = arith.maximumf %broadcast_in_dim3A_208, %max3A_251 : vector<16xf32>
        %min3A_254 = arith.minimumf %broadcast_in_dim3A_210, %max3A_253 : vector<16xf32>
        %max3A_255 = arith.maximumf %broadcast_in_dim3A_210, %max3A_253 : vector<16xf32>
        %get3A_256 = arith.constant 0 : i32
        %get3A_257 = arith.constant 0 : i32
        %get3A_258 = arith.constant 0 : i32
        %get3A_259 = tpu.memref_slice %run_scoped3A[%rem3A_199, %get3A_257, %get3A_258] : memref<2x1x2048xf32, #tpu.memory_space<vmem>> -> memref<1x1x2048xf32, #tpu.memory_space<vmem>>
        %get3A_260 = tpu.memref_squeeze %get3A_259 : memref<1x1x2048xf32, #tpu.memory_space<vmem>> -> memref<1x2048xf32, #tpu.memory_space<vmem>>
        %get3A_261 = arith.index_cast %get3A_256 : i32 to index
        %get3A_262 = arith.constant 16 : index
        %get3A_263 = tpu.vector_load %get3A_260[%get3A_261, %get3A_262] {strides = array<i32>} : memref<1x2048xf32, #tpu.memory_space<vmem>>, vector<16xf32>,
        %min3A_264 = arith.minimumf %broadcast_in_dim3A_212, %get3A_263 : vector<16xf32>
        %max3A_265 = arith.maximumf %broadcast_in_dim3A_212, %get3A_263 : vector<16xf32>
        %min3A_266 = arith.minimumf %broadcast_in_dim3A_214, %max3A_265 : vector<16xf32>
        %max3A_267 = arith.maximumf %broadcast_in_dim3A_214, %max3A_265 : vector<16xf32>
        %min3A_268 = arith.minimumf %broadcast_in_dim3A_216, %max3A_267 : vector<16xf32>
        %max3A_269 = arith.maximumf %broadcast_in_dim3A_216, %max3A_267 : vector<16xf32>
        %min3A_270 = arith.minimumf %broadcast_in_dim3A_218, %max3A_269 : vector<16xf32>
        %max3A_271 = arith.maximumf %broadcast_in_dim3A_218, %max3A_269 : vector<16xf32>
        %min3A_272 = arith.minimumf %broadcast_in_dim3A_220, %max3A_271 : vector<16xf32>
        %max3A_273 = arith.maximumf %broadcast_in_dim3A_220, %max3A_271 : vector<16xf32>
        %get3A_274 = arith.constant 0 : i32
        %get3A_275 = arith.constant 0 : i32
        %get3A_276 = arith.constant 0 : i32
        %get3A_277 = tpu.memref_slice %run_scoped3A[%rem3A_199, %get3A_275, %get3A_276] : memref<2x1x2048xf32, #tpu.memory_space<vmem>> -> memref<1x1x2048xf32, #tpu.memory_space<vmem>>
        %get3A_278 = tpu.memref_squeeze %get3A_277 : memref<1x1x2048xf32, #tpu.memory_space<vmem>> -> memref<1x2048xf32, #tpu.memory_space<vmem>>
        %get3A_279 = arith.index_cast %get3A_274 : i32 to index
        %get3A_280 = arith.constant 32 : index
        %get3A_281 = tpu.vector_load %get3A_278[%get3A_279, %get3A_280] {strides = array<i32>} : memref<1x2048xf32, #tpu.memory_space<vmem>>, vector<16xf32>,
        %min3A_282 = arith.minimumf %broadcast_in_dim3A_222, %get3A_281 : vector<16xf32>
        %max3A_283 = arith.maximumf %broadcast_in_dim3A_222, %get3A_281 : vector<16xf32>
        %min3A_284 = arith.minimumf %broadcast_in_dim3A_224, %max3A_283 : vector<16xf32>
        %max3A_285 = arith.maximumf %broadcast_in_dim3A_224, %max3A_283 : vector<16xf32>
        %min3A_286 = arith.minimumf %broadcast_in_dim3A_226, %max3A_285 : vector<16xf32>
        %max3A_287 = arith.maximumf %broadcast_in_dim3A_226, %max3A_285 : vector<16xf32>
        %min3A_288 = arith.minimumf %broadcast_in_dim3A_228, %max3A_287 : vector<16xf32>
        %max3A_289 = arith.maximumf %broadcast_in_dim3A_228, %max3A_287 : vector<16xf32>
        %min3A_290 = arith.minimumf %broadcast_in_dim3A_230, %max3A_289 : vector<16xf32>
        %max3A_291 = arith.maximumf %broadcast_in_dim3A_230, %max3A_289 : vector<16xf32>
        %get3A_292 = arith.constant 0 : i32
        %get3A_293 = arith.constant 0 : i32
        %get3A_294 = arith.constant 0 : i32
        %get3A_295 = tpu.memref_slice %run_scoped3A[%rem3A_199, %get3A_293, %get3A_294] : memref<2x1x2048xf32, #tpu.memory_space<vmem>> -> memref<1x1x2048xf32, #tpu.memory_space<vmem>>
        %get3A_296 = tpu.memref_squeeze %get3A_295 : memref<1x1x2048xf32, #tpu.memory_space<vmem>> -> memref<1x2048xf32, #tpu.memory_space<vmem>>
        %get3A_297 = arith.index_cast %get3A_292 : i32 to index
        %get3A_298 = arith.constant 48 : index
        %get3A_299 = tpu.vector_load %get3A_296[%get3A_297, %get3A_298] {strides = array<i32>} : memref<1x2048xf32, #tpu.memory_space<vmem>>, vector<16xf32>,
        %min3A_300 = arith.minimumf %broadcast_in_dim3A_232, %get3A_299 : vector<16xf32>
        %max3A_301 = arith.maximumf %broadcast_in_dim3A_232, %get3A_299 : vector<16xf32>
        %min3A_302 = arith.minimumf %broadcast_in_dim3A_234, %max3A_301 : vector<16xf32>
        %max3A_303 = arith.maximumf %broadcast_in_dim3A_234, %max3A_301 : vector<16xf32>
        %min3A_304 = arith.minimumf %broadcast_in_dim3A_236, %max3A_303 : vector<16xf32>
        %max3A_305 = arith.maximumf %broadcast_in_dim3A_236, %max3A_303 : vector<16xf32>
        %min3A_306 = arith.minimumf %broadcast_in_dim3A_238, %max3A_305 : vector<16xf32>
        %max3A_307 = arith.maximumf %broadcast_in_dim3A_238, %max3A_305 : vector<16xf32>
        %min3A_308 = arith.minimumf %broadcast_in_dim3A_240, %max3A_307 : vector<16xf32>
        %max3A_309 = arith.maximumf %broadcast_in_dim3A_240, %max3A_307 : vector<16xf32>
        %get3A_310 = arith.constant 0 : i32
        %get3A_311 = arith.constant 0 : i32
        %get3A_312 = arith.constant 0 : i32
        %get3A_313 = tpu.memref_slice %run_scoped3A[%rem3A_199, %get3A_311, %get3A_312] : memref<2x1x2048xf32, #tpu.memory_space<vmem>> -> memref<1x1x2048xf32, #tpu.memory_space<vmem>>
        %get3A_314 = tpu.memref_squeeze %get3A_313 : memref<1x1x2048xf32, #tpu.memory_space<vmem>> -> memref<1x2048xf32, #tpu.memory_space<vmem>>
        %get3A_315 = arith.index_cast %get3A_310 : i32 to index
        %get3A_316 = arith.constant 64 : index
        %get3A_317 = tpu.vector_load %get3A_314[%get3A_315, %get3A_316] {strides = array<i32>} : memref<1x2048xf32, #tpu.memory_space<vmem>>, vector<16xf32>,
        %min3A_318 = arith.minimumf %min3A, %get3A_317 : vector<16xf32>
        %max3A_319 = arith.maximumf %min3A, %get3A_317 : vector<16xf32>
        %min3A_320 = arith.minimumf %min3A_248, %max3A_319 : vector<16xf32>
        %max3A_321 = arith.maximumf %min3A_248, %max3A_319 : vector<16xf32>
        %min3A_322 = arith.minimumf %min3A_250, %max3A_321 : vector<16xf32>
        %max3A_323 = arith.maximumf %min3A_250, %max3A_321 : vector<16xf32>
        %min3A_324 = arith.minimumf %min3A_252, %max3A_323 : vector<16xf32>
        %max3A_325 = arith.maximumf %min3A_252, %max3A_323 : vector<16xf32>
        %min3A_326 = arith.minimumf %min3A_254, %max3A_325 : vector<16xf32>
        %max3A_327 = arith.maximumf %min3A_254, %max3A_325 : vector<16xf32>
        %get3A_328 = arith.constant 0 : i32
        %get3A_329 = arith.constant 0 : i32
        %get3A_330 = arith.constant 0 : i32
        %get3A_331 = tpu.memref_slice %run_scoped3A[%rem3A_199, %get3A_329, %get3A_330] : memref<2x1x2048xf32, #tpu.memory_space<vmem>> -> memref<1x1x2048xf32, #tpu.memory_space<vmem>>
        %get3A_332 = tpu.memref_squeeze %get3A_331 : memref<1x1x2048xf32, #tpu.memory_space<vmem>> -> memref<1x2048xf32, #tpu.memory_space<vmem>>
        %get3A_333 = arith.index_cast %get3A_328 : i32 to index
        %get3A_334 = arith.constant 80 : index
        %get3A_335 = tpu.vector_load %get3A_332[%get3A_333, %get3A_334] {strides = array<i32>} : memref<1x2048xf32, #tpu.memory_space<vmem>>, vector<16xf32>,
        %min3A_336 = arith.minimumf %min3A_264, %get3A_335 : vector<16xf32>
        %max3A_337 = arith.maximumf %min3A_264, %get3A_335 : vector<16xf32>
        %min3A_338 = arith.minimumf %min3A_266, %max3A_337 : vector<16xf32>
        %max3A_339 = arith.maximumf %min3A_266, %max3A_337 : vector<16xf32>
        %min3A_340 = arith.minimumf %min3A_268, %max3A_339 : vector<16xf32>
        %max3A_341 = arith.maximumf %min3A_268, %max3A_339 : vector<16xf32>
        %min3A_342 = arith.minimumf %min3A_270, %max3A_341 : vector<16xf32>
        %max3A_343 = arith.maximumf %min3A_270, %max3A_341 : vector<16xf32>
        %min3A_344 = arith.minimumf %min3A_272, %max3A_343 : vector<16xf32>
        %max3A_345 = arith.maximumf %min3A_272, %max3A_343 : vector<16xf32>
        %get3A_346 = arith.constant 0 : i32
        %get3A_347 = arith.constant 0 : i32
        %get3A_348 = arith.constant 0 : i32
        %get3A_349 = tpu.memref_slice %run_scoped3A[%rem3A_199, %get3A_347, %get3A_348] : memref<2x1x2048xf32, #tpu.memory_space<vmem>> -> memref<1x1x2048xf32, #tpu.memory_space<vmem>>
        %get3A_350 = tpu.memref_squeeze %get3A_349 : memref<1x1x2048xf32, #tpu.memory_space<vmem>> -> memref<1x2048xf32, #tpu.memory_space<vmem>>
        %get3A_351 = arith.index_cast %get3A_346 : i32 to index
        %get3A_352 = arith.constant 96 : index
        %get3A_353 = tpu.vector_load %get3A_350[%get3A_351, %get3A_352] {strides = array<i32>} : memref<1x2048xf32, #tpu.memory_space<vmem>>, vector<16xf32>,
        %min3A_354 = arith.minimumf %min3A_282, %get3A_353 : vector<16xf32>
        %max3A_355 = arith.maximumf %min3A_282, %get3A_353 : vector<16xf32>
        %min3A_356 = arith.minimumf %min3A_284, %max3A_355 : vector<16xf32>
        %max3A_357 = arith.maximumf %min3A_284, %max3A_355 : vector<16xf32>
        %min3A_358 = arith.minimumf %min3A_286, %max3A_357 : vector<16xf32>
        %max3A_359 = arith.maximumf %min3A_286, %max3A_357 : vector<16xf32>
        %min3A_360 = arith.minimumf %min3A_288, %max3A_359 : vector<16xf32>
        %max3A_361 = arith.maximumf %min3A_288, %max3A_359 : vector<16xf32>
        %min3A_362 = arith.minimumf %min3A_290, %max3A_361 : vector<16xf32>
        %max3A_363 = arith.maximumf %min3A_290, %max3A_361 : vector<16xf32>
        %get3A_364 = arith.constant 0 : i32
        %get3A_365 = arith.constant 0 : i32
        %get3A_366 = arith.constant 0 : i32
        %get3A_367 = tpu.memref_slice %run_scoped3A[%rem3A_199, %get3A_365, %get3A_366] : memref<2x1x2048xf32, #tpu.memory_space<vmem>> -> memref<1x1x2048xf32, #tpu.memory_space<vmem>>
        %get3A_368 = tpu.memref_squeeze %get3A_367 : memref<1x1x2048xf32, #tpu.memory_space<vmem>> -> memref<1x2048xf32, #tpu.memory_space<vmem>>
        %get3A_369 = arith.index_cast %get3A_364 : i32 to index
        %get3A_370 = arith.constant 112 : index
        %get3A_371 = tpu.vector_load %get3A_368[%get3A_369, %get3A_370] {strides = array<i32>} : memref<1x2048xf32, #tpu.memory_space<vmem>>, vector<16xf32>,
        %min3A_372 = arith.minimumf %min3A_300, %get3A_371 : vector<16xf32>
        %max3A_373 = arith.maximumf %min3A_300, %get3A_371 : vector<16xf32>
        %min3A_374 = arith.minimumf %min3A_302, %max3A_373 : vector<16xf32>
        %max3A_375 = arith.maximumf %min3A_302, %max3A_373 : vector<16xf32>
        %min3A_376 = arith.minimumf %min3A_304, %max3A_375 : vector<16xf32>
        %max3A_377 = arith.maximumf %min3A_304, %max3A_375 : vector<16xf32>
        %min3A_378 = arith.minimumf %min3A_306, %max3A_377 : vector<16xf32>
        %max3A_379 = arith.maximumf %min3A_306, %max3A_377 : vector<16xf32>
        %min3A_380 = arith.minimumf %min3A_308, %max3A_379 : vector<16xf32>
        %max3A_381 = arith.maximumf %min3A_308, %max3A_379 : vector<16xf32>
        %get3A_382 = arith.constant 0 : i32
        %get3A_383 = arith.constant 0 : i32
        %get3A_384 = arith.constant 0 : i32
        %get3A_385 = tpu.memref_slice %run_scoped3A[%rem3A_199, %get3A_383, %get3A_384] : memref<2x1x2048xf32, #tpu.memory_space<vmem>> -> memref<1x1x2048xf32, #tpu.memory_space<vmem>>
        %get3A_386 = tpu.memref_squeeze %get3A_385 : memref<1x1x2048xf32, #tpu.memory_space<vmem>> -> memref<1x2048xf32, #tpu.memory_space<vmem>>
        %get3A_387 = arith.index_cast %get3A_382 : i32 to index
        %get3A_388 = arith.constant 128 : index
        %get3A_389 = tpu.vector_load %get3A_386[%get3A_387, %get3A_388] {strides = array<i32>} : memref<1x2048xf32, #tpu.memory_space<vmem>>, vector<16xf32>,
        %min3A_390 = arith.minimumf %min3A_318, %get3A_389 : vector<16xf32>
        %max3A_391 = arith.maximumf %min3A_318, %get3A_389 : vector<16xf32>
        %min3A_392 = arith.minimumf %min3A_320, %max3A_391 : vector<16xf32>
        %max3A_393 = arith.maximumf %min3A_320, %max3A_391 : vector<16xf32>
        %min3A_394 = arith.minimumf %min3A_322, %max3A_393 : vector<16xf32>
        %max3A_395 = arith.maximumf %min3A_322, %max3A_393 : vector<16xf32>
        %min3A_396 = arith.minimumf %min3A_324, %max3A_395 : vector<16xf32>
        %max3A_397 = arith.maximumf %min3A_324, %max3A_395 : vector<16xf32>
        %min3A_398 = arith.minimumf %min3A_326, %max3A_397 : vector<16xf32>
        %max3A_399 = arith.maximumf %min3A_326, %max3A_397 : vector<16xf32>
        %get3A_400 = arith.constant 0 : i32
        %get3A_401 = arith.constant 0 : i32
        %get3A_402 = arith.constant 0 : i32
        %get3A_403 = tpu.memref_slice %run_scoped3A[%rem3A_199, %get3A_401, %get3A_402] : memref<2x1x2048xf32, #tpu.memory_space<vmem>> -> memref<1x1x2048xf32, #tpu.memory_space<vmem>>
        %get3A_404 = tpu.memref_squeeze %get3A_403 : memref<1x1x2048xf32, #tpu.memory_space<vmem>> -> memref<1x2048xf32, #tpu.memory_space<vmem>>
        %get3A_405 = arith.index_cast %get3A_400 : i32 to index
        %get3A_406 = arith.constant 144 : index
        %get3A_407 = tpu.vector_load %get3A_404[%get3A_405, %get3A_406] {strides = array<i32>} : memref<1x2048xf32, #tpu.memory_space<vmem>>, vector<16xf32>,
        %min3A_408 = arith.minimumf %min3A_336, %get3A_407 : vector<16xf32>
        %max3A_409 = arith.maximumf %min3A_336, %get3A_407 : vector<16xf32>
        %min3A_410 = arith.minimumf %min3A_338, %max3A_409 : vector<16xf32>
        %max3A_411 = arith.maximumf %min3A_338, %max3A_409 : vector<16xf32>
        %min3A_412 = arith.minimumf %min3A_340, %max3A_411 : vector<16xf32>
        %max3A_413 = arith.maximumf %min3A_340, %max3A_411 : vector<16xf32>
        %min3A_414 = arith.minimumf %min3A_342, %max3A_413 : vector<16xf32>
        %max3A_415 = arith.maximumf %min3A_342, %max3A_413 : vector<16xf32>
        %min3A_416 = arith.minimumf %min3A_344, %max3A_415 : vector<16xf32>
        %max3A_417 = arith.maximumf %min3A_344, %max3A_415 : vector<16xf32>
        %get3A_418 = arith.constant 0 : i32
        %get3A_419 = arith.constant 0 : i32
        %get3A_420 = arith.constant 0 : i32
        %get3A_421 = tpu.memref_slice %run_scoped3A[%rem3A_199, %get3A_419, %get3A_420] : memref<2x1x2048xf32, #tpu.memory_space<vmem>> -> memref<1x1x2048xf32, #tpu.memory_space<vmem>>
        %get3A_422 = tpu.memref_squeeze %get3A_421 : memref<1x1x2048xf32, #tpu.memory_space<vmem>> -> memref<1x2048xf32, #tpu.memory_space<vmem>>
        %get3A_423 = arith.index_cast %get3A_418 : i32 to index
        %get3A_424 = arith.constant 160 : index
        %get3A_425 = tpu.vector_load %get3A_422[%get3A_423, %get3A_424] {strides = array<i32>} : memref<1x2048xf32, #tpu.memory_space<vmem>>, vector<16xf32>,
        %min3A_426 = arith.minimumf %min3A_354, %get3A_425 : vector<16xf32>
        %max3A_427 = arith.maximumf %min3A_354, %get3A_425 : vector<16xf32>
        %min3A_428 = arith.minimumf %min3A_356, %max3A_427 : vector<16xf32>
        %max3A_429 = arith.maximumf %min3A_356, %max3A_427 : vector<16xf32>
        %min3A_430 = arith.minimumf %min3A_358, %max3A_429 : vector<16xf32>
        %max3A_431 = arith.maximumf %min3A_358, %max3A_429 : vector<16xf32>
        %min3A_432 = arith.minimumf %min3A_360, %max3A_431 : vector<16xf32>
        %max3A_433 = arith.maximumf %min3A_360, %max3A_431 : vector<16xf32>
        %min3A_434 = arith.minimumf %min3A_362, %max3A_433 : vector<16xf32>
        %max3A_435 = arith.maximumf %min3A_362, %max3A_433 : vector<16xf32>
        %get3A_436 = arith.constant 0 : i32
        %get3A_437 = arith.constant 0 : i32
        %get3A_438 = arith.constant 0 : i32
        %get3A_439 = tpu.memref_slice %run_scoped3A[%rem3A_199, %get3A_437, %get3A_438] : memref<2x1x2048xf32, #tpu.memory_space<vmem>> -> memref<1x1x2048xf32, #tpu.memory_space<vmem>>
        %get3A_440 = tpu.memref_squeeze %get3A_439 : memref<1x1x2048xf32, #tpu.memory_space<vmem>> -> memref<1x2048xf32, #tpu.memory_space<vmem>>
        %get3A_441 = arith.index_cast %get3A_436 : i32 to index
        %get3A_442 = arith.constant 176 : index
        %get3A_443 = tpu.vector_load %get3A_440[%get3A_441, %get3A_442] {strides = array<i32>} : memref<1x2048xf32, #tpu.memory_space<vmem>>, vector<16xf32>,
        %min3A_444 = arith.minimumf %min3A_372, %get3A_443 : vector<16xf32>
        %max3A_445 = arith.maximumf %min3A_372, %get3A_443 : vector<16xf32>
        %min3A_446 = arith.minimumf %min3A_374, %max3A_445 : vector<16xf32>
        %max3A_447 = arith.maximumf %min3A_374, %max3A_445 : vector<16xf32>
        %min3A_448 = arith.minimumf %min3A_376, %max3A_447 : vector<16xf32>
        %max3A_449 = arith.maximumf %min3A_376, %max3A_447 : vector<16xf32>
        %min3A_450 = arith.minimumf %min3A_378, %max3A_449 : vector<16xf32>
        %max3A_451 = arith.maximumf %min3A_378, %max3A_449 : vector<16xf32>
        %min3A_452 = arith.minimumf %min3A_380, %max3A_451 : vector<16xf32>
        %max3A_453 = arith.maximumf %min3A_380, %max3A_451 : vector<16xf32>
        %get3A_454 = arith.constant 0 : i32
        %get3A_455 = arith.constant 0 : i32
        %get3A_456 = arith.constant 0 : i32
        %get3A_457 = tpu.memref_slice %run_scoped3A[%rem3A_199, %get3A_455, %get3A_456] : memref<2x1x2048xf32, #tpu.memory_space<vmem>> -> memref<1x1x2048xf32, #tpu.memory_space<vmem>>
        %get3A_458 = tpu.memref_squeeze %get3A_457 : memref<1x1x2048xf32, #tpu.memory_space<vmem>> -> memref<1x2048xf32, #tpu.memory_space<vmem>>
        %get3A_459 = arith.index_cast %get3A_454 : i32 to index
        %get3A_460 = arith.constant 192 : index
        %get3A_461 = tpu.vector_load %get3A_458[%get3A_459, %get3A_460] {strides = array<i32>} : memref<1x2048xf32, #tpu.memory_space<vmem>>, vector<16xf32>,
        %min3A_462 = arith.minimumf %min3A_390, %get3A_461 : vector<16xf32>
        %max3A_463 = arith.maximumf %min3A_390, %get3A_461 : vector<16xf32>
        %min3A_464 = arith.minimumf %min3A_392, %max3A_463 : vector<16xf32>
        %max3A_465 = arith.maximumf %min3A_392, %max3A_463 : vector<16xf32>
        %min3A_466 = arith.minimumf %min3A_394, %max3A_465 : vector<16xf32>
        %max3A_467 = arith.maximumf %min3A_394, %max3A_465 : vector<16xf32>
        %min3A_468 = arith.minimumf %min3A_396, %max3A_467 : vector<16xf32>
        %max3A_469 = arith.maximumf %min3A_396, %max3A_467 : vector<16xf32>
        %min3A_470 = arith.minimumf %min3A_398, %max3A_469 : vector<16xf32>
        %max3A_471 = arith.maximumf %min3A_398, %max3A_469 : vector<16xf32>
        %get3A_472 = arith.constant 0 : i32
        %get3A_473 = arith.constant 0 : i32
        %get3A_474 = arith.constant 0 : i32
        %get3A_475 = tpu.memref_slice %run_scoped3A[%rem3A_199, %get3A_473, %get3A_474] : memref<2x1x2048xf32, #tpu.memory_space<vmem>> -> memref<1x1x2048xf32, #tpu.memory_space<vmem>>
        %get3A_476 = tpu.memref_squeeze %get3A_475 : memref<1x1x2048xf32, #tpu.memory_space<vmem>> -> memref<1x2048xf32, #tpu.memory_space<vmem>>
        %get3A_477 = arith.index_cast %get3A_472 : i32 to index
        %get3A_478 = arith.constant 208 : index
        %get3A_479 = tpu.vector_load %get3A_476[%get3A_477, %get3A_478] {strides = array<i32>} : memref<1x2048xf32, #tpu.memory_space<vmem>>, vector<16xf32>,
        %min3A_480 = arith.minimumf %min3A_408, %get3A_479 : vector<16xf32>
        %max3A_481 = arith.maximumf %min3A_408, %get3A_479 : vector<16xf32>
        %min3A_482 = arith.minimumf %min3A_410, %max3A_481 : vector<16xf32>
        %max3A_483 = arith.maximumf %min3A_410, %max3A_481 : vector<16xf32>
        %min3A_484 = arith.minimumf %min3A_412, %max3A_483 : vector<16xf32>
        %max3A_485 = arith.maximumf %min3A_412, %max3A_483 : vector<16xf32>
        %min3A_486 = arith.minimumf %min3A_414, %max3A_485 : vector<16xf32>
        %max3A_487 = arith.maximumf %min3A_414, %max3A_485 : vector<16xf32>
        %min3A_488 = arith.minimumf %min3A_416, %max3A_487 : vector<16xf32>
        %max3A_489 = arith.maximumf %min3A_416, %max3A_487 : vector<16xf32>
        %get3A_490 = arith.constant 0 : i32
        %get3A_491 = arith.constant 0 : i32
        %get3A_492 = arith.constant 0 : i32
        %get3A_493 = tpu.memref_slice %run_scoped3A[%rem3A_199, %get3A_491, %get3A_492] : memref<2x1x2048xf32, #tpu.memory_space<vmem>> -> memref<1x1x2048xf32, #tpu.memory_space<vmem>>
        %get3A_494 = tpu.memref_squeeze %get3A_493 : memref<1x1x2048xf32, #tpu.memory_space<vmem>> -> memref<1x2048xf32, #tpu.memory_space<vmem>>
        %get3A_495 = arith.index_cast %get3A_490 : i32 to index
        %get3A_496 = arith.constant 224 : index
        %get3A_497 = tpu.vector_load %get3A_494[%get3A_495, %get3A_496] {strides = array<i32>} : memref<1x2048xf32, #tpu.memory_space<vmem>>, vector<16xf32>,
        %min3A_498 = arith.minimumf %min3A_426, %get3A_497 : vector<16xf32>
        %max3A_499 = arith.maximumf %min3A_426, %get3A_497 : vector<16xf32>
        %min3A_500 = arith.minimumf %min3A_428, %max3A_499 : vector<16xf32>
        %max3A_501 = arith.maximumf %min3A_428, %max3A_499 : vector<16xf32>
        %min3A_502 = arith.minimumf %min3A_430, %max3A_501 : vector<16xf32>
        %max3A_503 = arith.maximumf %min3A_430, %max3A_501 : vector<16xf32>
        %min3A_504 = arith.minimumf %min3A_432, %max3A_503 : vector<16xf32>
        %max3A_505 = arith.maximumf %min3A_432, %max3A_503 : vector<16xf32>
        %min3A_506 = arith.minimumf %min3A_434, %max3A_505 : vector<16xf32>
        %max3A_507 = arith.maximumf %min3A_434, %max3A_505 : vector<16xf32>
        %get3A_508 = arith.constant 0 : i32
        %get3A_509 = arith.constant 0 : i32
        %get3A_510 = arith.constant 0 : i32
        %get3A_511 = tpu.memref_slice %run_scoped3A[%rem3A_199, %get3A_509, %get3A_510] : memref<2x1x2048xf32, #tpu.memory_space<vmem>> -> memref<1x1x2048xf32, #tpu.memory_space<vmem>>
        %get3A_512 = tpu.memref_squeeze %get3A_511 : memref<1x1x2048xf32, #tpu.memory_space<vmem>> -> memref<1x2048xf32, #tpu.memory_space<vmem>>
        %get3A_513 = arith.index_cast %get3A_508 : i32 to index
        %get3A_514 = arith.constant 240 : index
        %get3A_515 = tpu.vector_load %get3A_512[%get3A_513, %get3A_514] {strides = array<i32>} : memref<1x2048xf32, #tpu.memory_space<vmem>>, vector<16xf32>,
        %min3A_516 = arith.minimumf %min3A_444, %get3A_515 : vector<16xf32>
        %max3A_517 = arith.maximumf %min3A_444, %get3A_515 : vector<16xf32>
        %min3A_518 = arith.minimumf %min3A_446, %max3A_517 : vector<16xf32>
        %max3A_519 = arith.maximumf %min3A_446, %max3A_517 : vector<16xf32>
        %min3A_520 = arith.minimumf %min3A_448, %max3A_519 : vector<16xf32>
        %max3A_521 = arith.maximumf %min3A_448, %max3A_519 : vector<16xf32>
        %min3A_522 = arith.minimumf %min3A_450, %max3A_521 : vector<16xf32>
        %max3A_523 = arith.maximumf %min3A_450, %max3A_521 : vector<16xf32>
        %min3A_524 = arith.minimumf %min3A_452, %max3A_523 : vector<16xf32>
        %max3A_525 = arith.maximumf %min3A_452, %max3A_523 : vector<16xf32>
        %get3A_526 = arith.constant 0 : i32
        %get3A_527 = arith.constant 0 : i32
        %get3A_528 = arith.constant 0 : i32
        %get3A_529 = tpu.memref_slice %run_scoped3A[%rem3A_199, %get3A_527, %get3A_528] : memref<2x1x2048xf32, #tpu.memory_space<vmem>> -> memref<1x1x2048xf32, #tpu.memory_space<vmem>>
        %get3A_530 = tpu.memref_squeeze %get3A_529 : memref<1x1x2048xf32, #tpu.memory_space<vmem>> -> memref<1x2048xf32, #tpu.memory_space<vmem>>
        %get3A_531 = arith.index_cast %get3A_526 : i32 to index
        %get3A_532 = arith.constant 256 : index
        %get3A_533 = tpu.vector_load %get3A_530[%get3A_531, %get3A_532] {strides = array<i32>} : memref<1x2048xf32, #tpu.memory_space<vmem>>, vector<16xf32>,
        %min3A_534 = arith.minimumf %min3A_462, %get3A_533 : vector<16xf32>
        %max3A_535 = arith.maximumf %min3A_462, %get3A_533 : vector<16xf32>
        %min3A_536 = arith.minimumf %min3A_464, %max3A_535 : vector<16xf32>
        %max3A_537 = arith.maximumf %min3A_464, %max3A_535 : vector<16xf32>
        %min3A_538 = arith.minimumf %min3A_466, %max3A_537 : vector<16xf32>
        %max3A_539 = arith.maximumf %min3A_466, %max3A_537 : vector<16xf32>
        %min3A_540 = arith.minimumf %min3A_468, %max3A_539 : vector<16xf32>
        %max3A_541 = arith.maximumf %min3A_468, %max3A_539 : vector<16xf32>
        %min3A_542 = arith.minimumf %min3A_470, %max3A_541 : vector<16xf32>
        %max3A_543 = arith.maximumf %min3A_470, %max3A_541 : vector<16xf32>
        %get3A_544 = arith.constant 0 : i32
        %get3A_545 = arith.constant 0 : i32
        %get3A_546 = arith.constant 0 : i32
        %get3A_547 = tpu.memref_slice %run_scoped3A[%rem3A_199, %get3A_545, %get3A_546] : memref<2x1x2048xf32, #tpu.memory_space<vmem>> -> memref<1x1x2048xf32, #tpu.memory_space<vmem>>
        %get3A_548 = tpu.memref_squeeze %get3A_547 : memref<1x1x2048xf32, #tpu.memory_space<vmem>> -> memref<1x2048xf32, #tpu.memory_space<vmem>>
        %get3A_549 = arith.index_cast %get3A_544 : i32 to index
        %get3A_550 = arith.constant 272 : index
        %get3A_551 = tpu.vector_load %get3A_548[%get3A_549, %get3A_550] {strides = array<i32>} : memref<1x2048xf32, #tpu.memory_space<vmem>>, vector<16xf32>,
        %min3A_552 = arith.minimumf %min3A_480, %get3A_551 : vector<16xf32>
        %max3A_553 = arith.maximumf %min3A_480, %get3A_551 : vector<16xf32>
        %min3A_554 = arith.minimumf %min3A_482, %max3A_553 : vector<16xf32>
        %max3A_555 = arith.maximumf %min3A_482, %max3A_553 : vector<16xf32>
        %min3A_556 = arith.minimumf %min3A_484, %max3A_555 : vector<16xf32>
        %max3A_557 = arith.maximumf %min3A_484, %max3A_555 : vector<16xf32>
        %min3A_558 = arith.minimumf %min3A_486, %max3A_557 : vector<16xf32>
        %max3A_559 = arith.maximumf %min3A_486, %max3A_557 : vector<16xf32>
        %min3A_560 = arith.minimumf %min3A_488, %max3A_559 : vector<16xf32>
        %max3A_561 = arith.maximumf %min3A_488, %max3A_559 : vector<16xf32>
        %get3A_562 = arith.constant 0 : i32
        %get3A_563 = arith.constant 0 : i32
        %get3A_564 = arith.constant 0 : i32
        %get3A_565 = tpu.memref_slice %run_scoped3A[%rem3A_199, %get3A_563, %get3A_564] : memref<2x1x2048xf32, #tpu.memory_space<vmem>> -> memref<1x1x2048xf32, #tpu.memory_space<vmem>>
        %get3A_566 = tpu.memref_squeeze %get3A_565 : memref<1x1x2048xf32, #tpu.memory_space<vmem>> -> memref<1x2048xf32, #tpu.memory_space<vmem>>
        %get3A_567 = arith.index_cast %get3A_562 : i32 to index
        %get3A_568 = arith.constant 288 : index
        %get3A_569 = tpu.vector_load %get3A_566[%get3A_567, %get3A_568] {strides = array<i32>} : memref<1x2048xf32, #tpu.memory_space<vmem>>, vector<16xf32>,
        %min3A_570 = arith.minimumf %min3A_498, %get3A_569 : vector<16xf32>
        %max3A_571 = arith.maximumf %min3A_498, %get3A_569 : vector<16xf32>
        %min3A_572 = arith.minimumf %min3A_500, %max3A_571 : vector<16xf32>
        %max3A_573 = arith.maximumf %min3A_500, %max3A_571 : vector<16xf32>
        %min3A_574 = arith.minimumf %min3A_502, %max3A_573 : vector<16xf32>
        %max3A_575 = arith.maximumf %min3A_502, %max3A_573 : vector<16xf32>
        %min3A_576 = arith.minimumf %min3A_504, %max3A_575 : vector<16xf32>
        %max3A_577 = arith.maximumf %min3A_504, %max3A_575 : vector<16xf32>
        %min3A_578 = arith.minimumf %min3A_506, %max3A_577 : vector<16xf32>
        %max3A_579 = arith.maximumf %min3A_506, %max3A_577 : vector<16xf32>
        %get3A_580 = arith.constant 0 : i32
        %get3A_581 = arith.constant 0 : i32
        %get3A_582 = arith.constant 0 : i32
        %get3A_583 = tpu.memref_slice %run_scoped3A[%rem3A_199, %get3A_581, %get3A_582] : memref<2x1x2048xf32, #tpu.memory_space<vmem>> -> memref<1x1x2048xf32, #tpu.memory_space<vmem>>
        %get3A_584 = tpu.memref_squeeze %get3A_583 : memref<1x1x2048xf32, #tpu.memory_space<vmem>> -> memref<1x2048xf32, #tpu.memory_space<vmem>>
        %get3A_585 = arith.index_cast %get3A_580 : i32 to index
        %get3A_586 = arith.constant 304 : index
        %get3A_587 = tpu.vector_load %get3A_584[%get3A_585, %get3A_586] {strides = array<i32>} : memref<1x2048xf32, #tpu.memory_space<vmem>>, vector<16xf32>,
        %min3A_588 = arith.minimumf %min3A_516, %get3A_587 : vector<16xf32>
        %max3A_589 = arith.maximumf %min3A_516, %get3A_587 : vector<16xf32>
        %min3A_590 = arith.minimumf %min3A_518, %max3A_589 : vector<16xf32>
        %max3A_591 = arith.maximumf %min3A_518, %max3A_589 : vector<16xf32>
        %min3A_592 = arith.minimumf %min3A_520, %max3A_591 : vector<16xf32>
        %max3A_593 = arith.maximumf %min3A_520, %max3A_591 : vector<16xf32>
        %min3A_594 = arith.minimumf %min3A_522, %max3A_593 : vector<16xf32>
        %max3A_595 = arith.maximumf %min3A_522, %max3A_593 : vector<16xf32>
        %min3A_596 = arith.minimumf %min3A_524, %max3A_595 : vector<16xf32>
        %max3A_597 = arith.maximumf %min3A_524, %max3A_595 : vector<16xf32>
        %get3A_598 = arith.constant 0 : i32
        %get3A_599 = arith.constant 0 : i32
        %get3A_600 = arith.constant 0 : i32
        %get3A_601 = tpu.memref_slice %run_scoped3A[%rem3A_199, %get3A_599, %get3A_600] : memref<2x1x2048xf32, #tpu.memory_space<vmem>> -> memref<1x1x2048xf32, #tpu.memory_space<vmem>>
        %get3A_602 = tpu.memref_squeeze %get3A_601 : memref<1x1x2048xf32, #tpu.memory_space<vmem>> -> memref<1x2048xf32, #tpu.memory_space<vmem>>
        %get3A_603 = arith.index_cast %get3A_598 : i32 to index
        %get3A_604 = arith.constant 320 : index
        %get3A_605 = tpu.vector_load %get3A_602[%get3A_603, %get3A_604] {strides = array<i32>} : memref<1x2048xf32, #tpu.memory_space<vmem>>, vector<16xf32>,
        %min3A_606 = arith.minimumf %min3A_534, %get3A_605 : vector<16xf32>
        %max3A_607 = arith.maximumf %min3A_534, %get3A_605 : vector<16xf32>
        %min3A_608 = arith.minimumf %min3A_536, %max3A_607 : vector<16xf32>
        %max3A_609 = arith.maximumf %min3A_536, %max3A_607 : vector<16xf32>
        %min3A_610 = arith.minimumf %min3A_538, %max3A_609 : vector<16xf32>
        %max3A_611 = arith.maximumf %min3A_538, %max3A_609 : vector<16xf32>
        %min3A_612 = arith.minimumf %min3A_540, %max3A_611 : vector<16xf32>
        %max3A_613 = arith.maximumf %min3A_540, %max3A_611 : vector<16xf32>
        %min3A_614 = arith.minimumf %min3A_542, %max3A_613 : vector<16xf32>
        %max3A_615 = arith.maximumf %min3A_542, %max3A_613 : vector<16xf32>
        %get3A_616 = arith.constant 0 : i32
        %get3A_617 = arith.constant 0 : i32
        %get3A_618 = arith.constant 0 : i32
        %get3A_619 = tpu.memref_slice %run_scoped3A[%rem3A_199, %get3A_617, %get3A_618] : memref<2x1x2048xf32, #tpu.memory_space<vmem>> -> memref<1x1x2048xf32, #tpu.memory_space<vmem>>
        %get3A_620 = tpu.memref_squeeze %get3A_619 : memref<1x1x2048xf32, #tpu.memory_space<vmem>> -> memref<1x2048xf32, #tpu.memory_space<vmem>>
        %get3A_621 = arith.index_cast %get3A_616 : i32 to index
        %get3A_622 = arith.constant 336 : index
        %get3A_623 = tpu.vector_load %get3A_620[%get3A_621, %get3A_622] {strides = array<i32>} : memref<1x2048xf32, #tpu.memory_space<vmem>>, vector<16xf32>,
        %min3A_624 = arith.minimumf %min3A_552, %get3A_623 : vector<16xf32>
        %max3A_625 = arith.maximumf %min3A_552, %get3A_623 : vector<16xf32>
        %min3A_626 = arith.minimumf %min3A_554, %max3A_625 : vector<16xf32>
        %max3A_627 = arith.maximumf %min3A_554, %max3A_625 : vector<16xf32>
        %min3A_628 = arith.minimumf %min3A_556, %max3A_627 : vector<16xf32>
        %max3A_629 = arith.maximumf %min3A_556, %max3A_627 : vector<16xf32>
        %min3A_630 = arith.minimumf %min3A_558, %max3A_629 : vector<16xf32>
        %max3A_631 = arith.maximumf %min3A_558, %max3A_629 : vector<16xf32>
        %min3A_632 = arith.minimumf %min3A_560, %max3A_631 : vector<16xf32>
        %max3A_633 = arith.maximumf %min3A_560, %max3A_631 : vector<16xf32>
        %get3A_634 = arith.constant 0 : i32
        %get3A_635 = arith.constant 0 : i32
        %get3A_636 = arith.constant 0 : i32
        %get3A_637 = tpu.memref_slice %run_scoped3A[%rem3A_199, %get3A_635, %get3A_636] : memref<2x1x2048xf32, #tpu.memory_space<vmem>> -> memref<1x1x2048xf32, #tpu.memory_space<vmem>>
        %get3A_638 = tpu.memref_squeeze %get3A_637 : memref<1x1x2048xf32, #tpu.memory_space<vmem>> -> memref<1x2048xf32, #tpu.memory_space<vmem>>
        %get3A_639 = arith.index_cast %get3A_634 : i32 to index
        %get3A_640 = arith.constant 352 : index
        %get3A_641 = tpu.vector_load %get3A_638[%get3A_639, %get3A_640] {strides = array<i32>} : memref<1x2048xf32, #tpu.memory_space<vmem>>, vector<16xf32>,
        %min3A_642 = arith.minimumf %min3A_570, %get3A_641 : vector<16xf32>
        %max3A_643 = arith.maximumf %min3A_570, %get3A_641 : vector<16xf32>
        %min3A_644 = arith.minimumf %min3A_572, %max3A_643 : vector<16xf32>
        %max3A_645 = arith.maximumf %min3A_572, %max3A_643 : vector<16xf32>
        %min3A_646 = arith.minimumf %min3A_574, %max3A_645 : vector<16xf32>
        %max3A_647 = arith.maximumf %min3A_574, %max3A_645 : vector<16xf32>
        %min3A_648 = arith.minimumf %min3A_576, %max3A_647 : vector<16xf32>
        %max3A_649 = arith.maximumf %min3A_576, %max3A_647 : vector<16xf32>
        %min3A_650 = arith.minimumf %min3A_578, %max3A_649 : vector<16xf32>
        %max3A_651 = arith.maximumf %min3A_578, %max3A_649 : vector<16xf32>
        %get3A_652 = arith.constant 0 : i32
        %get3A_653 = arith.constant 0 : i32
        %get3A_654 = arith.constant 0 : i32
        %get3A_655 = tpu.memref_slice %run_scoped3A[%rem3A_199, %get3A_653, %get3A_654] : memref<2x1x2048xf32, #tpu.memory_space<vmem>> -> memref<1x1x2048xf32, #tpu.memory_space<vmem>>
        %get3A_656 = tpu.memref_squeeze %get3A_655 : memref<1x1x2048xf32, #tpu.memory_space<vmem>> -> memref<1x2048xf32, #tpu.memory_space<vmem>>
        %get3A_657 = arith.index_cast %get3A_652 : i32 to index
        %get3A_658 = arith.constant 368 : index
        %get3A_659 = tpu.vector_load %get3A_656[%get3A_657, %get3A_658] {strides = array<i32>} : memref<1x2048xf32, #tpu.memory_space<vmem>>, vector<16xf32>,
        %min3A_660 = arith.minimumf %min3A_588, %get3A_659 : vector<16xf32>
        %max3A_661 = arith.maximumf %min3A_588, %get3A_659 : vector<16xf32>
        %min3A_662 = arith.minimumf %min3A_590, %max3A_661 : vector<16xf32>
        %max3A_663 = arith.maximumf %min3A_590, %max3A_661 : vector<16xf32>
        %min3A_664 = arith.minimumf %min3A_592, %max3A_663 : vector<16xf32>
        %max3A_665 = arith.maximumf %min3A_592, %max3A_663 : vector<16xf32>
        %min3A_666 = arith.minimumf %min3A_594, %max3A_665 : vector<16xf32>
        %max3A_667 = arith.maximumf %min3A_594, %max3A_665 : vector<16xf32>
        %min3A_668 = arith.minimumf %min3A_596, %max3A_667 : vector<16xf32>
        %max3A_669 = arith.maximumf %min3A_596, %max3A_667 : vector<16xf32>
        %get3A_670 = arith.constant 0 : i32
        %get3A_671 = arith.constant 0 : i32
        %get3A_672 = arith.constant 0 : i32
        %get3A_673 = tpu.memref_slice %run_scoped3A[%rem3A_199, %get3A_671, %get3A_672] : memref<2x1x2048xf32, #tpu.memory_space<vmem>> -> memref<1x1x2048xf32, #tpu.memory_space<vmem>>
        %get3A_674 = tpu.memref_squeeze %get3A_673 : memref<1x1x2048xf32, #tpu.memory_space<vmem>> -> memref<1x2048xf32, #tpu.memory_space<vmem>>
        %get3A_675 = arith.index_cast %get3A_670 : i32 to index
        %get3A_676 = arith.constant 384 : index
        %get3A_677 = tpu.vector_load %get3A_674[%get3A_675, %get3A_676] {strides = array<i32>} : memref<1x2048xf32, #tpu.memory_space<vmem>>, vector<16xf32>,
        %min3A_678 = arith.minimumf %min3A_606, %get3A_677 : vector<16xf32>
        %max3A_679 = arith.maximumf %min3A_606, %get3A_677 : vector<16xf32>
        %min3A_680 = arith.minimumf %min3A_608, %max3A_679 : vector<16xf32>
        %max3A_681 = arith.maximumf %min3A_608, %max3A_679 : vector<16xf32>
        %min3A_682 = arith.minimumf %min3A_610, %max3A_681 : vector<16xf32>
        %max3A_683 = arith.maximumf %min3A_610, %max3A_681 : vector<16xf32>
        %min3A_684 = arith.minimumf %min3A_612, %max3A_683 : vector<16xf32>
        %max3A_685 = arith.maximumf %min3A_612, %max3A_683 : vector<16xf32>
        %min3A_686 = arith.minimumf %min3A_614, %max3A_685 : vector<16xf32>
        %max3A_687 = arith.maximumf %min3A_614, %max3A_685 : vector<16xf32>
        %get3A_688 = arith.constant 0 : i32
        %get3A_689 = arith.constant 0 : i32
        %get3A_690 = arith.constant 0 : i32
        %get3A_691 = tpu.memref_slice %run_scoped3A[%rem3A_199, %get3A_689, %get3A_690] : memref<2x1x2048xf32, #tpu.memory_space<vmem>> -> memref<1x1x2048xf32, #tpu.memory_space<vmem>>
        %get3A_692 = tpu.memref_squeeze %get3A_691 : memref<1x1x2048xf32, #tpu.memory_space<vmem>> -> memref<1x2048xf32, #tpu.memory_space<vmem>>
        %get3A_693 = arith.index_cast %get3A_688 : i32 to index
        %get3A_694 = arith.constant 400 : index
        %get3A_695 = tpu.vector_load %get3A_692[%get3A_693, %get3A_694] {strides = array<i32>} : memref<1x2048xf32, #tpu.memory_space<vmem>>, vector<16xf32>,
        %min3A_696 = arith.minimumf %min3A_624, %get3A_695 : vector<16xf32>
        %max3A_697 = arith.maximumf %min3A_624, %get3A_695 : vector<16xf32>
        %min3A_698 = arith.minimumf %min3A_626, %max3A_697 : vector<16xf32>
        %max3A_699 = arith.maximumf %min3A_626, %max3A_697 : vector<16xf32>
        %min3A_700 = arith.minimumf %min3A_628, %max3A_699 : vector<16xf32>
        %max3A_701 = arith.maximumf %min3A_628, %max3A_699 : vector<16xf32>
        %min3A_702 = arith.minimumf %min3A_630, %max3A_701 : vector<16xf32>
        %max3A_703 = arith.maximumf %min3A_630, %max3A_701 : vector<16xf32>
        %min3A_704 = arith.minimumf %min3A_632, %max3A_703 : vector<16xf32>
        %max3A_705 = arith.maximumf %min3A_632, %max3A_703 : vector<16xf32>
        %get3A_706 = arith.constant 0 : i32
        %get3A_707 = arith.constant 0 : i32
        %get3A_708 = arith.constant 0 : i32
        %get3A_709 = tpu.memref_slice %run_scoped3A[%rem3A_199, %get3A_707, %get3A_708] : memref<2x1x2048xf32, #tpu.memory_space<vmem>> -> memref<1x1x2048xf32, #tpu.memory_space<vmem>>
        %get3A_710 = tpu.memref_squeeze %get3A_709 : memref<1x1x2048xf32, #tpu.memory_space<vmem>> -> memref<1x2048xf32, #tpu.memory_space<vmem>>
        %get3A_711 = arith.index_cast %get3A_706 : i32 to index
        %get3A_712 = arith.constant 416 : index
        %get3A_713 = tpu.vector_load %get3A_710[%get3A_711, %get3A_712] {strides = array<i32>} : memref<1x2048xf32, #tpu.memory_space<vmem>>, vector<16xf32>,
        %min3A_714 = arith.minimumf %min3A_642, %get3A_713 : vector<16xf32>
        %max3A_715 = arith.maximumf %min3A_642, %get3A_713 : vector<16xf32>
        %min3A_716 = arith.minimumf %min3A_644, %max3A_715 : vector<16xf32>
        %max3A_717 = arith.maximumf %min3A_644, %max3A_715 : vector<16xf32>
        %min3A_718 = arith.minimumf %min3A_646, %max3A_717 : vector<16xf32>
        %max3A_719 = arith.maximumf %min3A_646, %max3A_717 : vector<16xf32>
        %min3A_720 = arith.minimumf %min3A_648, %max3A_719 : vector<16xf32>
        %max3A_721 = arith.maximumf %min3A_648, %max3A_719 : vector<16xf32>
        %min3A_722 = arith.minimumf %min3A_650, %max3A_721 : vector<16xf32>
        %max3A_723 = arith.maximumf %min3A_650, %max3A_721 : vector<16xf32>
        %get3A_724 = arith.constant 0 : i32
        %get3A_725 = arith.constant 0 : i32
        %get3A_726 = arith.constant 0 : i32
        %get3A_727 = tpu.memref_slice %run_scoped3A[%rem3A_199, %get3A_725, %get3A_726] : memref<2x1x2048xf32, #tpu.memory_space<vmem>> -> memref<1x1x2048xf32, #tpu.memory_space<vmem>>
        %get3A_728 = tpu.memref_squeeze %get3A_727 : memref<1x1x2048xf32, #tpu.memory_space<vmem>> -> memref<1x2048xf32, #tpu.memory_space<vmem>>
        %get3A_729 = arith.index_cast %get3A_724 : i32 to index
        %get3A_730 = arith.constant 432 : index
        %get3A_731 = tpu.vector_load %get3A_728[%get3A_729, %get3A_730] {strides = array<i32>} : memref<1x2048xf32, #tpu.memory_space<vmem>>, vector<16xf32>,
        %min3A_732 = arith.minimumf %min3A_660, %get3A_731 : vector<16xf32>
        %max3A_733 = arith.maximumf %min3A_660, %get3A_731 : vector<16xf32>
        %min3A_734 = arith.minimumf %min3A_662, %max3A_733 : vector<16xf32>
        %max3A_735 = arith.maximumf %min3A_662, %max3A_733 : vector<16xf32>
        %min3A_736 = arith.minimumf %min3A_664, %max3A_735 : vector<16xf32>
        %max3A_737 = arith.maximumf %min3A_664, %max3A_735 : vector<16xf32>
        %min3A_738 = arith.minimumf %min3A_666, %max3A_737 : vector<16xf32>
        %max3A_739 = arith.maximumf %min3A_666, %max3A_737 : vector<16xf32>
        %min3A_740 = arith.minimumf %min3A_668, %max3A_739 : vector<16xf32>
        %max3A_741 = arith.maximumf %min3A_668, %max3A_739 : vector<16xf32>
        %get3A_742 = arith.constant 0 : i32
        %get3A_743 = arith.constant 0 : i32
        %get3A_744 = arith.constant 0 : i32
        %get3A_745 = tpu.memref_slice %run_scoped3A[%rem3A_199, %get3A_743, %get3A_744] : memref<2x1x2048xf32, #tpu.memory_space<vmem>> -> memref<1x1x2048xf32, #tpu.memory_space<vmem>>
        %get3A_746 = tpu.memref_squeeze %get3A_745 : memref<1x1x2048xf32, #tpu.memory_space<vmem>> -> memref<1x2048xf32, #tpu.memory_space<vmem>>
        %get3A_747 = arith.index_cast %get3A_742 : i32 to index
        %get3A_748 = arith.constant 448 : index
        %get3A_749 = tpu.vector_load %get3A_746[%get3A_747, %get3A_748] {strides = array<i32>} : memref<1x2048xf32, #tpu.memory_space<vmem>>, vector<16xf32>,
        %min3A_750 = arith.minimumf %min3A_678, %get3A_749 : vector<16xf32>
        %max3A_751 = arith.maximumf %min3A_678, %get3A_749 : vector<16xf32>
        %min3A_752 = arith.minimumf %min3A_680, %max3A_751 : vector<16xf32>
        %max3A_753 = arith.maximumf %min3A_680, %max3A_751 : vector<16xf32>
        %min3A_754 = arith.minimumf %min3A_682, %max3A_753 : vector<16xf32>
        %max3A_755 = arith.maximumf %min3A_682, %max3A_753 : vector<16xf32>
        %min3A_756 = arith.minimumf %min3A_684, %max3A_755 : vector<16xf32>
        %max3A_757 = arith.maximumf %min3A_684, %max3A_755 : vector<16xf32>
        %min3A_758 = arith.minimumf %min3A_686, %max3A_757 : vector<16xf32>
        %max3A_759 = arith.maximumf %min3A_686, %max3A_757 : vector<16xf32>
        %get3A_760 = arith.constant 0 : i32
        %get3A_761 = arith.constant 0 : i32
        %get3A_762 = arith.constant 0 : i32
        %get3A_763 = tpu.memref_slice %run_scoped3A[%rem3A_199, %get3A_761, %get3A_762] : memref<2x1x2048xf32, #tpu.memory_space<vmem>> -> memref<1x1x2048xf32, #tpu.memory_space<vmem>>
        %get3A_764 = tpu.memref_squeeze %get3A_763 : memref<1x1x2048xf32, #tpu.memory_space<vmem>> -> memref<1x2048xf32, #tpu.memory_space<vmem>>
        %get3A_765 = arith.index_cast %get3A_760 : i32 to index
        %get3A_766 = arith.constant 464 : index
        %get3A_767 = tpu.vector_load %get3A_764[%get3A_765, %get3A_766] {strides = array<i32>} : memref<1x2048xf32, #tpu.memory_space<vmem>>, vector<16xf32>,
        %min3A_768 = arith.minimumf %min3A_696, %get3A_767 : vector<16xf32>
        %max3A_769 = arith.maximumf %min3A_696, %get3A_767 : vector<16xf32>
        %min3A_770 = arith.minimumf %min3A_698, %max3A_769 : vector<16xf32>
        %max3A_771 = arith.maximumf %min3A_698, %max3A_769 : vector<16xf32>
        %min3A_772 = arith.minimumf %min3A_700, %max3A_771 : vector<16xf32>
        %max3A_773 = arith.maximumf %min3A_700, %max3A_771 : vector<16xf32>
        %min3A_774 = arith.minimumf %min3A_702, %max3A_773 : vector<16xf32>
        %max3A_775 = arith.maximumf %min3A_702, %max3A_773 : vector<16xf32>
        %min3A_776 = arith.minimumf %min3A_704, %max3A_775 : vector<16xf32>
        %max3A_777 = arith.maximumf %min3A_704, %max3A_775 : vector<16xf32>
        %get3A_778 = arith.constant 0 : i32
        %get3A_779 = arith.constant 0 : i32
        %get3A_780 = arith.constant 0 : i32
        %get3A_781 = tpu.memref_slice %run_scoped3A[%rem3A_199, %get3A_779, %get3A_780] : memref<2x1x2048xf32, #tpu.memory_space<vmem>> -> memref<1x1x2048xf32, #tpu.memory_space<vmem>>
        %get3A_782 = tpu.memref_squeeze %get3A_781 : memref<1x1x2048xf32, #tpu.memory_space<vmem>> -> memref<1x2048xf32, #tpu.memory_space<vmem>>
        %get3A_783 = arith.index_cast %get3A_778 : i32 to index
        %get3A_784 = arith.constant 480 : index
        %get3A_785 = tpu.vector_load %get3A_782[%get3A_783, %get3A_784] {strides = array<i32>} : memref<1x2048xf32, #tpu.memory_space<vmem>>, vector<16xf32>,
        %min3A_786 = arith.minimumf %min3A_714, %get3A_785 : vector<16xf32>
        %max3A_787 = arith.maximumf %min3A_714, %get3A_785 : vector<16xf32>
        %min3A_788 = arith.minimumf %min3A_716, %max3A_787 : vector<16xf32>
        %max3A_789 = arith.maximumf %min3A_716, %max3A_787 : vector<16xf32>
        %min3A_790 = arith.minimumf %min3A_718, %max3A_789 : vector<16xf32>
        %max3A_791 = arith.maximumf %min3A_718, %max3A_789 : vector<16xf32>
        %min3A_792 = arith.minimumf %min3A_720, %max3A_791 : vector<16xf32>
        %max3A_793 = arith.maximumf %min3A_720, %max3A_791 : vector<16xf32>
        %min3A_794 = arith.minimumf %min3A_722, %max3A_793 : vector<16xf32>
        %max3A_795 = arith.maximumf %min3A_722, %max3A_793 : vector<16xf32>
        %get3A_796 = arith.constant 0 : i32
        %get3A_797 = arith.constant 0 : i32
        %get3A_798 = arith.constant 0 : i32
        %get3A_799 = tpu.memref_slice %run_scoped3A[%rem3A_199, %get3A_797, %get3A_798] : memref<2x1x2048xf32, #tpu.memory_space<vmem>> -> memref<1x1x2048xf32, #tpu.memory_space<vmem>>
        %get3A_800 = tpu.memref_squeeze %get3A_799 : memref<1x1x2048xf32, #tpu.memory_space<vmem>> -> memref<1x2048xf32, #tpu.memory_space<vmem>>
        %get3A_801 = arith.index_cast %get3A_796 : i32 to index
        %get3A_802 = arith.constant 496 : index
        %get3A_803 = tpu.vector_load %get3A_800[%get3A_801, %get3A_802] {strides = array<i32>} : memref<1x2048xf32, #tpu.memory_space<vmem>>, vector<16xf32>,
        %min3A_804 = arith.minimumf %min3A_732, %get3A_803 : vector<16xf32>
        %max3A_805 = arith.maximumf %min3A_732, %get3A_803 : vector<16xf32>
        %min3A_806 = arith.minimumf %min3A_734, %max3A_805 : vector<16xf32>
        %max3A_807 = arith.maximumf %min3A_734, %max3A_805 : vector<16xf32>
        %min3A_808 = arith.minimumf %min3A_736, %max3A_807 : vector<16xf32>
        %max3A_809 = arith.maximumf %min3A_736, %max3A_807 : vector<16xf32>
        %min3A_810 = arith.minimumf %min3A_738, %max3A_809 : vector<16xf32>
        %max3A_811 = arith.maximumf %min3A_738, %max3A_809 : vector<16xf32>
        %min3A_812 = arith.minimumf %min3A_740, %max3A_811 : vector<16xf32>
        %max3A_813 = arith.maximumf %min3A_740, %max3A_811 : vector<16xf32>
        %get3A_814 = arith.constant 0 : i32
        %get3A_815 = arith.constant 0 : i32
        %get3A_816 = arith.constant 0 : i32
        %get3A_817 = tpu.memref_slice %run_scoped3A[%rem3A_199, %get3A_815, %get3A_816] : memref<2x1x2048xf32, #tpu.memory_space<vmem>> -> memref<1x1x2048xf32, #tpu.memory_space<vmem>>
        %get3A_818 = tpu.memref_squeeze %get3A_817 : memref<1x1x2048xf32, #tpu.memory_space<vmem>> -> memref<1x2048xf32, #tpu.memory_space<vmem>>
        %get3A_819 = arith.index_cast %get3A_814 : i32 to index
        %get3A_820 = arith.constant 512 : index
        %get3A_821 = tpu.vector_load %get3A_818[%get3A_819, %get3A_820] {strides = array<i32>} : memref<1x2048xf32, #tpu.memory_space<vmem>>, vector<16xf32>,
        %min3A_822 = arith.minimumf %min3A_750, %get3A_821 : vector<16xf32>
        %max3A_823 = arith.maximumf %min3A_750, %get3A_821 : vector<16xf32>
        %min3A_824 = arith.minimumf %min3A_752, %max3A_823 : vector<16xf32>
        %max3A_825 = arith.maximumf %min3A_752, %max3A_823 : vector<16xf32>
        %min3A_826 = arith.minimumf %min3A_754, %max3A_825 : vector<16xf32>
        %max3A_827 = arith.maximumf %min3A_754, %max3A_825 : vector<16xf32>
        %min3A_828 = arith.minimumf %min3A_756, %max3A_827 : vector<16xf32>
        %max3A_829 = arith.maximumf %min3A_756, %max3A_827 : vector<16xf32>
        %min3A_830 = arith.minimumf %min3A_758, %max3A_829 : vector<16xf32>
        %max3A_831 = arith.maximumf %min3A_758, %max3A_829 : vector<16xf32>
        %get3A_832 = arith.constant 0 : i32
        %get3A_833 = arith.constant 0 : i32
        %get3A_834 = arith.constant 0 : i32
        %get3A_835 = tpu.memref_slice %run_scoped3A[%rem3A_199, %get3A_833, %get3A_834] : memref<2x1x2048xf32, #tpu.memory_space<vmem>> -> memref<1x1x2048xf32, #tpu.memory_space<vmem>>
        %get3A_836 = tpu.memref_squeeze %get3A_835 : memref<1x1x2048xf32, #tpu.memory_space<vmem>> -> memref<1x2048xf32, #tpu.memory_space<vmem>>
        %get3A_837 = arith.index_cast %get3A_832 : i32 to index
        %get3A_838 = arith.constant 528 : index
        %get3A_839 = tpu.vector_load %get3A_836[%get3A_837, %get3A_838] {strides = array<i32>} : memref<1x2048xf32, #tpu.memory_space<vmem>>, vector<16xf32>,
        %min3A_840 = arith.minimumf %min3A_768, %get3A_839 : vector<16xf32>
        %max3A_841 = arith.maximumf %min3A_768, %get3A_839 : vector<16xf32>
        %min3A_842 = arith.minimumf %min3A_770, %max3A_841 : vector<16xf32>
        %max3A_843 = arith.maximumf %min3A_770, %max3A_841 : vector<16xf32>
        %min3A_844 = arith.minimumf %min3A_772, %max3A_843 : vector<16xf32>
        %max3A_845 = arith.maximumf %min3A_772, %max3A_843 : vector<16xf32>
        %min3A_846 = arith.minimumf %min3A_774, %max3A_845 : vector<16xf32>
        %max3A_847 = arith.maximumf %min3A_774, %max3A_845 : vector<16xf32>
        %min3A_848 = arith.minimumf %min3A_776, %max3A_847 : vector<16xf32>
        %max3A_849 = arith.maximumf %min3A_776, %max3A_847 : vector<16xf32>
        %get3A_850 = arith.constant 0 : i32
        %get3A_851 = arith.constant 0 : i32
        %get3A_852 = arith.constant 0 : i32
        %get3A_853 = tpu.memref_slice %run_scoped3A[%rem3A_199, %get3A_851, %get3A_852] : memref<2x1x2048xf32, #tpu.memory_space<vmem>> -> memref<1x1x2048xf32, #tpu.memory_space<vmem>>
        %get3A_854 = tpu.memref_squeeze %get3A_853 : memref<1x1x2048xf32, #tpu.memory_space<vmem>> -> memref<1x2048xf32, #tpu.memory_space<vmem>>
        %get3A_855 = arith.index_cast %get3A_850 : i32 to index
        %get3A_856 = arith.constant 544 : index
        %get3A_857 = tpu.vector_load %get3A_854[%get3A_855, %get3A_856] {strides = array<i32>} : memref<1x2048xf32, #tpu.memory_space<vmem>>, vector<16xf32>,
        %min3A_858 = arith.minimumf %min3A_786, %get3A_857 : vector<16xf32>
        %max3A_859 = arith.maximumf %min3A_786, %get3A_857 : vector<16xf32>
        %min3A_860 = arith.minimumf %min3A_788, %max3A_859 : vector<16xf32>
        %max3A_861 = arith.maximumf %min3A_788, %max3A_859 : vector<16xf32>
        %min3A_862 = arith.minimumf %min3A_790, %max3A_861 : vector<16xf32>
        %max3A_863 = arith.maximumf %min3A_790, %max3A_861 : vector<16xf32>
        %min3A_864 = arith.minimumf %min3A_792, %max3A_863 : vector<16xf32>
        %max3A_865 = arith.maximumf %min3A_792, %max3A_863 : vector<16xf32>
        %min3A_866 = arith.minimumf %min3A_794, %max3A_865 : vector<16xf32>
        %max3A_867 = arith.maximumf %min3A_794, %max3A_865 : vector<16xf32>
        %get3A_868 = arith.constant 0 : i32
        %get3A_869 = arith.constant 0 : i32
        %get3A_870 = arith.constant 0 : i32
        %get3A_871 = tpu.memref_slice %run_scoped3A[%rem3A_199, %get3A_869, %get3A_870] : memref<2x1x2048xf32, #tpu.memory_space<vmem>> -> memref<1x1x2048xf32, #tpu.memory_space<vmem>>
        %get3A_872 = tpu.memref_squeeze %get3A_871 : memref<1x1x2048xf32, #tpu.memory_space<vmem>> -> memref<1x2048xf32, #tpu.memory_space<vmem>>
        %get3A_873 = arith.index_cast %get3A_868 : i32 to index
        %get3A_874 = arith.constant 560 : index
        %get3A_875 = tpu.vector_load %get3A_872[%get3A_873, %get3A_874] {strides = array<i32>} : memref<1x2048xf32, #tpu.memory_space<vmem>>, vector<16xf32>,
        %min3A_876 = arith.minimumf %min3A_804, %get3A_875 : vector<16xf32>
        %max3A_877 = arith.maximumf %min3A_804, %get3A_875 : vector<16xf32>
        %min3A_878 = arith.minimumf %min3A_806, %max3A_877 : vector<16xf32>
        %max3A_879 = arith.maximumf %min3A_806, %max3A_877 : vector<16xf32>
        %min3A_880 = arith.minimumf %min3A_808, %max3A_879 : vector<16xf32>
        %max3A_881 = arith.maximumf %min3A_808, %max3A_879 : vector<16xf32>
        %min3A_882 = arith.minimumf %min3A_810, %max3A_881 : vector<16xf32>
        %max3A_883 = arith.maximumf %min3A_810, %max3A_881 : vector<16xf32>
        %min3A_884 = arith.minimumf %min3A_812, %max3A_883 : vector<16xf32>
        %max3A_885 = arith.maximumf %min3A_812, %max3A_883 : vector<16xf32>
        %get3A_886 = arith.constant 0 : i32
        %get3A_887 = arith.constant 0 : i32
        %get3A_888 = arith.constant 0 : i32
        %get3A_889 = tpu.memref_slice %run_scoped3A[%rem3A_199, %get3A_887, %get3A_888] : memref<2x1x2048xf32, #tpu.memory_space<vmem>> -> memref<1x1x2048xf32, #tpu.memory_space<vmem>>
        %get3A_890 = tpu.memref_squeeze %get3A_889 : memref<1x1x2048xf32, #tpu.memory_space<vmem>> -> memref<1x2048xf32, #tpu.memory_space<vmem>>
        %get3A_891 = arith.index_cast %get3A_886 : i32 to index
        %get3A_892 = arith.constant 576 : index
        %get3A_893 = tpu.vector_load %get3A_890[%get3A_891, %get3A_892] {strides = array<i32>} : memref<1x2048xf32, #tpu.memory_space<vmem>>, vector<16xf32>,
        %min3A_894 = arith.minimumf %min3A_822, %get3A_893 : vector<16xf32>
        %max3A_895 = arith.maximumf %min3A_822, %get3A_893 : vector<16xf32>
        %min3A_896 = arith.minimumf %min3A_824, %max3A_895 : vector<16xf32>
        %max3A_897 = arith.maximumf %min3A_824, %max3A_895 : vector<16xf32>
        %min3A_898 = arith.minimumf %min3A_826, %max3A_897 : vector<16xf32>
        %max3A_899 = arith.maximumf %min3A_826, %max3A_897 : vector<16xf32>
        %min3A_900 = arith.minimumf %min3A_828, %max3A_899 : vector<16xf32>
        %max3A_901 = arith.maximumf %min3A_828, %max3A_899 : vector<16xf32>
        %min3A_902 = arith.minimumf %min3A_830, %max3A_901 : vector<16xf32>
        %max3A_903 = arith.maximumf %min3A_830, %max3A_901 : vector<16xf32>
        %get3A_904 = arith.constant 0 : i32
        %get3A_905 = arith.constant 0 : i32
        %get3A_906 = arith.constant 0 : i32
        %get3A_907 = tpu.memref_slice %run_scoped3A[%rem3A_199, %get3A_905, %get3A_906] : memref<2x1x2048xf32, #tpu.memory_space<vmem>> -> memref<1x1x2048xf32, #tpu.memory_space<vmem>>
        %get3A_908 = tpu.memref_squeeze %get3A_907 : memref<1x1x2048xf32, #tpu.memory_space<vmem>> -> memref<1x2048xf32, #tpu.memory_space<vmem>>
        %get3A_909 = arith.index_cast %get3A_904 : i32 to index
        %get3A_910 = arith.constant 592 : index
        %get3A_911 = tpu.vector_load %get3A_908[%get3A_909, %get3A_910] {strides = array<i32>} : memref<1x2048xf32, #tpu.memory_space<vmem>>, vector<16xf32>,
        %min3A_912 = arith.minimumf %min3A_840, %get3A_911 : vector<16xf32>
        %max3A_913 = arith.maximumf %min3A_840, %get3A_911 : vector<16xf32>
        %min3A_914 = arith.minimumf %min3A_842, %max3A_913 : vector<16xf32>
        %max3A_915 = arith.maximumf %min3A_842, %max3A_913 : vector<16xf32>
        %min3A_916 = arith.minimumf %min3A_844, %max3A_915 : vector<16xf32>
        %max3A_917 = arith.maximumf %min3A_844, %max3A_915 : vector<16xf32>
        %min3A_918 = arith.minimumf %min3A_846, %max3A_917 : vector<16xf32>
        %max3A_919 = arith.maximumf %min3A_846, %max3A_917 : vector<16xf32>
        %min3A_920 = arith.minimumf %min3A_848, %max3A_919 : vector<16xf32>
        %max3A_921 = arith.maximumf %min3A_848, %max3A_919 : vector<16xf32>
        %get3A_922 = arith.constant 0 : i32
        %get3A_923 = arith.constant 0 : i32
        %get3A_924 = arith.constant 0 : i32
        %get3A_925 = tpu.memref_slice %run_scoped3A[%rem3A_199, %get3A_923, %get3A_924] : memref<2x1x2048xf32, #tpu.memory_space<vmem>> -> memref<1x1x2048xf32, #tpu.memory_space<vmem>>
        %get3A_926 = tpu.memref_squeeze %get3A_925 : memref<1x1x2048xf32, #tpu.memory_space<vmem>> -> memref<1x2048xf32, #tpu.memory_space<vmem>>
        %get3A_927 = arith.index_cast %get3A_922 : i32 to index
        %get3A_928 = arith.constant 608 : index
        %get3A_929 = tpu.vector_load %get3A_926[%get3A_927, %get3A_928] {strides = array<i32>} : memref<1x2048xf32, #tpu.memory_space<vmem>>, vector<16xf32>,
        %min3A_930 = arith.minimumf %min3A_858, %get3A_929 : vector<16xf32>
        %max3A_931 = arith.maximumf %min3A_858, %get3A_929 : vector<16xf32>
        %min3A_932 = arith.minimumf %min3A_860, %max3A_931 : vector<16xf32>
        %max3A_933 = arith.maximumf %min3A_860, %max3A_931 : vector<16xf32>
        %min3A_934 = arith.minimumf %min3A_862, %max3A_933 : vector<16xf32>
        %max3A_935 = arith.maximumf %min3A_862, %max3A_933 : vector<16xf32>
        %min3A_936 = arith.minimumf %min3A_864, %max3A_935 : vector<16xf32>
        %max3A_937 = arith.maximumf %min3A_864, %max3A_935 : vector<16xf32>
        %min3A_938 = arith.minimumf %min3A_866, %max3A_937 : vector<16xf32>
        %max3A_939 = arith.maximumf %min3A_866, %max3A_937 : vector<16xf32>
        %get3A_940 = arith.constant 0 : i32
        %get3A_941 = arith.constant 0 : i32
        %get3A_942 = arith.constant 0 : i32
        %get3A_943 = tpu.memref_slice %run_scoped3A[%rem3A_199, %get3A_941, %get3A_942] : memref<2x1x2048xf32, #tpu.memory_space<vmem>> -> memref<1x1x2048xf32, #tpu.memory_space<vmem>>
        %get3A_944 = tpu.memref_squeeze %get3A_943 : memref<1x1x2048xf32, #tpu.memory_space<vmem>> -> memref<1x2048xf32, #tpu.memory_space<vmem>>
        %get3A_945 = arith.index_cast %get3A_940 : i32 to index
        %get3A_946 = arith.constant 624 : index
        %get3A_947 = tpu.vector_load %get3A_944[%get3A_945, %get3A_946] {strides = array<i32>} : memref<1x2048xf32, #tpu.memory_space<vmem>>, vector<16xf32>,
        %min3A_948 = arith.minimumf %min3A_876, %get3A_947 : vector<16xf32>
        %max3A_949 = arith.maximumf %min3A_876, %get3A_947 : vector<16xf32>
        %min3A_950 = arith.minimumf %min3A_878, %max3A_949 : vector<16xf32>
        %max3A_951 = arith.maximumf %min3A_878, %max3A_949 : vector<16xf32>
        %min3A_952 = arith.minimumf %min3A_880, %max3A_951 : vector<16xf32>
        %max3A_953 = arith.maximumf %min3A_880, %max3A_951 : vector<16xf32>
        %min3A_954 = arith.minimumf %min3A_882, %max3A_953 : vector<16xf32>
        %max3A_955 = arith.maximumf %min3A_882, %max3A_953 : vector<16xf32>
        %min3A_956 = arith.minimumf %min3A_884, %max3A_955 : vector<16xf32>
        %max3A_957 = arith.maximumf %min3A_884, %max3A_955 : vector<16xf32>
        %get3A_958 = arith.constant 0 : i32
        %get3A_959 = arith.constant 0 : i32
        %get3A_960 = arith.constant 0 : i32
        %get3A_961 = tpu.memref_slice %run_scoped3A[%rem3A_199, %get3A_959, %get3A_960] : memref<2x1x2048xf32, #tpu.memory_space<vmem>> -> memref<1x1x2048xf32, #tpu.memory_space<vmem>>
        %get3A_962 = tpu.memref_squeeze %get3A_961 : memref<1x1x2048xf32, #tpu.memory_space<vmem>> -> memref<1x2048xf32, #tpu.memory_space<vmem>>
        %get3A_963 = arith.index_cast %get3A_958 : i32 to index
        %get3A_964 = arith.constant 640 : index
        %get3A_965 = tpu.vector_load %get3A_962[%get3A_963, %get3A_964] {strides = array<i32>} : memref<1x2048xf32, #tpu.memory_space<vmem>>, vector<16xf32>,
        %min3A_966 = arith.minimumf %min3A_894, %get3A_965 : vector<16xf32>
        %max3A_967 = arith.maximumf %min3A_894, %get3A_965 : vector<16xf32>
        %min3A_968 = arith.minimumf %min3A_896, %max3A_967 : vector<16xf32>
        %max3A_969 = arith.maximumf %min3A_896, %max3A_967 : vector<16xf32>
        %min3A_970 = arith.minimumf %min3A_898, %max3A_969 : vector<16xf32>
        %max3A_971 = arith.maximumf %min3A_898, %max3A_969 : vector<16xf32>
        %min3A_972 = arith.minimumf %min3A_900, %max3A_971 : vector<16xf32>
        %max3A_973 = arith.maximumf %min3A_900, %max3A_971 : vector<16xf32>
        %min3A_974 = arith.minimumf %min3A_902, %max3A_973 : vector<16xf32>
        %max3A_975 = arith.maximumf %min3A_902, %max3A_973 : vector<16xf32>
        %get3A_976 = arith.constant 0 : i32
        %get3A_977 = arith.constant 0 : i32
        %get3A_978 = arith.constant 0 : i32
        %get3A_979 = tpu.memref_slice %run_scoped3A[%rem3A_199, %get3A_977, %get3A_978] : memref<2x1x2048xf32, #tpu.memory_space<vmem>> -> memref<1x1x2048xf32, #tpu.memory_space<vmem>>
        %get3A_980 = tpu.memref_squeeze %get3A_979 : memref<1x1x2048xf32, #tpu.memory_space<vmem>> -> memref<1x2048xf32, #tpu.memory_space<vmem>>
        %get3A_981 = arith.index_cast %get3A_976 : i32 to index
        %get3A_982 = arith.constant 656 : index
        %get3A_983 = tpu.vector_load %get3A_980[%get3A_981, %get3A_982] {strides = array<i32>} : memref<1x2048xf32, #tpu.memory_space<vmem>>, vector<16xf32>,
        %min3A_984 = arith.minimumf %min3A_912, %get3A_983 : vector<16xf32>
        %max3A_985 = arith.maximumf %min3A_912, %get3A_983 : vector<16xf32>
        %min3A_986 = arith.minimumf %min3A_914, %max3A_985 : vector<16xf32>
        %max3A_987 = arith.maximumf %min3A_914, %max3A_985 : vector<16xf32>
        %min3A_988 = arith.minimumf %min3A_916, %max3A_987 : vector<16xf32>
        %max3A_989 = arith.maximumf %min3A_916, %max3A_987 : vector<16xf32>
        %min3A_990 = arith.minimumf %min3A_918, %max3A_989 : vector<16xf32>
        %max3A_991 = arith.maximumf %min3A_918, %max3A_989 : vector<16xf32>
        %min3A_992 = arith.minimumf %min3A_920, %max3A_991 : vector<16xf32>
        %max3A_993 = arith.maximumf %min3A_920, %max3A_991 : vector<16xf32>
        %get3A_994 = arith.constant 0 : i32
        %get3A_995 = arith.constant 0 : i32
        %get3A_996 = arith.constant 0 : i32
        %get3A_997 = tpu.memref_slice %run_scoped3A[%rem3A_199, %get3A_995, %get3A_996] : memref<2x1x2048xf32, #tpu.memory_space<vmem>> -> memref<1x1x2048xf32, #tpu.memory_space<vmem>>
        %get3A_998 = tpu.memref_squeeze %get3A_997 : memref<1x1x2048xf32, #tpu.memory_space<vmem>> -> memref<1x2048xf32, #tpu.memory_space<vmem>>
        %get3A_999 = arith.index_cast %get3A_994 : i32 to index
        %get3A_1000 = arith.constant 672 : index
        %get3A_1001 = tpu.vector_load %get3A_998[%get3A_999, %get3A_1000] {strides = array<i32>} : memref<1x2048xf32, #tpu.memory_space<vmem>>, vector<16xf32>,
        %min3A_1002 = arith.minimumf %min3A_930, %get3A_1001 : vector<16xf32>
        %max3A_1003 = arith.maximumf %min3A_930, %get3A_1001 : vector<16xf32>
        %min3A_1004 = arith.minimumf %min3A_932, %max3A_1003 : vector<16xf32>
        %max3A_1005 = arith.maximumf %min3A_932, %max3A_1003 : vector<16xf32>
        %min3A_1006 = arith.minimumf %min3A_934, %max3A_1005 : vector<16xf32>
        %max3A_1007 = arith.maximumf %min3A_934, %max3A_1005 : vector<16xf32>
        %min3A_1008 = arith.minimumf %min3A_936, %max3A_1007 : vector<16xf32>
        %max3A_1009 = arith.maximumf %min3A_936, %max3A_1007 : vector<16xf32>
        %min3A_1010 = arith.minimumf %min3A_938, %max3A_1009 : vector<16xf32>
        %max3A_1011 = arith.maximumf %min3A_938, %max3A_1009 : vector<16xf32>
        %get3A_1012 = arith.constant 0 : i32
        %get3A_1013 = arith.constant 0 : i32
        %get3A_1014 = arith.constant 0 : i32
        %get3A_1015 = tpu.memref_slice %run_scoped3A[%rem3A_199, %get3A_1013, %get3A_1014] : memref<2x1x2048xf32, #tpu.memory_space<vmem>> -> memref<1x1x2048xf32, #tpu.memory_space<vmem>>
        %get3A_1016 = tpu.memref_squeeze %get3A_1015 : memref<1x1x2048xf32, #tpu.memory_space<vmem>> -> memref<1x2048xf32, #tpu.memory_space<vmem>>
        %get3A_1017 = arith.index_cast %get3A_1012 : i32 to index
        %get3A_1018 = arith.constant 688 : index
        %get3A_1019 = tpu.vector_load %get3A_1016[%get3A_1017, %get3A_1018] {strides = array<i32>} : memref<1x2048xf32, #tpu.memory_space<vmem>>, vector<16xf32>,
        %min3A_1020 = arith.minimumf %min3A_948, %get3A_1019 : vector<16xf32>
        %max3A_1021 = arith.maximumf %min3A_948, %get3A_1019 : vector<16xf32>
        %min3A_1022 = arith.minimumf %min3A_950, %max3A_1021 : vector<16xf32>
        %max3A_1023 = arith.maximumf %min3A_950, %max3A_1021 : vector<16xf32>
        %min3A_1024 = arith.minimumf %min3A_952, %max3A_1023 : vector<16xf32>
        %max3A_1025 = arith.maximumf %min3A_952, %max3A_1023 : vector<16xf32>
        %min3A_1026 = arith.minimumf %min3A_954, %max3A_1025 : vector<16xf32>
        %max3A_1027 = arith.maximumf %min3A_954, %max3A_1025 : vector<16xf32>
        %min3A_1028 = arith.minimumf %min3A_956, %max3A_1027 : vector<16xf32>
        %max3A_1029 = arith.maximumf %min3A_956, %max3A_1027 : vector<16xf32>
        %get3A_1030 = arith.constant 0 : i32
        %get3A_1031 = arith.constant 0 : i32
        %get3A_1032 = arith.constant 0 : i32
        %get3A_1033 = tpu.memref_slice %run_scoped3A[%rem3A_199, %get3A_1031, %get3A_1032] : memref<2x1x2048xf32, #tpu.memory_space<vmem>> -> memref<1x1x2048xf32, #tpu.memory_space<vmem>>
        %get3A_1034 = tpu.memref_squeeze %get3A_1033 : memref<1x1x2048xf32, #tpu.memory_space<vmem>> -> memref<1x2048xf32, #tpu.memory_space<vmem>>
        %get3A_1035 = arith.index_cast %get3A_1030 : i32 to index
        %get3A_1036 = arith.constant 704 : index
        %get3A_1037 = tpu.vector_load %get3A_1034[%get3A_1035, %get3A_1036] {strides = array<i32>} : memref<1x2048xf32, #tpu.memory_space<vmem>>, vector<16xf32>,
        %min3A_1038 = arith.minimumf %min3A_966, %get3A_1037 : vector<16xf32>
        %max3A_1039 = arith.maximumf %min3A_966, %get3A_1037 : vector<16xf32>
        %min3A_1040 = arith.minimumf %min3A_968, %max3A_1039 : vector<16xf32>
        %max3A_1041 = arith.maximumf %min3A_968, %max3A_1039 : vector<16xf32>
        %min3A_1042 = arith.minimumf %min3A_970, %max3A_1041 : vector<16xf32>
        %max3A_1043 = arith.maximumf %min3A_970, %max3A_1041 : vector<16xf32>
        %min3A_1044 = arith.minimumf %min3A_972, %max3A_1043 : vector<16xf32>
        %max3A_1045 = arith.maximumf %min3A_972, %max3A_1043 : vector<16xf32>
        %min3A_1046 = arith.minimumf %min3A_974, %max3A_1045 : vector<16xf32>
        %max3A_1047 = arith.maximumf %min3A_974, %max3A_1045 : vector<16xf32>
        %get3A_1048 = arith.constant 0 : i32
        %get3A_1049 = arith.constant 0 : i32
        %get3A_1050 = arith.constant 0 : i32
        %get3A_1051 = tpu.memref_slice %run_scoped3A[%rem3A_199, %get3A_1049, %get3A_1050] : memref<2x1x2048xf32, #tpu.memory_space<vmem>> -> memref<1x1x2048xf32, #tpu.memory_space<vmem>>
        %get3A_1052 = tpu.memref_squeeze %get3A_1051 : memref<1x1x2048xf32, #tpu.memory_space<vmem>> -> memref<1x2048xf32, #tpu.memory_space<vmem>>
        %get3A_1053 = arith.index_cast %get3A_1048 : i32 to index
        %get3A_1054 = arith.constant 720 : index
        %get3A_1055 = tpu.vector_load %get3A_1052[%get3A_1053, %get3A_1054] {strides = array<i32>} : memref<1x2048xf32, #tpu.memory_space<vmem>>, vector<16xf32>,
        %min3A_1056 = arith.minimumf %min3A_984, %get3A_1055 : vector<16xf32>
        %max3A_1057 = arith.maximumf %min3A_984, %get3A_1055 : vector<16xf32>
        %min3A_1058 = arith.minimumf %min3A_986, %max3A_1057 : vector<16xf32>
        %max3A_1059 = arith.maximumf %min3A_986, %max3A_1057 : vector<16xf32>
        %min3A_1060 = arith.minimumf %min3A_988, %max3A_1059 : vector<16xf32>
        %max3A_1061 = arith.maximumf %min3A_988, %max3A_1059 : vector<16xf32>
        %min3A_1062 = arith.minimumf %min3A_990, %max3A_1061 : vector<16xf32>
        %max3A_1063 = arith.maximumf %min3A_990, %max3A_1061 : vector<16xf32>
        %min3A_1064 = arith.minimumf %min3A_992, %max3A_1063 : vector<16xf32>
        %max3A_1065 = arith.maximumf %min3A_992, %max3A_1063 : vector<16xf32>
        %get3A_1066 = arith.constant 0 : i32
        %get3A_1067 = arith.constant 0 : i32
        %get3A_1068 = arith.constant 0 : i32
        %get3A_1069 = tpu.memref_slice %run_scoped3A[%rem3A_199, %get3A_1067, %get3A_1068] : memref<2x1x2048xf32, #tpu.memory_space<vmem>> -> memref<1x1x2048xf32, #tpu.memory_space<vmem>>
        %get3A_1070 = tpu.memref_squeeze %get3A_1069 : memref<1x1x2048xf32, #tpu.memory_space<vmem>> -> memref<1x2048xf32, #tpu.memory_space<vmem>>
        %get3A_1071 = arith.index_cast %get3A_1066 : i32 to index
        %get3A_1072 = arith.constant 736 : index
        %get3A_1073 = tpu.vector_load %get3A_1070[%get3A_1071, %get3A_1072] {strides = array<i32>} : memref<1x2048xf32, #tpu.memory_space<vmem>>, vector<16xf32>,
        %min3A_1074 = arith.minimumf %min3A_1002, %get3A_1073 : vector<16xf32>
        %max3A_1075 = arith.maximumf %min3A_1002, %get3A_1073 : vector<16xf32>
        %min3A_1076 = arith.minimumf %min3A_1004, %max3A_1075 : vector<16xf32>
        %max3A_1077 = arith.maximumf %min3A_1004, %max3A_1075 : vector<16xf32>
        %min3A_1078 = arith.minimumf %min3A_1006, %max3A_1077 : vector<16xf32>
        %max3A_1079 = arith.maximumf %min3A_1006, %max3A_1077 : vector<16xf32>
        %min3A_1080 = arith.minimumf %min3A_1008, %max3A_1079 : vector<16xf32>
        %max3A_1081 = arith.maximumf %min3A_1008, %max3A_1079 : vector<16xf32>
        %min3A_1082 = arith.minimumf %min3A_1010, %max3A_1081 : vector<16xf32>
        %max3A_1083 = arith.maximumf %min3A_1010, %max3A_1081 : vector<16xf32>
        %get3A_1084 = arith.constant 0 : i32
        %get3A_1085 = arith.constant 0 : i32
        %get3A_1086 = arith.constant 0 : i32
        %get3A_1087 = tpu.memref_slice %run_scoped3A[%rem3A_199, %get3A_1085, %get3A_1086] : memref<2x1x2048xf32, #tpu.memory_space<vmem>> -> memref<1x1x2048xf32, #tpu.memory_space<vmem>>
        %get3A_1088 = tpu.memref_squeeze %get3A_1087 : memref<1x1x2048xf32, #tpu.memory_space<vmem>> -> memref<1x2048xf32, #tpu.memory_space<vmem>>
        %get3A_1089 = arith.index_cast %get3A_1084 : i32 to index
        %get3A_1090 = arith.constant 752 : index
        %get3A_1091 = tpu.vector_load %get3A_1088[%get3A_1089, %get3A_1090] {strides = array<i32>} : memref<1x2048xf32, #tpu.memory_space<vmem>>, vector<16xf32>,
        %min3A_1092 = arith.minimumf %min3A_1020, %get3A_1091 : vector<16xf32>
        %max3A_1093 = arith.maximumf %min3A_1020, %get3A_1091 : vector<16xf32>
        %min3A_1094 = arith.minimumf %min3A_1022, %max3A_1093 : vector<16xf32>
        %max3A_1095 = arith.maximumf %min3A_1022, %max3A_1093 : vector<16xf32>
        %min3A_1096 = arith.minimumf %min3A_1024, %max3A_1095 : vector<16xf32>
        %max3A_1097 = arith.maximumf %min3A_1024, %max3A_1095 : vector<16xf32>
        %min3A_1098 = arith.minimumf %min3A_1026, %max3A_1097 : vector<16xf32>
        %max3A_1099 = arith.maximumf %min3A_1026, %max3A_1097 : vector<16xf32>
        %min3A_1100 = arith.minimumf %min3A_1028, %max3A_1099 : vector<16xf32>
        %max3A_1101 = arith.maximumf %min3A_1028, %max3A_1099 : vector<16xf32>
        %get3A_1102 = arith.constant 0 : i32
        %get3A_1103 = arith.constant 0 : i32
        %get3A_1104 = arith.constant 0 : i32
        %get3A_1105 = tpu.memref_slice %run_scoped3A[%rem3A_199, %get3A_1103, %get3A_1104] : memref<2x1x2048xf32, #tpu.memory_space<vmem>> -> memref<1x1x2048xf32, #tpu.memory_space<vmem>>
        %get3A_1106 = tpu.memref_squeeze %get3A_1105 : memref<1x1x2048xf32, #tpu.memory_space<vmem>> -> memref<1x2048xf32, #tpu.memory_space<vmem>>
        %get3A_1107 = arith.index_cast %get3A_1102 : i32 to index
        %get3A_1108 = arith.constant 768 : index
        %get3A_1109 = tpu.vector_load %get3A_1106[%get3A_1107, %get3A_1108] {strides = array<i32>} : memref<1x2048xf32, #tpu.memory_space<vmem>>, vector<16xf32>,
        %min3A_1110 = arith.minimumf %min3A_1038, %get3A_1109 : vector<16xf32>
        %max3A_1111 = arith.maximumf %min3A_1038, %get3A_1109 : vector<16xf32>
        %min3A_1112 = arith.minimumf %min3A_1040, %max3A_1111 : vector<16xf32>
        %max3A_1113 = arith.maximumf %min3A_1040, %max3A_1111 : vector<16xf32>
        %min3A_1114 = arith.minimumf %min3A_1042, %max3A_1113 : vector<16xf32>
        %max3A_1115 = arith.maximumf %min3A_1042, %max3A_1113 : vector<16xf32>
        %min3A_1116 = arith.minimumf %min3A_1044, %max3A_1115 : vector<16xf32>
        %max3A_1117 = arith.maximumf %min3A_1044, %max3A_1115 : vector<16xf32>
        %min3A_1118 = arith.minimumf %min3A_1046, %max3A_1117 : vector<16xf32>
        %max3A_1119 = arith.maximumf %min3A_1046, %max3A_1117 : vector<16xf32>
        %get3A_1120 = arith.constant 0 : i32
        %get3A_1121 = arith.constant 0 : i32
        %get3A_1122 = arith.constant 0 : i32
        %get3A_1123 = tpu.memref_slice %run_scoped3A[%rem3A_199, %get3A_1121, %get3A_1122] : memref<2x1x2048xf32, #tpu.memory_space<vmem>> -> memref<1x1x2048xf32, #tpu.memory_space<vmem>>
        %get3A_1124 = tpu.memref_squeeze %get3A_1123 : memref<1x1x2048xf32, #tpu.memory_space<vmem>> -> memref<1x2048xf32, #tpu.memory_space<vmem>>
        %get3A_1125 = arith.index_cast %get3A_1120 : i32 to index
        %get3A_1126 = arith.constant 784 : index
        %get3A_1127 = tpu.vector_load %get3A_1124[%get3A_1125, %get3A_1126] {strides = array<i32>} : memref<1x2048xf32, #tpu.memory_space<vmem>>, vector<16xf32>,
        %min3A_1128 = arith.minimumf %min3A_1056, %get3A_1127 : vector<16xf32>
        %max3A_1129 = arith.maximumf %min3A_1056, %get3A_1127 : vector<16xf32>
        %min3A_1130 = arith.minimumf %min3A_1058, %max3A_1129 : vector<16xf32>
        %max3A_1131 = arith.maximumf %min3A_1058, %max3A_1129 : vector<16xf32>
        %min3A_1132 = arith.minimumf %min3A_1060, %max3A_1131 : vector<16xf32>
        %max3A_1133 = arith.maximumf %min3A_1060, %max3A_1131 : vector<16xf32>
        %min3A_1134 = arith.minimumf %min3A_1062, %max3A_1133 : vector<16xf32>
        %max3A_1135 = arith.maximumf %min3A_1062, %max3A_1133 : vector<16xf32>
        %min3A_1136 = arith.minimumf %min3A_1064, %max3A_1135 : vector<16xf32>
        %max3A_1137 = arith.maximumf %min3A_1064, %max3A_1135 : vector<16xf32>
        %get3A_1138 = arith.constant 0 : i32
        %get3A_1139 = arith.constant 0 : i32
        %get3A_1140 = arith.constant 0 : i32
        %get3A_1141 = tpu.memref_slice %run_scoped3A[%rem3A_199, %get3A_1139, %get3A_1140] : memref<2x1x2048xf32, #tpu.memory_space<vmem>> -> memref<1x1x2048xf32, #tpu.memory_space<vmem>>
        %get3A_1142 = tpu.memref_squeeze %get3A_1141 : memref<1x1x2048xf32, #tpu.memory_space<vmem>> -> memref<1x2048xf32, #tpu.memory_space<vmem>>
        %get3A_1143 = arith.index_cast %get3A_1138 : i32 to index
        %get3A_1144 = arith.constant 800 : index
        %get3A_1145 = tpu.vector_load %get3A_1142[%get3A_1143, %get3A_1144] {strides = array<i32>} : memref<1x2048xf32, #tpu.memory_space<vmem>>, vector<16xf32>,
        %min3A_1146 = arith.minimumf %min3A_1074, %get3A_1145 : vector<16xf32>
        %max3A_1147 = arith.maximumf %min3A_1074, %get3A_1145 : vector<16xf32>
        %min3A_1148 = arith.minimumf %min3A_1076, %max3A_1147 : vector<16xf32>
        %max3A_1149 = arith.maximumf %min3A_1076, %max3A_1147 : vector<16xf32>
        %min3A_1150 = arith.minimumf %min3A_1078, %max3A_1149 : vector<16xf32>
        %max3A_1151 = arith.maximumf %min3A_1078, %max3A_1149 : vector<16xf32>
        %min3A_1152 = arith.minimumf %min3A_1080, %max3A_1151 : vector<16xf32>
        %max3A_1153 = arith.maximumf %min3A_1080, %max3A_1151 : vector<16xf32>
        %min3A_1154 = arith.minimumf %min3A_1082, %max3A_1153 : vector<16xf32>
        %max3A_1155 = arith.maximumf %min3A_1082, %max3A_1153 : vector<16xf32>
        %get3A_1156 = arith.constant 0 : i32
        %get3A_1157 = arith.constant 0 : i32
        %get3A_1158 = arith.constant 0 : i32
        %get3A_1159 = tpu.memref_slice %run_scoped3A[%rem3A_199, %get3A_1157, %get3A_1158] : memref<2x1x2048xf32, #tpu.memory_space<vmem>> -> memref<1x1x2048xf32, #tpu.memory_space<vmem>>
        %get3A_1160 = tpu.memref_squeeze %get3A_1159 : memref<1x1x2048xf32, #tpu.memory_space<vmem>> -> memref<1x2048xf32, #tpu.memory_space<vmem>>
        %get3A_1161 = arith.index_cast %get3A_1156 : i32 to index
        %get3A_1162 = arith.constant 816 : index
        %get3A_1163 = tpu.vector_load %get3A_1160[%get3A_1161, %get3A_1162] {strides = array<i32>} : memref<1x2048xf32, #tpu.memory_space<vmem>>, vector<16xf32>,
        %min3A_1164 = arith.minimumf %min3A_1092, %get3A_1163 : vector<16xf32>
        %max3A_1165 = arith.maximumf %min3A_1092, %get3A_1163 : vector<16xf32>
        %min3A_1166 = arith.minimumf %min3A_1094, %max3A_1165 : vector<16xf32>
        %max3A_1167 = arith.maximumf %min3A_1094, %max3A_1165 : vector<16xf32>
        %min3A_1168 = arith.minimumf %min3A_1096, %max3A_1167 : vector<16xf32>
        %max3A_1169 = arith.maximumf %min3A_1096, %max3A_1167 : vector<16xf32>
        %min3A_1170 = arith.minimumf %min3A_1098, %max3A_1169 : vector<16xf32>
        %max3A_1171 = arith.maximumf %min3A_1098, %max3A_1169 : vector<16xf32>
        %min3A_1172 = arith.minimumf %min3A_1100, %max3A_1171 : vector<16xf32>
        %max3A_1173 = arith.maximumf %min3A_1100, %max3A_1171 : vector<16xf32>
        %get3A_1174 = arith.constant 0 : i32
        %get3A_1175 = arith.constant 0 : i32
        %get3A_1176 = arith.constant 0 : i32
        %get3A_1177 = tpu.memref_slice %run_scoped3A[%rem3A_199, %get3A_1175, %get3A_1176] : memref<2x1x2048xf32, #tpu.memory_space<vmem>> -> memref<1x1x2048xf32, #tpu.memory_space<vmem>>
        %get3A_1178 = tpu.memref_squeeze %get3A_1177 : memref<1x1x2048xf32, #tpu.memory_space<vmem>> -> memref<1x2048xf32, #tpu.memory_space<vmem>>
        %get3A_1179 = arith.index_cast %get3A_1174 : i32 to index
        %get3A_1180 = arith.constant 832 : index
        %get3A_1181 = tpu.vector_load %get3A_1178[%get3A_1179, %get3A_1180] {strides = array<i32>} : memref<1x2048xf32, #tpu.memory_space<vmem>>, vector<16xf32>,
        %min3A_1182 = arith.minimumf %min3A_1110, %get3A_1181 : vector<16xf32>
        %max3A_1183 = arith.maximumf %min3A_1110, %get3A_1181 : vector<16xf32>
        %min3A_1184 = arith.minimumf %min3A_1112, %max3A_1183 : vector<16xf32>
        %max3A_1185 = arith.maximumf %min3A_1112, %max3A_1183 : vector<16xf32>
        %min3A_1186 = arith.minimumf %min3A_1114, %max3A_1185 : vector<16xf32>
        %max3A_1187 = arith.maximumf %min3A_1114, %max3A_1185 : vector<16xf32>
        %min3A_1188 = arith.minimumf %min3A_1116, %max3A_1187 : vector<16xf32>
        %max3A_1189 = arith.maximumf %min3A_1116, %max3A_1187 : vector<16xf32>
        %min3A_1190 = arith.minimumf %min3A_1118, %max3A_1189 : vector<16xf32>
        %max3A_1191 = arith.maximumf %min3A_1118, %max3A_1189 : vector<16xf32>
        %get3A_1192 = arith.constant 0 : i32
        %get3A_1193 = arith.constant 0 : i32
        %get3A_1194 = arith.constant 0 : i32
        %get3A_1195 = tpu.memref_slice %run_scoped3A[%rem3A_199, %get3A_1193, %get3A_1194] : memref<2x1x2048xf32, #tpu.memory_space<vmem>> -> memref<1x1x2048xf32, #tpu.memory_space<vmem>>
        %get3A_1196 = tpu.memref_squeeze %get3A_1195 : memref<1x1x2048xf32, #tpu.memory_space<vmem>> -> memref<1x2048xf32, #tpu.memory_space<vmem>>
        %get3A_1197 = arith.index_cast %get3A_1192 : i32 to index
        %get3A_1198 = arith.constant 848 : index
        %get3A_1199 = tpu.vector_load %get3A_1196[%get3A_1197, %get3A_1198] {strides = array<i32>} : memref<1x2048xf32, #tpu.memory_space<vmem>>, vector<16xf32>,
        %min3A_1200 = arith.minimumf %min3A_1128, %get3A_1199 : vector<16xf32>
        %max3A_1201 = arith.maximumf %min3A_1128, %get3A_1199 : vector<16xf32>
        %min3A_1202 = arith.minimumf %min3A_1130, %max3A_1201 : vector<16xf32>
        %max3A_1203 = arith.maximumf %min3A_1130, %max3A_1201 : vector<16xf32>
        %min3A_1204 = arith.minimumf %min3A_1132, %max3A_1203 : vector<16xf32>
        %max3A_1205 = arith.maximumf %min3A_1132, %max3A_1203 : vector<16xf32>
        %min3A_1206 = arith.minimumf %min3A_1134, %max3A_1205 : vector<16xf32>
        %max3A_1207 = arith.maximumf %min3A_1134, %max3A_1205 : vector<16xf32>
        %min3A_1208 = arith.minimumf %min3A_1136, %max3A_1207 : vector<16xf32>
        %max3A_1209 = arith.maximumf %min3A_1136, %max3A_1207 : vector<16xf32>
        %get3A_1210 = arith.constant 0 : i32
        %get3A_1211 = arith.constant 0 : i32
        %get3A_1212 = arith.constant 0 : i32
        %get3A_1213 = tpu.memref_slice %run_scoped3A[%rem3A_199, %get3A_1211, %get3A_1212] : memref<2x1x2048xf32, #tpu.memory_space<vmem>> -> memref<1x1x2048xf32, #tpu.memory_space<vmem>>
        %get3A_1214 = tpu.memref_squeeze %get3A_1213 : memref<1x1x2048xf32, #tpu.memory_space<vmem>> -> memref<1x2048xf32, #tpu.memory_space<vmem>>
        %get3A_1215 = arith.index_cast %get3A_1210 : i32 to index
        %get3A_1216 = arith.constant 864 : index
        %get3A_1217 = tpu.vector_load %get3A_1214[%get3A_1215, %get3A_1216] {strides = array<i32>} : memref<1x2048xf32, #tpu.memory_space<vmem>>, vector<16xf32>,
        %min3A_1218 = arith.minimumf %min3A_1146, %get3A_1217 : vector<16xf32>
        %max3A_1219 = arith.maximumf %min3A_1146, %get3A_1217 : vector<16xf32>
        %min3A_1220 = arith.minimumf %min3A_1148, %max3A_1219 : vector<16xf32>
        %max3A_1221 = arith.maximumf %min3A_1148, %max3A_1219 : vector<16xf32>
        %min3A_1222 = arith.minimumf %min3A_1150, %max3A_1221 : vector<16xf32>
        %max3A_1223 = arith.maximumf %min3A_1150, %max3A_1221 : vector<16xf32>
        %min3A_1224 = arith.minimumf %min3A_1152, %max3A_1223 : vector<16xf32>
        %max3A_1225 = arith.maximumf %min3A_1152, %max3A_1223 : vector<16xf32>
        %min3A_1226 = arith.minimumf %min3A_1154, %max3A_1225 : vector<16xf32>
        %max3A_1227 = arith.maximumf %min3A_1154, %max3A_1225 : vector<16xf32>
        %get3A_1228 = arith.constant 0 : i32
        %get3A_1229 = arith.constant 0 : i32
        %get3A_1230 = arith.constant 0 : i32
        %get3A_1231 = tpu.memref_slice %run_scoped3A[%rem3A_199, %get3A_1229, %get3A_1230] : memref<2x1x2048xf32, #tpu.memory_space<vmem>> -> memref<1x1x2048xf32, #tpu.memory_space<vmem>>
        %get3A_1232 = tpu.memref_squeeze %get3A_1231 : memref<1x1x2048xf32, #tpu.memory_space<vmem>> -> memref<1x2048xf32, #tpu.memory_space<vmem>>
        %get3A_1233 = arith.index_cast %get3A_1228 : i32 to index
        %get3A_1234 = arith.constant 880 : index
        %get3A_1235 = tpu.vector_load %get3A_1232[%get3A_1233, %get3A_1234] {strides = array<i32>} : memref<1x2048xf32, #tpu.memory_space<vmem>>, vector<16xf32>,
        %min3A_1236 = arith.minimumf %min3A_1164, %get3A_1235 : vector<16xf32>
        %max3A_1237 = arith.maximumf %min3A_1164, %get3A_1235 : vector<16xf32>
        %min3A_1238 = arith.minimumf %min3A_1166, %max3A_1237 : vector<16xf32>
        %max3A_1239 = arith.maximumf %min3A_1166, %max3A_1237 : vector<16xf32>
        %min3A_1240 = arith.minimumf %min3A_1168, %max3A_1239 : vector<16xf32>
        %max3A_1241 = arith.maximumf %min3A_1168, %max3A_1239 : vector<16xf32>
        %min3A_1242 = arith.minimumf %min3A_1170, %max3A_1241 : vector<16xf32>
        %max3A_1243 = arith.maximumf %min3A_1170, %max3A_1241 : vector<16xf32>
        %min3A_1244 = arith.minimumf %min3A_1172, %max3A_1243 : vector<16xf32>
        %max3A_1245 = arith.maximumf %min3A_1172, %max3A_1243 : vector<16xf32>
        %get3A_1246 = arith.constant 0 : i32
        %get3A_1247 = arith.constant 0 : i32
        %get3A_1248 = arith.constant 0 : i32
        %get3A_1249 = tpu.memref_slice %run_scoped3A[%rem3A_199, %get3A_1247, %get3A_1248] : memref<2x1x2048xf32, #tpu.memory_space<vmem>> -> memref<1x1x2048xf32, #tpu.memory_space<vmem>>
        %get3A_1250 = tpu.memref_squeeze %get3A_1249 : memref<1x1x2048xf32, #tpu.memory_space<vmem>> -> memref<1x2048xf32, #tpu.memory_space<vmem>>
        %get3A_1251 = arith.index_cast %get3A_1246 : i32 to index
        %get3A_1252 = arith.constant 896 : index
        %get3A_1253 = tpu.vector_load %get3A_1250[%get3A_1251, %get3A_1252] {strides = array<i32>} : memref<1x2048xf32, #tpu.memory_space<vmem>>, vector<16xf32>,
        %min3A_1254 = arith.minimumf %min3A_1182, %get3A_1253 : vector<16xf32>
        %max3A_1255 = arith.maximumf %min3A_1182, %get3A_1253 : vector<16xf32>
        %min3A_1256 = arith.minimumf %min3A_1184, %max3A_1255 : vector<16xf32>
        %max3A_1257 = arith.maximumf %min3A_1184, %max3A_1255 : vector<16xf32>
        %min3A_1258 = arith.minimumf %min3A_1186, %max3A_1257 : vector<16xf32>
        %max3A_1259 = arith.maximumf %min3A_1186, %max3A_1257 : vector<16xf32>
        %min3A_1260 = arith.minimumf %min3A_1188, %max3A_1259 : vector<16xf32>
        %max3A_1261 = arith.maximumf %min3A_1188, %max3A_1259 : vector<16xf32>
        %min3A_1262 = arith.minimumf %min3A_1190, %max3A_1261 : vector<16xf32>
        %max3A_1263 = arith.maximumf %min3A_1190, %max3A_1261 : vector<16xf32>
        %get3A_1264 = arith.constant 0 : i32
        %get3A_1265 = arith.constant 0 : i32
        %get3A_1266 = arith.constant 0 : i32
        %get3A_1267 = tpu.memref_slice %run_scoped3A[%rem3A_199, %get3A_1265, %get3A_1266] : memref<2x1x2048xf32, #tpu.memory_space<vmem>> -> memref<1x1x2048xf32, #tpu.memory_space<vmem>>
        %get3A_1268 = tpu.memref_squeeze %get3A_1267 : memref<1x1x2048xf32, #tpu.memory_space<vmem>> -> memref<1x2048xf32, #tpu.memory_space<vmem>>
        %get3A_1269 = arith.index_cast %get3A_1264 : i32 to index
        %get3A_1270 = arith.constant 912 : index
        %get3A_1271 = tpu.vector_load %get3A_1268[%get3A_1269, %get3A_1270] {strides = array<i32>} : memref<1x2048xf32, #tpu.memory_space<vmem>>, vector<16xf32>,
        %min3A_1272 = arith.minimumf %min3A_1200, %get3A_1271 : vector<16xf32>
        %max3A_1273 = arith.maximumf %min3A_1200, %get3A_1271 : vector<16xf32>
        %min3A_1274 = arith.minimumf %min3A_1202, %max3A_1273 : vector<16xf32>
        %max3A_1275 = arith.maximumf %min3A_1202, %max3A_1273 : vector<16xf32>
        %min3A_1276 = arith.minimumf %min3A_1204, %max3A_1275 : vector<16xf32>
        %max3A_1277 = arith.maximumf %min3A_1204, %max3A_1275 : vector<16xf32>
        %min3A_1278 = arith.minimumf %min3A_1206, %max3A_1277 : vector<16xf32>
        %max3A_1279 = arith.maximumf %min3A_1206, %max3A_1277 : vector<16xf32>
        %min3A_1280 = arith.minimumf %min3A_1208, %max3A_1279 : vector<16xf32>
        %max3A_1281 = arith.maximumf %min3A_1208, %max3A_1279 : vector<16xf32>
        %get3A_1282 = arith.constant 0 : i32
        %get3A_1283 = arith.constant 0 : i32
        %get3A_1284 = arith.constant 0 : i32
        %get3A_1285 = tpu.memref_slice %run_scoped3A[%rem3A_199, %get3A_1283, %get3A_1284] : memref<2x1x2048xf32, #tpu.memory_space<vmem>> -> memref<1x1x2048xf32, #tpu.memory_space<vmem>>
        %get3A_1286 = tpu.memref_squeeze %get3A_1285 : memref<1x1x2048xf32, #tpu.memory_space<vmem>> -> memref<1x2048xf32, #tpu.memory_space<vmem>>
        %get3A_1287 = arith.index_cast %get3A_1282 : i32 to index
        %get3A_1288 = arith.constant 928 : index
        %get3A_1289 = tpu.vector_load %get3A_1286[%get3A_1287, %get3A_1288] {strides = array<i32>} : memref<1x2048xf32, #tpu.memory_space<vmem>>, vector<16xf32>,
        %min3A_1290 = arith.minimumf %min3A_1218, %get3A_1289 : vector<16xf32>
        %max3A_1291 = arith.maximumf %min3A_1218, %get3A_1289 : vector<16xf32>
        %min3A_1292 = arith.minimumf %min3A_1220, %max3A_1291 : vector<16xf32>
        %max3A_1293 = arith.maximumf %min3A_1220, %max3A_1291 : vector<16xf32>
        %min3A_1294 = arith.minimumf %min3A_1222, %max3A_1293 : vector<16xf32>
        %max3A_1295 = arith.maximumf %min3A_1222, %max3A_1293 : vector<16xf32>
        %min3A_1296 = arith.minimumf %min3A_1224, %max3A_1295 : vector<16xf32>
        %max3A_1297 = arith.maximumf %min3A_1224, %max3A_1295 : vector<16xf32>
        %min3A_1298 = arith.minimumf %min3A_1226, %max3A_1297 : vector<16xf32>
        %max3A_1299 = arith.maximumf %min3A_1226, %max3A_1297 : vector<16xf32>
        %get3A_1300 = arith.constant 0 : i32
        %get3A_1301 = arith.constant 0 : i32
        %get3A_1302 = arith.constant 0 : i32
        %get3A_1303 = tpu.memref_slice %run_scoped3A[%rem3A_199, %get3A_1301, %get3A_1302] : memref<2x1x2048xf32, #tpu.memory_space<vmem>> -> memref<1x1x2048xf32, #tpu.memory_space<vmem>>
        %get3A_1304 = tpu.memref_squeeze %get3A_1303 : memref<1x1x2048xf32, #tpu.memory_space<vmem>> -> memref<1x2048xf32, #tpu.memory_space<vmem>>
        %get3A_1305 = arith.index_cast %get3A_1300 : i32 to index
        %get3A_1306 = arith.constant 944 : index
        %get3A_1307 = tpu.vector_load %get3A_1304[%get3A_1305, %get3A_1306] {strides = array<i32>} : memref<1x2048xf32, #tpu.memory_space<vmem>>, vector<16xf32>,
        %min3A_1308 = arith.minimumf %min3A_1236, %get3A_1307 : vector<16xf32>
        %max3A_1309 = arith.maximumf %min3A_1236, %get3A_1307 : vector<16xf32>
        %min3A_1310 = arith.minimumf %min3A_1238, %max3A_1309 : vector<16xf32>
        %max3A_1311 = arith.maximumf %min3A_1238, %max3A_1309 : vector<16xf32>
        %min3A_1312 = arith.minimumf %min3A_1240, %max3A_1311 : vector<16xf32>
        %max3A_1313 = arith.maximumf %min3A_1240, %max3A_1311 : vector<16xf32>
        %min3A_1314 = arith.minimumf %min3A_1242, %max3A_1313 : vector<16xf32>
        %max3A_1315 = arith.maximumf %min3A_1242, %max3A_1313 : vector<16xf32>
        %min3A_1316 = arith.minimumf %min3A_1244, %max3A_1315 : vector<16xf32>
        %max3A_1317 = arith.maximumf %min3A_1244, %max3A_1315 : vector<16xf32>
        %get3A_1318 = arith.constant 0 : i32
        %get3A_1319 = arith.constant 0 : i32
        %get3A_1320 = arith.constant 0 : i32
        %get3A_1321 = tpu.memref_slice %run_scoped3A[%rem3A_199, %get3A_1319, %get3A_1320] : memref<2x1x2048xf32, #tpu.memory_space<vmem>> -> memref<1x1x2048xf32, #tpu.memory_space<vmem>>
        %get3A_1322 = tpu.memref_squeeze %get3A_1321 : memref<1x1x2048xf32, #tpu.memory_space<vmem>> -> memref<1x2048xf32, #tpu.memory_space<vmem>>
        %get3A_1323 = arith.index_cast %get3A_1318 : i32 to index
        %get3A_1324 = arith.constant 960 : index
        %get3A_1325 = tpu.vector_load %get3A_1322[%get3A_1323, %get3A_1324] {strides = array<i32>} : memref<1x2048xf32, #tpu.memory_space<vmem>>, vector<16xf32>,
        %min3A_1326 = arith.minimumf %min3A_1254, %get3A_1325 : vector<16xf32>
        %max3A_1327 = arith.maximumf %min3A_1254, %get3A_1325 : vector<16xf32>
        %min3A_1328 = arith.minimumf %min3A_1256, %max3A_1327 : vector<16xf32>
        %max3A_1329 = arith.maximumf %min3A_1256, %max3A_1327 : vector<16xf32>
        %min3A_1330 = arith.minimumf %min3A_1258, %max3A_1329 : vector<16xf32>
        %max3A_1331 = arith.maximumf %min3A_1258, %max3A_1329 : vector<16xf32>
        %min3A_1332 = arith.minimumf %min3A_1260, %max3A_1331 : vector<16xf32>
        %max3A_1333 = arith.maximumf %min3A_1260, %max3A_1331 : vector<16xf32>
        %min3A_1334 = arith.minimumf %min3A_1262, %max3A_1333 : vector<16xf32>
        %max3A_1335 = arith.maximumf %min3A_1262, %max3A_1333 : vector<16xf32>
        %get3A_1336 = arith.constant 0 : i32
        %get3A_1337 = arith.constant 0 : i32
        %get3A_1338 = arith.constant 0 : i32
        %get3A_1339 = tpu.memref_slice %run_scoped3A[%rem3A_199, %get3A_1337, %get3A_1338] : memref<2x1x2048xf32, #tpu.memory_space<vmem>> -> memref<1x1x2048xf32, #tpu.memory_space<vmem>>
        %get3A_1340 = tpu.memref_squeeze %get3A_1339 : memref<1x1x2048xf32, #tpu.memory_space<vmem>> -> memref<1x2048xf32, #tpu.memory_space<vmem>>
        %get3A_1341 = arith.index_cast %get3A_1336 : i32 to index
        %get3A_1342 = arith.constant 976 : index
        %get3A_1343 = tpu.vector_load %get3A_1340[%get3A_1341, %get3A_1342] {strides = array<i32>} : memref<1x2048xf32, #tpu.memory_space<vmem>>, vector<16xf32>,
        %min3A_1344 = arith.minimumf %min3A_1272, %get3A_1343 : vector<16xf32>
        %max3A_1345 = arith.maximumf %min3A_1272, %get3A_1343 : vector<16xf32>
        %min3A_1346 = arith.minimumf %min3A_1274, %max3A_1345 : vector<16xf32>
        %max3A_1347 = arith.maximumf %min3A_1274, %max3A_1345 : vector<16xf32>
        %min3A_1348 = arith.minimumf %min3A_1276, %max3A_1347 : vector<16xf32>
        %max3A_1349 = arith.maximumf %min3A_1276, %max3A_1347 : vector<16xf32>
        %min3A_1350 = arith.minimumf %min3A_1278, %max3A_1349 : vector<16xf32>
        %max3A_1351 = arith.maximumf %min3A_1278, %max3A_1349 : vector<16xf32>
        %min3A_1352 = arith.minimumf %min3A_1280, %max3A_1351 : vector<16xf32>
        %max3A_1353 = arith.maximumf %min3A_1280, %max3A_1351 : vector<16xf32>
        %get3A_1354 = arith.constant 0 : i32
        %get3A_1355 = arith.constant 0 : i32
        %get3A_1356 = arith.constant 0 : i32
        %get3A_1357 = tpu.memref_slice %run_scoped3A[%rem3A_199, %get3A_1355, %get3A_1356] : memref<2x1x2048xf32, #tpu.memory_space<vmem>> -> memref<1x1x2048xf32, #tpu.memory_space<vmem>>
        %get3A_1358 = tpu.memref_squeeze %get3A_1357 : memref<1x1x2048xf32, #tpu.memory_space<vmem>> -> memref<1x2048xf32, #tpu.memory_space<vmem>>
        %get3A_1359 = arith.index_cast %get3A_1354 : i32 to index
        %get3A_1360 = arith.constant 992 : index
        %get3A_1361 = tpu.vector_load %get3A_1358[%get3A_1359, %get3A_1360] {strides = array<i32>} : memref<1x2048xf32, #tpu.memory_space<vmem>>, vector<16xf32>,
        %min3A_1362 = arith.minimumf %min3A_1290, %get3A_1361 : vector<16xf32>
        %max3A_1363 = arith.maximumf %min3A_1290, %get3A_1361 : vector<16xf32>
        %min3A_1364 = arith.minimumf %min3A_1292, %max3A_1363 : vector<16xf32>
        %max3A_1365 = arith.maximumf %min3A_1292, %max3A_1363 : vector<16xf32>
        %min3A_1366 = arith.minimumf %min3A_1294, %max3A_1365 : vector<16xf32>
        %max3A_1367 = arith.maximumf %min3A_1294, %max3A_1365 : vector<16xf32>
        %min3A_1368 = arith.minimumf %min3A_1296, %max3A_1367 : vector<16xf32>
        %max3A_1369 = arith.maximumf %min3A_1296, %max3A_1367 : vector<16xf32>
        %min3A_1370 = arith.minimumf %min3A_1298, %max3A_1369 : vector<16xf32>
        %max3A_1371 = arith.maximumf %min3A_1298, %max3A_1369 : vector<16xf32>
        %get3A_1372 = arith.constant 0 : i32
        %get3A_1373 = arith.constant 0 : i32
        %get3A_1374 = arith.constant 0 : i32
        %get3A_1375 = tpu.memref_slice %run_scoped3A[%rem3A_199, %get3A_1373, %get3A_1374] : memref<2x1x2048xf32, #tpu.memory_space<vmem>> -> memref<1x1x2048xf32, #tpu.memory_space<vmem>>
        %get3A_1376 = tpu.memref_squeeze %get3A_1375 : memref<1x1x2048xf32, #tpu.memory_space<vmem>> -> memref<1x2048xf32, #tpu.memory_space<vmem>>
        %get3A_1377 = arith.index_cast %get3A_1372 : i32 to index
        %get3A_1378 = arith.constant 1008 : index
        %get3A_1379 = tpu.vector_load %get3A_1376[%get3A_1377, %get3A_1378] {strides = array<i32>} : memref<1x2048xf32, #tpu.memory_space<vmem>>, vector<16xf32>,
        %min3A_1380 = arith.minimumf %min3A_1308, %get3A_1379 : vector<16xf32>
        %max3A_1381 = arith.maximumf %min3A_1308, %get3A_1379 : vector<16xf32>
        %min3A_1382 = arith.minimumf %min3A_1310, %max3A_1381 : vector<16xf32>
        %max3A_1383 = arith.maximumf %min3A_1310, %max3A_1381 : vector<16xf32>
        %min3A_1384 = arith.minimumf %min3A_1312, %max3A_1383 : vector<16xf32>
        %max3A_1385 = arith.maximumf %min3A_1312, %max3A_1383 : vector<16xf32>
        %min3A_1386 = arith.minimumf %min3A_1314, %max3A_1385 : vector<16xf32>
        %max3A_1387 = arith.maximumf %min3A_1314, %max3A_1385 : vector<16xf32>
        %min3A_1388 = arith.minimumf %min3A_1316, %max3A_1387 : vector<16xf32>
        %max3A_1389 = arith.maximumf %min3A_1316, %max3A_1387 : vector<16xf32>
        %get3A_1390 = arith.constant 0 : i32
        %get3A_1391 = arith.constant 0 : i32
        %get3A_1392 = arith.constant 0 : i32
        %get3A_1393 = tpu.memref_slice %run_scoped3A[%rem3A_199, %get3A_1391, %get3A_1392] : memref<2x1x2048xf32, #tpu.memory_space<vmem>> -> memref<1x1x2048xf32, #tpu.memory_space<vmem>>
        %get3A_1394 = tpu.memref_squeeze %get3A_1393 : memref<1x1x2048xf32, #tpu.memory_space<vmem>> -> memref<1x2048xf32, #tpu.memory_space<vmem>>
        %get3A_1395 = arith.index_cast %get3A_1390 : i32 to index
        %get3A_1396 = arith.constant 1024 : index
        %get3A_1397 = tpu.vector_load %get3A_1394[%get3A_1395, %get3A_1396] {strides = array<i32>} : memref<1x2048xf32, #tpu.memory_space<vmem>>, vector<16xf32>,
        %min3A_1398 = arith.minimumf %min3A_1326, %get3A_1397 : vector<16xf32>
        %max3A_1399 = arith.maximumf %min3A_1326, %get3A_1397 : vector<16xf32>
        %min3A_1400 = arith.minimumf %min3A_1328, %max3A_1399 : vector<16xf32>
        %max3A_1401 = arith.maximumf %min3A_1328, %max3A_1399 : vector<16xf32>
        %min3A_1402 = arith.minimumf %min3A_1330, %max3A_1401 : vector<16xf32>
        %max3A_1403 = arith.maximumf %min3A_1330, %max3A_1401 : vector<16xf32>
        %min3A_1404 = arith.minimumf %min3A_1332, %max3A_1403 : vector<16xf32>
        %max3A_1405 = arith.maximumf %min3A_1332, %max3A_1403 : vector<16xf32>
        %min3A_1406 = arith.minimumf %min3A_1334, %max3A_1405 : vector<16xf32>
        %max3A_1407 = arith.maximumf %min3A_1334, %max3A_1405 : vector<16xf32>
        %get3A_1408 = arith.constant 0 : i32
        %get3A_1409 = arith.constant 0 : i32
        %get3A_1410 = arith.constant 0 : i32
        %get3A_1411 = tpu.memref_slice %run_scoped3A[%rem3A_199, %get3A_1409, %get3A_1410] : memref<2x1x2048xf32, #tpu.memory_space<vmem>> -> memref<1x1x2048xf32, #tpu.memory_space<vmem>>
        %get3A_1412 = tpu.memref_squeeze %get3A_1411 : memref<1x1x2048xf32, #tpu.memory_space<vmem>> -> memref<1x2048xf32, #tpu.memory_space<vmem>>
        %get3A_1413 = arith.index_cast %get3A_1408 : i32 to index
        %get3A_1414 = arith.constant 1040 : index
        %get3A_1415 = tpu.vector_load %get3A_1412[%get3A_1413, %get3A_1414] {strides = array<i32>} : memref<1x2048xf32, #tpu.memory_space<vmem>>, vector<16xf32>,
        %min3A_1416 = arith.minimumf %min3A_1344, %get3A_1415 : vector<16xf32>
        %max3A_1417 = arith.maximumf %min3A_1344, %get3A_1415 : vector<16xf32>
        %min3A_1418 = arith.minimumf %min3A_1346, %max3A_1417 : vector<16xf32>
        %max3A_1419 = arith.maximumf %min3A_1346, %max3A_1417 : vector<16xf32>
        %min3A_1420 = arith.minimumf %min3A_1348, %max3A_1419 : vector<16xf32>
        %max3A_1421 = arith.maximumf %min3A_1348, %max3A_1419 : vector<16xf32>
        %min3A_1422 = arith.minimumf %min3A_1350, %max3A_1421 : vector<16xf32>
        %max3A_1423 = arith.maximumf %min3A_1350, %max3A_1421 : vector<16xf32>
        %min3A_1424 = arith.minimumf %min3A_1352, %max3A_1423 : vector<16xf32>
        %max3A_1425 = arith.maximumf %min3A_1352, %max3A_1423 : vector<16xf32>
        %get3A_1426 = arith.constant 0 : i32
        %get3A_1427 = arith.constant 0 : i32
        %get3A_1428 = arith.constant 0 : i32
        %get3A_1429 = tpu.memref_slice %run_scoped3A[%rem3A_199, %get3A_1427, %get3A_1428] : memref<2x1x2048xf32, #tpu.memory_space<vmem>> -> memref<1x1x2048xf32, #tpu.memory_space<vmem>>
        %get3A_1430 = tpu.memref_squeeze %get3A_1429 : memref<1x1x2048xf32, #tpu.memory_space<vmem>> -> memref<1x2048xf32, #tpu.memory_space<vmem>>
        %get3A_1431 = arith.index_cast %get3A_1426 : i32 to index
        %get3A_1432 = arith.constant 1056 : index
        %get3A_1433 = tpu.vector_load %get3A_1430[%get3A_1431, %get3A_1432] {strides = array<i32>} : memref<1x2048xf32, #tpu.memory_space<vmem>>, vector<16xf32>,
        %min3A_1434 = arith.minimumf %min3A_1362, %get3A_1433 : vector<16xf32>
        %max3A_1435 = arith.maximumf %min3A_1362, %get3A_1433 : vector<16xf32>
        %min3A_1436 = arith.minimumf %min3A_1364, %max3A_1435 : vector<16xf32>
        %max3A_1437 = arith.maximumf %min3A_1364, %max3A_1435 : vector<16xf32>
        %min3A_1438 = arith.minimumf %min3A_1366, %max3A_1437 : vector<16xf32>
        %max3A_1439 = arith.maximumf %min3A_1366, %max3A_1437 : vector<16xf32>
        %min3A_1440 = arith.minimumf %min3A_1368, %max3A_1439 : vector<16xf32>
        %max3A_1441 = arith.maximumf %min3A_1368, %max3A_1439 : vector<16xf32>
        %min3A_1442 = arith.minimumf %min3A_1370, %max3A_1441 : vector<16xf32>
        %max3A_1443 = arith.maximumf %min3A_1370, %max3A_1441 : vector<16xf32>
        %get3A_1444 = arith.constant 0 : i32
        %get3A_1445 = arith.constant 0 : i32
        %get3A_1446 = arith.constant 0 : i32
        %get3A_1447 = tpu.memref_slice %run_scoped3A[%rem3A_199, %get3A_1445, %get3A_1446] : memref<2x1x2048xf32, #tpu.memory_space<vmem>> -> memref<1x1x2048xf32, #tpu.memory_space<vmem>>
        %get3A_1448 = tpu.memref_squeeze %get3A_1447 : memref<1x1x2048xf32, #tpu.memory_space<vmem>> -> memref<1x2048xf32, #tpu.memory_space<vmem>>
        %get3A_1449 = arith.index_cast %get3A_1444 : i32 to index
        %get3A_1450 = arith.constant 1072 : index
        %get3A_1451 = tpu.vector_load %get3A_1448[%get3A_1449, %get3A_1450] {strides = array<i32>} : memref<1x2048xf32, #tpu.memory_space<vmem>>, vector<16xf32>,
        %min3A_1452 = arith.minimumf %min3A_1380, %get3A_1451 : vector<16xf32>
        %max3A_1453 = arith.maximumf %min3A_1380, %get3A_1451 : vector<16xf32>
        %min3A_1454 = arith.minimumf %min3A_1382, %max3A_1453 : vector<16xf32>
        %max3A_1455 = arith.maximumf %min3A_1382, %max3A_1453 : vector<16xf32>
        %min3A_1456 = arith.minimumf %min3A_1384, %max3A_1455 : vector<16xf32>
        %max3A_1457 = arith.maximumf %min3A_1384, %max3A_1455 : vector<16xf32>
        %min3A_1458 = arith.minimumf %min3A_1386, %max3A_1457 : vector<16xf32>
        %max3A_1459 = arith.maximumf %min3A_1386, %max3A_1457 : vector<16xf32>
        %min3A_1460 = arith.minimumf %min3A_1388, %max3A_1459 : vector<16xf32>
        %max3A_1461 = arith.maximumf %min3A_1388, %max3A_1459 : vector<16xf32>
        %get3A_1462 = arith.constant 0 : i32
        %get3A_1463 = arith.constant 0 : i32
        %get3A_1464 = arith.constant 0 : i32
        %get3A_1465 = tpu.memref_slice %run_scoped3A[%rem3A_199, %get3A_1463, %get3A_1464] : memref<2x1x2048xf32, #tpu.memory_space<vmem>> -> memref<1x1x2048xf32, #tpu.memory_space<vmem>>
        %get3A_1466 = tpu.memref_squeeze %get3A_1465 : memref<1x1x2048xf32, #tpu.memory_space<vmem>> -> memref<1x2048xf32, #tpu.memory_space<vmem>>
        %get3A_1467 = arith.index_cast %get3A_1462 : i32 to index
        %get3A_1468 = arith.constant 1088 : index
        %get3A_1469 = tpu.vector_load %get3A_1466[%get3A_1467, %get3A_1468] {strides = array<i32>} : memref<1x2048xf32, #tpu.memory_space<vmem>>, vector<16xf32>,
        %min3A_1470 = arith.minimumf %min3A_1398, %get3A_1469 : vector<16xf32>
        %max3A_1471 = arith.maximumf %min3A_1398, %get3A_1469 : vector<16xf32>
        %min3A_1472 = arith.minimumf %min3A_1400, %max3A_1471 : vector<16xf32>
        %max3A_1473 = arith.maximumf %min3A_1400, %max3A_1471 : vector<16xf32>
        %min3A_1474 = arith.minimumf %min3A_1402, %max3A_1473 : vector<16xf32>
        %max3A_1475 = arith.maximumf %min3A_1402, %max3A_1473 : vector<16xf32>
        %min3A_1476 = arith.minimumf %min3A_1404, %max3A_1475 : vector<16xf32>
        %max3A_1477 = arith.maximumf %min3A_1404, %max3A_1475 : vector<16xf32>
        %min3A_1478 = arith.minimumf %min3A_1406, %max3A_1477 : vector<16xf32>
        %max3A_1479 = arith.maximumf %min3A_1406, %max3A_1477 : vector<16xf32>
        %get3A_1480 = arith.constant 0 : i32
        %get3A_1481 = arith.constant 0 : i32
        %get3A_1482 = arith.constant 0 : i32
        %get3A_1483 = tpu.memref_slice %run_scoped3A[%rem3A_199, %get3A_1481, %get3A_1482] : memref<2x1x2048xf32, #tpu.memory_space<vmem>> -> memref<1x1x2048xf32, #tpu.memory_space<vmem>>
        %get3A_1484 = tpu.memref_squeeze %get3A_1483 : memref<1x1x2048xf32, #tpu.memory_space<vmem>> -> memref<1x2048xf32, #tpu.memory_space<vmem>>
        %get3A_1485 = arith.index_cast %get3A_1480 : i32 to index
        %get3A_1486 = arith.constant 1104 : index
        %get3A_1487 = tpu.vector_load %get3A_1484[%get3A_1485, %get3A_1486] {strides = array<i32>} : memref<1x2048xf32, #tpu.memory_space<vmem>>, vector<16xf32>,
        %min3A_1488 = arith.minimumf %min3A_1416, %get3A_1487 : vector<16xf32>
        %max3A_1489 = arith.maximumf %min3A_1416, %get3A_1487 : vector<16xf32>
        %min3A_1490 = arith.minimumf %min3A_1418, %max3A_1489 : vector<16xf32>
        %max3A_1491 = arith.maximumf %min3A_1418, %max3A_1489 : vector<16xf32>
        %min3A_1492 = arith.minimumf %min3A_1420, %max3A_1491 : vector<16xf32>
        %max3A_1493 = arith.maximumf %min3A_1420, %max3A_1491 : vector<16xf32>
        %min3A_1494 = arith.minimumf %min3A_1422, %max3A_1493 : vector<16xf32>
        %max3A_1495 = arith.maximumf %min3A_1422, %max3A_1493 : vector<16xf32>
        %min3A_1496 = arith.minimumf %min3A_1424, %max3A_1495 : vector<16xf32>
        %max3A_1497 = arith.maximumf %min3A_1424, %max3A_1495 : vector<16xf32>
        %get3A_1498 = arith.constant 0 : i32
        %get3A_1499 = arith.constant 0 : i32
        %get3A_1500 = arith.constant 0 : i32
        %get3A_1501 = tpu.memref_slice %run_scoped3A[%rem3A_199, %get3A_1499, %get3A_1500] : memref<2x1x2048xf32, #tpu.memory_space<vmem>> -> memref<1x1x2048xf32, #tpu.memory_space<vmem>>
        %get3A_1502 = tpu.memref_squeeze %get3A_1501 : memref<1x1x2048xf32, #tpu.memory_space<vmem>> -> memref<1x2048xf32, #tpu.memory_space<vmem>>
        %get3A_1503 = arith.index_cast %get3A_1498 : i32 to index
        %get3A_1504 = arith.constant 1120 : index
        %get3A_1505 = tpu.vector_load %get3A_1502[%get3A_1503, %get3A_1504] {strides = array<i32>} : memref<1x2048xf32, #tpu.memory_space<vmem>>, vector<16xf32>,
        %min3A_1506 = arith.minimumf %min3A_1434, %get3A_1505 : vector<16xf32>
        %max3A_1507 = arith.maximumf %min3A_1434, %get3A_1505 : vector<16xf32>
        %min3A_1508 = arith.minimumf %min3A_1436, %max3A_1507 : vector<16xf32>
        %max3A_1509 = arith.maximumf %min3A_1436, %max3A_1507 : vector<16xf32>
        %min3A_1510 = arith.minimumf %min3A_1438, %max3A_1509 : vector<16xf32>
        %max3A_1511 = arith.maximumf %min3A_1438, %max3A_1509 : vector<16xf32>
        %min3A_1512 = arith.minimumf %min3A_1440, %max3A_1511 : vector<16xf32>
        %max3A_1513 = arith.maximumf %min3A_1440, %max3A_1511 : vector<16xf32>
        %min3A_1514 = arith.minimumf %min3A_1442, %max3A_1513 : vector<16xf32>
        %max3A_1515 = arith.maximumf %min3A_1442, %max3A_1513 : vector<16xf32>
        %get3A_1516 = arith.constant 0 : i32
        %get3A_1517 = arith.constant 0 : i32
        %get3A_1518 = arith.constant 0 : i32
        %get3A_1519 = tpu.memref_slice %run_scoped3A[%rem3A_199, %get3A_1517, %get3A_1518] : memref<2x1x2048xf32, #tpu.memory_space<vmem>> -> memref<1x1x2048xf32, #tpu.memory_space<vmem>>
        %get3A_1520 = tpu.memref_squeeze %get3A_1519 : memref<1x1x2048xf32, #tpu.memory_space<vmem>> -> memref<1x2048xf32, #tpu.memory_space<vmem>>
        %get3A_1521 = arith.index_cast %get3A_1516 : i32 to index
        %get3A_1522 = arith.constant 1136 : index
        %get3A_1523 = tpu.vector_load %get3A_1520[%get3A_1521, %get3A_1522] {strides = array<i32>} : memref<1x2048xf32, #tpu.memory_space<vmem>>, vector<16xf32>,
        %min3A_1524 = arith.minimumf %min3A_1452, %get3A_1523 : vector<16xf32>
        %max3A_1525 = arith.maximumf %min3A_1452, %get3A_1523 : vector<16xf32>
        %min3A_1526 = arith.minimumf %min3A_1454, %max3A_1525 : vector<16xf32>
        %max3A_1527 = arith.maximumf %min3A_1454, %max3A_1525 : vector<16xf32>
        %min3A_1528 = arith.minimumf %min3A_1456, %max3A_1527 : vector<16xf32>
        %max3A_1529 = arith.maximumf %min3A_1456, %max3A_1527 : vector<16xf32>
        %min3A_1530 = arith.minimumf %min3A_1458, %max3A_1529 : vector<16xf32>
        %max3A_1531 = arith.maximumf %min3A_1458, %max3A_1529 : vector<16xf32>
        %min3A_1532 = arith.minimumf %min3A_1460, %max3A_1531 : vector<16xf32>
        %max3A_1533 = arith.maximumf %min3A_1460, %max3A_1531 : vector<16xf32>
        %get3A_1534 = arith.constant 0 : i32
        %get3A_1535 = arith.constant 0 : i32
        %get3A_1536 = arith.constant 0 : i32
        %get3A_1537 = tpu.memref_slice %run_scoped3A[%rem3A_199, %get3A_1535, %get3A_1536] : memref<2x1x2048xf32, #tpu.memory_space<vmem>> -> memref<1x1x2048xf32, #tpu.memory_space<vmem>>
        %get3A_1538 = tpu.memref_squeeze %get3A_1537 : memref<1x1x2048xf32, #tpu.memory_space<vmem>> -> memref<1x2048xf32, #tpu.memory_space<vmem>>
        %get3A_1539 = arith.index_cast %get3A_1534 : i32 to index
        %get3A_1540 = arith.constant 1152 : index
        %get3A_1541 = tpu.vector_load %get3A_1538[%get3A_1539, %get3A_1540] {strides = array<i32>} : memref<1x2048xf32, #tpu.memory_space<vmem>>, vector<16xf32>,
        %min3A_1542 = arith.minimumf %min3A_1470, %get3A_1541 : vector<16xf32>
        %max3A_1543 = arith.maximumf %min3A_1470, %get3A_1541 : vector<16xf32>
        %min3A_1544 = arith.minimumf %min3A_1472, %max3A_1543 : vector<16xf32>
        %max3A_1545 = arith.maximumf %min3A_1472, %max3A_1543 : vector<16xf32>
        %min3A_1546 = arith.minimumf %min3A_1474, %max3A_1545 : vector<16xf32>
        %max3A_1547 = arith.maximumf %min3A_1474, %max3A_1545 : vector<16xf32>
        %min3A_1548 = arith.minimumf %min3A_1476, %max3A_1547 : vector<16xf32>
        %max3A_1549 = arith.maximumf %min3A_1476, %max3A_1547 : vector<16xf32>
        %min3A_1550 = arith.minimumf %min3A_1478, %max3A_1549 : vector<16xf32>
        %max3A_1551 = arith.maximumf %min3A_1478, %max3A_1549 : vector<16xf32>
        %get3A_1552 = arith.constant 0 : i32
        %get3A_1553 = arith.constant 0 : i32
        %get3A_1554 = arith.constant 0 : i32
        %get3A_1555 = tpu.memref_slice %run_scoped3A[%rem3A_199, %get3A_1553, %get3A_1554] : memref<2x1x2048xf32, #tpu.memory_space<vmem>> -> memref<1x1x2048xf32, #tpu.memory_space<vmem>>
        %get3A_1556 = tpu.memref_squeeze %get3A_1555 : memref<1x1x2048xf32, #tpu.memory_space<vmem>> -> memref<1x2048xf32, #tpu.memory_space<vmem>>
        %get3A_1557 = arith.index_cast %get3A_1552 : i32 to index
        %get3A_1558 = arith.constant 1168 : index
        %get3A_1559 = tpu.vector_load %get3A_1556[%get3A_1557, %get3A_1558] {strides = array<i32>} : memref<1x2048xf32, #tpu.memory_space<vmem>>, vector<16xf32>,
        %min3A_1560 = arith.minimumf %min3A_1488, %get3A_1559 : vector<16xf32>
        %max3A_1561 = arith.maximumf %min3A_1488, %get3A_1559 : vector<16xf32>
        %min3A_1562 = arith.minimumf %min3A_1490, %max3A_1561 : vector<16xf32>
        %max3A_1563 = arith.maximumf %min3A_1490, %max3A_1561 : vector<16xf32>
        %min3A_1564 = arith.minimumf %min3A_1492, %max3A_1563 : vector<16xf32>
        %max3A_1565 = arith.maximumf %min3A_1492, %max3A_1563 : vector<16xf32>
        %min3A_1566 = arith.minimumf %min3A_1494, %max3A_1565 : vector<16xf32>
        %max3A_1567 = arith.maximumf %min3A_1494, %max3A_1565 : vector<16xf32>
        %min3A_1568 = arith.minimumf %min3A_1496, %max3A_1567 : vector<16xf32>
        %max3A_1569 = arith.maximumf %min3A_1496, %max3A_1567 : vector<16xf32>
        %get3A_1570 = arith.constant 0 : i32
        %get3A_1571 = arith.constant 0 : i32
        %get3A_1572 = arith.constant 0 : i32
        %get3A_1573 = tpu.memref_slice %run_scoped3A[%rem3A_199, %get3A_1571, %get3A_1572] : memref<2x1x2048xf32, #tpu.memory_space<vmem>> -> memref<1x1x2048xf32, #tpu.memory_space<vmem>>
        %get3A_1574 = tpu.memref_squeeze %get3A_1573 : memref<1x1x2048xf32, #tpu.memory_space<vmem>> -> memref<1x2048xf32, #tpu.memory_space<vmem>>
        %get3A_1575 = arith.index_cast %get3A_1570 : i32 to index
        %get3A_1576 = arith.constant 1184 : index
        %get3A_1577 = tpu.vector_load %get3A_1574[%get3A_1575, %get3A_1576] {strides = array<i32>} : memref<1x2048xf32, #tpu.memory_space<vmem>>, vector<16xf32>,
        %min3A_1578 = arith.minimumf %min3A_1506, %get3A_1577 : vector<16xf32>
        %max3A_1579 = arith.maximumf %min3A_1506, %get3A_1577 : vector<16xf32>
        %min3A_1580 = arith.minimumf %min3A_1508, %max3A_1579 : vector<16xf32>
        %max3A_1581 = arith.maximumf %min3A_1508, %max3A_1579 : vector<16xf32>
        %min3A_1582 = arith.minimumf %min3A_1510, %max3A_1581 : vector<16xf32>
        %max3A_1583 = arith.maximumf %min3A_1510, %max3A_1581 : vector<16xf32>
        %min3A_1584 = arith.minimumf %min3A_1512, %max3A_1583 : vector<16xf32>
        %max3A_1585 = arith.maximumf %min3A_1512, %max3A_1583 : vector<16xf32>
        %min3A_1586 = arith.minimumf %min3A_1514, %max3A_1585 : vector<16xf32>
        %max3A_1587 = arith.maximumf %min3A_1514, %max3A_1585 : vector<16xf32>
        %get3A_1588 = arith.constant 0 : i32
        %get3A_1589 = arith.constant 0 : i32
        %get3A_1590 = arith.constant 0 : i32
        %get3A_1591 = tpu.memref_slice %run_scoped3A[%rem3A_199, %get3A_1589, %get3A_1590] : memref<2x1x2048xf32, #tpu.memory_space<vmem>> -> memref<1x1x2048xf32, #tpu.memory_space<vmem>>
        %get3A_1592 = tpu.memref_squeeze %get3A_1591 : memref<1x1x2048xf32, #tpu.memory_space<vmem>> -> memref<1x2048xf32, #tpu.memory_space<vmem>>
        %get3A_1593 = arith.index_cast %get3A_1588 : i32 to index
        %get3A_1594 = arith.constant 1200 : index
        %get3A_1595 = tpu.vector_load %get3A_1592[%get3A_1593, %get3A_1594] {strides = array<i32>} : memref<1x2048xf32, #tpu.memory_space<vmem>>, vector<16xf32>,
        %min3A_1596 = arith.minimumf %min3A_1524, %get3A_1595 : vector<16xf32>
        %max3A_1597 = arith.maximumf %min3A_1524, %get3A_1595 : vector<16xf32>
        %min3A_1598 = arith.minimumf %min3A_1526, %max3A_1597 : vector<16xf32>
        %max3A_1599 = arith.maximumf %min3A_1526, %max3A_1597 : vector<16xf32>
        %min3A_1600 = arith.minimumf %min3A_1528, %max3A_1599 : vector<16xf32>
        %max3A_1601 = arith.maximumf %min3A_1528, %max3A_1599 : vector<16xf32>
        %min3A_1602 = arith.minimumf %min3A_1530, %max3A_1601 : vector<16xf32>
        %max3A_1603 = arith.maximumf %min3A_1530, %max3A_1601 : vector<16xf32>
        %min3A_1604 = arith.minimumf %min3A_1532, %max3A_1603 : vector<16xf32>
        %max3A_1605 = arith.maximumf %min3A_1532, %max3A_1603 : vector<16xf32>
        %get3A_1606 = arith.constant 0 : i32
        %get3A_1607 = arith.constant 0 : i32
        %get3A_1608 = arith.constant 0 : i32
        %get3A_1609 = tpu.memref_slice %run_scoped3A[%rem3A_199, %get3A_1607, %get3A_1608] : memref<2x1x2048xf32, #tpu.memory_space<vmem>> -> memref<1x1x2048xf32, #tpu.memory_space<vmem>>
        %get3A_1610 = tpu.memref_squeeze %get3A_1609 : memref<1x1x2048xf32, #tpu.memory_space<vmem>> -> memref<1x2048xf32, #tpu.memory_space<vmem>>
        %get3A_1611 = arith.index_cast %get3A_1606 : i32 to index
        %get3A_1612 = arith.constant 1216 : index
        %get3A_1613 = tpu.vector_load %get3A_1610[%get3A_1611, %get3A_1612] {strides = array<i32>} : memref<1x2048xf32, #tpu.memory_space<vmem>>, vector<16xf32>,
        %min3A_1614 = arith.minimumf %min3A_1542, %get3A_1613 : vector<16xf32>
        %max3A_1615 = arith.maximumf %min3A_1542, %get3A_1613 : vector<16xf32>
        %min3A_1616 = arith.minimumf %min3A_1544, %max3A_1615 : vector<16xf32>
        %max3A_1617 = arith.maximumf %min3A_1544, %max3A_1615 : vector<16xf32>
        %min3A_1618 = arith.minimumf %min3A_1546, %max3A_1617 : vector<16xf32>
        %max3A_1619 = arith.maximumf %min3A_1546, %max3A_1617 : vector<16xf32>
        %min3A_1620 = arith.minimumf %min3A_1548, %max3A_1619 : vector<16xf32>
        %max3A_1621 = arith.maximumf %min3A_1548, %max3A_1619 : vector<16xf32>
        %min3A_1622 = arith.minimumf %min3A_1550, %max3A_1621 : vector<16xf32>
        %max3A_1623 = arith.maximumf %min3A_1550, %max3A_1621 : vector<16xf32>
        %get3A_1624 = arith.constant 0 : i32
        %get3A_1625 = arith.constant 0 : i32
        %get3A_1626 = arith.constant 0 : i32
        %get3A_1627 = tpu.memref_slice %run_scoped3A[%rem3A_199, %get3A_1625, %get3A_1626] : memref<2x1x2048xf32, #tpu.memory_space<vmem>> -> memref<1x1x2048xf32, #tpu.memory_space<vmem>>
        %get3A_1628 = tpu.memref_squeeze %get3A_1627 : memref<1x1x2048xf32, #tpu.memory_space<vmem>> -> memref<1x2048xf32, #tpu.memory_space<vmem>>
        %get3A_1629 = arith.index_cast %get3A_1624 : i32 to index
        %get3A_1630 = arith.constant 1232 : index
        %get3A_1631 = tpu.vector_load %get3A_1628[%get3A_1629, %get3A_1630] {strides = array<i32>} : memref<1x2048xf32, #tpu.memory_space<vmem>>, vector<16xf32>,
        %min3A_1632 = arith.minimumf %min3A_1560, %get3A_1631 : vector<16xf32>
        %max3A_1633 = arith.maximumf %min3A_1560, %get3A_1631 : vector<16xf32>
        %min3A_1634 = arith.minimumf %min3A_1562, %max3A_1633 : vector<16xf32>
        %max3A_1635 = arith.maximumf %min3A_1562, %max3A_1633 : vector<16xf32>
        %min3A_1636 = arith.minimumf %min3A_1564, %max3A_1635 : vector<16xf32>
        %max3A_1637 = arith.maximumf %min3A_1564, %max3A_1635 : vector<16xf32>
        %min3A_1638 = arith.minimumf %min3A_1566, %max3A_1637 : vector<16xf32>
        %max3A_1639 = arith.maximumf %min3A_1566, %max3A_1637 : vector<16xf32>
        %min3A_1640 = arith.minimumf %min3A_1568, %max3A_1639 : vector<16xf32>
        %max3A_1641 = arith.maximumf %min3A_1568, %max3A_1639 : vector<16xf32>
        %get3A_1642 = arith.constant 0 : i32
        %get3A_1643 = arith.constant 0 : i32
        %get3A_1644 = arith.constant 0 : i32
        %get3A_1645 = tpu.memref_slice %run_scoped3A[%rem3A_199, %get3A_1643, %get3A_1644] : memref<2x1x2048xf32, #tpu.memory_space<vmem>> -> memref<1x1x2048xf32, #tpu.memory_space<vmem>>
        %get3A_1646 = tpu.memref_squeeze %get3A_1645 : memref<1x1x2048xf32, #tpu.memory_space<vmem>> -> memref<1x2048xf32, #tpu.memory_space<vmem>>
        %get3A_1647 = arith.index_cast %get3A_1642 : i32 to index
        %get3A_1648 = arith.constant 1248 : index
        %get3A_1649 = tpu.vector_load %get3A_1646[%get3A_1647, %get3A_1648] {strides = array<i32>} : memref<1x2048xf32, #tpu.memory_space<vmem>>, vector<16xf32>,
        %min3A_1650 = arith.minimumf %min3A_1578, %get3A_1649 : vector<16xf32>
        %max3A_1651 = arith.maximumf %min3A_1578, %get3A_1649 : vector<16xf32>
        %min3A_1652 = arith.minimumf %min3A_1580, %max3A_1651 : vector<16xf32>
        %max3A_1653 = arith.maximumf %min3A_1580, %max3A_1651 : vector<16xf32>
        %min3A_1654 = arith.minimumf %min3A_1582, %max3A_1653 : vector<16xf32>
        %max3A_1655 = arith.maximumf %min3A_1582, %max3A_1653 : vector<16xf32>
        %min3A_1656 = arith.minimumf %min3A_1584, %max3A_1655 : vector<16xf32>
        %max3A_1657 = arith.maximumf %min3A_1584, %max3A_1655 : vector<16xf32>
        %min3A_1658 = arith.minimumf %min3A_1586, %max3A_1657 : vector<16xf32>
        %max3A_1659 = arith.maximumf %min3A_1586, %max3A_1657 : vector<16xf32>
        %get3A_1660 = arith.constant 0 : i32
        %get3A_1661 = arith.constant 0 : i32
        %get3A_1662 = arith.constant 0 : i32
        %get3A_1663 = tpu.memref_slice %run_scoped3A[%rem3A_199, %get3A_1661, %get3A_1662] : memref<2x1x2048xf32, #tpu.memory_space<vmem>> -> memref<1x1x2048xf32, #tpu.memory_space<vmem>>
        %get3A_1664 = tpu.memref_squeeze %get3A_1663 : memref<1x1x2048xf32, #tpu.memory_space<vmem>> -> memref<1x2048xf32, #tpu.memory_space<vmem>>
        %get3A_1665 = arith.index_cast %get3A_1660 : i32 to index
        %get3A_1666 = arith.constant 1264 : index
        %get3A_1667 = tpu.vector_load %get3A_1664[%get3A_1665, %get3A_1666] {strides = array<i32>} : memref<1x2048xf32, #tpu.memory_space<vmem>>, vector<16xf32>,
        %min3A_1668 = arith.minimumf %min3A_1596, %get3A_1667 : vector<16xf32>
        %max3A_1669 = arith.maximumf %min3A_1596, %get3A_1667 : vector<16xf32>
        %min3A_1670 = arith.minimumf %min3A_1598, %max3A_1669 : vector<16xf32>
        %max3A_1671 = arith.maximumf %min3A_1598, %max3A_1669 : vector<16xf32>
        %min3A_1672 = arith.minimumf %min3A_1600, %max3A_1671 : vector<16xf32>
        %max3A_1673 = arith.maximumf %min3A_1600, %max3A_1671 : vector<16xf32>
        %min3A_1674 = arith.minimumf %min3A_1602, %max3A_1673 : vector<16xf32>
        %max3A_1675 = arith.maximumf %min3A_1602, %max3A_1673 : vector<16xf32>
        %min3A_1676 = arith.minimumf %min3A_1604, %max3A_1675 : vector<16xf32>
        %max3A_1677 = arith.maximumf %min3A_1604, %max3A_1675 : vector<16xf32>
        %get3A_1678 = arith.constant 0 : i32
        %get3A_1679 = arith.constant 0 : i32
        %get3A_1680 = arith.constant 0 : i32
        %get3A_1681 = tpu.memref_slice %run_scoped3A[%rem3A_199, %get3A_1679, %get3A_1680] : memref<2x1x2048xf32, #tpu.memory_space<vmem>> -> memref<1x1x2048xf32, #tpu.memory_space<vmem>>
        %get3A_1682 = tpu.memref_squeeze %get3A_1681 : memref<1x1x2048xf32, #tpu.memory_space<vmem>> -> memref<1x2048xf32, #tpu.memory_space<vmem>>
        %get3A_1683 = arith.index_cast %get3A_1678 : i32 to index
        %get3A_1684 = arith.constant 1280 : index
        %get3A_1685 = tpu.vector_load %get3A_1682[%get3A_1683, %get3A_1684] {strides = array<i32>} : memref<1x2048xf32, #tpu.memory_space<vmem>>, vector<16xf32>,
        %min3A_1686 = arith.minimumf %min3A_1614, %get3A_1685 : vector<16xf32>
        %max3A_1687 = arith.maximumf %min3A_1614, %get3A_1685 : vector<16xf32>
        %min3A_1688 = arith.minimumf %min3A_1616, %max3A_1687 : vector<16xf32>
        %max3A_1689 = arith.maximumf %min3A_1616, %max3A_1687 : vector<16xf32>
        %min3A_1690 = arith.minimumf %min3A_1618, %max3A_1689 : vector<16xf32>
        %max3A_1691 = arith.maximumf %min3A_1618, %max3A_1689 : vector<16xf32>
        %min3A_1692 = arith.minimumf %min3A_1620, %max3A_1691 : vector<16xf32>
        %max3A_1693 = arith.maximumf %min3A_1620, %max3A_1691 : vector<16xf32>
        %min3A_1694 = arith.minimumf %min3A_1622, %max3A_1693 : vector<16xf32>
        %max3A_1695 = arith.maximumf %min3A_1622, %max3A_1693 : vector<16xf32>
        %get3A_1696 = arith.constant 0 : i32
        %get3A_1697 = arith.constant 0 : i32
        %get3A_1698 = arith.constant 0 : i32
        %get3A_1699 = tpu.memref_slice %run_scoped3A[%rem3A_199, %get3A_1697, %get3A_1698] : memref<2x1x2048xf32, #tpu.memory_space<vmem>> -> memref<1x1x2048xf32, #tpu.memory_space<vmem>>
        %get3A_1700 = tpu.memref_squeeze %get3A_1699 : memref<1x1x2048xf32, #tpu.memory_space<vmem>> -> memref<1x2048xf32, #tpu.memory_space<vmem>>
        %get3A_1701 = arith.index_cast %get3A_1696 : i32 to index
        %get3A_1702 = arith.constant 1296 : index
        %get3A_1703 = tpu.vector_load %get3A_1700[%get3A_1701, %get3A_1702] {strides = array<i32>} : memref<1x2048xf32, #tpu.memory_space<vmem>>, vector<16xf32>,
        %min3A_1704 = arith.minimumf %min3A_1632, %get3A_1703 : vector<16xf32>
        %max3A_1705 = arith.maximumf %min3A_1632, %get3A_1703 : vector<16xf32>
        %min3A_1706 = arith.minimumf %min3A_1634, %max3A_1705 : vector<16xf32>
        %max3A_1707 = arith.maximumf %min3A_1634, %max3A_1705 : vector<16xf32>
        %min3A_1708 = arith.minimumf %min3A_1636, %max3A_1707 : vector<16xf32>
        %max3A_1709 = arith.maximumf %min3A_1636, %max3A_1707 : vector<16xf32>
        %min3A_1710 = arith.minimumf %min3A_1638, %max3A_1709 : vector<16xf32>
        %max3A_1711 = arith.maximumf %min3A_1638, %max3A_1709 : vector<16xf32>
        %min3A_1712 = arith.minimumf %min3A_1640, %max3A_1711 : vector<16xf32>
        %max3A_1713 = arith.maximumf %min3A_1640, %max3A_1711 : vector<16xf32>
        %get3A_1714 = arith.constant 0 : i32
        %get3A_1715 = arith.constant 0 : i32
        %get3A_1716 = arith.constant 0 : i32
        %get3A_1717 = tpu.memref_slice %run_scoped3A[%rem3A_199, %get3A_1715, %get3A_1716] : memref<2x1x2048xf32, #tpu.memory_space<vmem>> -> memref<1x1x2048xf32, #tpu.memory_space<vmem>>
        %get3A_1718 = tpu.memref_squeeze %get3A_1717 : memref<1x1x2048xf32, #tpu.memory_space<vmem>> -> memref<1x2048xf32, #tpu.memory_space<vmem>>
        %get3A_1719 = arith.index_cast %get3A_1714 : i32 to index
        %get3A_1720 = arith.constant 1312 : index
        %get3A_1721 = tpu.vector_load %get3A_1718[%get3A_1719, %get3A_1720] {strides = array<i32>} : memref<1x2048xf32, #tpu.memory_space<vmem>>, vector<16xf32>,
        %min3A_1722 = arith.minimumf %min3A_1650, %get3A_1721 : vector<16xf32>
        %max3A_1723 = arith.maximumf %min3A_1650, %get3A_1721 : vector<16xf32>
        %min3A_1724 = arith.minimumf %min3A_1652, %max3A_1723 : vector<16xf32>
        %max3A_1725 = arith.maximumf %min3A_1652, %max3A_1723 : vector<16xf32>
        %min3A_1726 = arith.minimumf %min3A_1654, %max3A_1725 : vector<16xf32>
        %max3A_1727 = arith.maximumf %min3A_1654, %max3A_1725 : vector<16xf32>
        %min3A_1728 = arith.minimumf %min3A_1656, %max3A_1727 : vector<16xf32>
        %max3A_1729 = arith.maximumf %min3A_1656, %max3A_1727 : vector<16xf32>
        %min3A_1730 = arith.minimumf %min3A_1658, %max3A_1729 : vector<16xf32>
        %max3A_1731 = arith.maximumf %min3A_1658, %max3A_1729 : vector<16xf32>
        %get3A_1732 = arith.constant 0 : i32
        %get3A_1733 = arith.constant 0 : i32
        %get3A_1734 = arith.constant 0 : i32
        %get3A_1735 = tpu.memref_slice %run_scoped3A[%rem3A_199, %get3A_1733, %get3A_1734] : memref<2x1x2048xf32, #tpu.memory_space<vmem>> -> memref<1x1x2048xf32, #tpu.memory_space<vmem>>
        %get3A_1736 = tpu.memref_squeeze %get3A_1735 : memref<1x1x2048xf32, #tpu.memory_space<vmem>> -> memref<1x2048xf32, #tpu.memory_space<vmem>>
        %get3A_1737 = arith.index_cast %get3A_1732 : i32 to index
        %get3A_1738 = arith.constant 1328 : index
        %get3A_1739 = tpu.vector_load %get3A_1736[%get3A_1737, %get3A_1738] {strides = array<i32>} : memref<1x2048xf32, #tpu.memory_space<vmem>>, vector<16xf32>,
        %min3A_1740 = arith.minimumf %min3A_1668, %get3A_1739 : vector<16xf32>
        %max3A_1741 = arith.maximumf %min3A_1668, %get3A_1739 : vector<16xf32>
        %min3A_1742 = arith.minimumf %min3A_1670, %max3A_1741 : vector<16xf32>
        %max3A_1743 = arith.maximumf %min3A_1670, %max3A_1741 : vector<16xf32>
        %min3A_1744 = arith.minimumf %min3A_1672, %max3A_1743 : vector<16xf32>
        %max3A_1745 = arith.maximumf %min3A_1672, %max3A_1743 : vector<16xf32>
        %min3A_1746 = arith.minimumf %min3A_1674, %max3A_1745 : vector<16xf32>
        %max3A_1747 = arith.maximumf %min3A_1674, %max3A_1745 : vector<16xf32>
        %min3A_1748 = arith.minimumf %min3A_1676, %max3A_1747 : vector<16xf32>
        %max3A_1749 = arith.maximumf %min3A_1676, %max3A_1747 : vector<16xf32>
        %get3A_1750 = arith.constant 0 : i32
        %get3A_1751 = arith.constant 0 : i32
        %get3A_1752 = arith.constant 0 : i32
        %get3A_1753 = tpu.memref_slice %run_scoped3A[%rem3A_199, %get3A_1751, %get3A_1752] : memref<2x1x2048xf32, #tpu.memory_space<vmem>> -> memref<1x1x2048xf32, #tpu.memory_space<vmem>>
        %get3A_1754 = tpu.memref_squeeze %get3A_1753 : memref<1x1x2048xf32, #tpu.memory_space<vmem>> -> memref<1x2048xf32, #tpu.memory_space<vmem>>
        %get3A_1755 = arith.index_cast %get3A_1750 : i32 to index
        %get3A_1756 = arith.constant 1344 : index
        %get3A_1757 = tpu.vector_load %get3A_1754[%get3A_1755, %get3A_1756] {strides = array<i32>} : memref<1x2048xf32, #tpu.memory_space<vmem>>, vector<16xf32>,
        %min3A_1758 = arith.minimumf %min3A_1686, %get3A_1757 : vector<16xf32>
        %max3A_1759 = arith.maximumf %min3A_1686, %get3A_1757 : vector<16xf32>
        %min3A_1760 = arith.minimumf %min3A_1688, %max3A_1759 : vector<16xf32>
        %max3A_1761 = arith.maximumf %min3A_1688, %max3A_1759 : vector<16xf32>
        %min3A_1762 = arith.minimumf %min3A_1690, %max3A_1761 : vector<16xf32>
        %max3A_1763 = arith.maximumf %min3A_1690, %max3A_1761 : vector<16xf32>
        %min3A_1764 = arith.minimumf %min3A_1692, %max3A_1763 : vector<16xf32>
        %max3A_1765 = arith.maximumf %min3A_1692, %max3A_1763 : vector<16xf32>
        %min3A_1766 = arith.minimumf %min3A_1694, %max3A_1765 : vector<16xf32>
        %max3A_1767 = arith.maximumf %min3A_1694, %max3A_1765 : vector<16xf32>
        %get3A_1768 = arith.constant 0 : i32
        %get3A_1769 = arith.constant 0 : i32
        %get3A_1770 = arith.constant 0 : i32
        %get3A_1771 = tpu.memref_slice %run_scoped3A[%rem3A_199, %get3A_1769, %get3A_1770] : memref<2x1x2048xf32, #tpu.memory_space<vmem>> -> memref<1x1x2048xf32, #tpu.memory_space<vmem>>
        %get3A_1772 = tpu.memref_squeeze %get3A_1771 : memref<1x1x2048xf32, #tpu.memory_space<vmem>> -> memref<1x2048xf32, #tpu.memory_space<vmem>>
        %get3A_1773 = arith.index_cast %get3A_1768 : i32 to index
        %get3A_1774 = arith.constant 1360 : index
        %get3A_1775 = tpu.vector_load %get3A_1772[%get3A_1773, %get3A_1774] {strides = array<i32>} : memref<1x2048xf32, #tpu.memory_space<vmem>>, vector<16xf32>,
        %min3A_1776 = arith.minimumf %min3A_1704, %get3A_1775 : vector<16xf32>
        %max3A_1777 = arith.maximumf %min3A_1704, %get3A_1775 : vector<16xf32>
        %min3A_1778 = arith.minimumf %min3A_1706, %max3A_1777 : vector<16xf32>
        %max3A_1779 = arith.maximumf %min3A_1706, %max3A_1777 : vector<16xf32>
        %min3A_1780 = arith.minimumf %min3A_1708, %max3A_1779 : vector<16xf32>
        %max3A_1781 = arith.maximumf %min3A_1708, %max3A_1779 : vector<16xf32>
        %min3A_1782 = arith.minimumf %min3A_1710, %max3A_1781 : vector<16xf32>
        %max3A_1783 = arith.maximumf %min3A_1710, %max3A_1781 : vector<16xf32>
        %min3A_1784 = arith.minimumf %min3A_1712, %max3A_1783 : vector<16xf32>
        %max3A_1785 = arith.maximumf %min3A_1712, %max3A_1783 : vector<16xf32>
        %get3A_1786 = arith.constant 0 : i32
        %get3A_1787 = arith.constant 0 : i32
        %get3A_1788 = arith.constant 0 : i32
        %get3A_1789 = tpu.memref_slice %run_scoped3A[%rem3A_199, %get3A_1787, %get3A_1788] : memref<2x1x2048xf32, #tpu.memory_space<vmem>> -> memref<1x1x2048xf32, #tpu.memory_space<vmem>>
        %get3A_1790 = tpu.memref_squeeze %get3A_1789 : memref<1x1x2048xf32, #tpu.memory_space<vmem>> -> memref<1x2048xf32, #tpu.memory_space<vmem>>
        %get3A_1791 = arith.index_cast %get3A_1786 : i32 to index
        %get3A_1792 = arith.constant 1376 : index
        %get3A_1793 = tpu.vector_load %get3A_1790[%get3A_1791, %get3A_1792] {strides = array<i32>} : memref<1x2048xf32, #tpu.memory_space<vmem>>, vector<16xf32>,
        %min3A_1794 = arith.minimumf %min3A_1722, %get3A_1793 : vector<16xf32>
        %max3A_1795 = arith.maximumf %min3A_1722, %get3A_1793 : vector<16xf32>
        %min3A_1796 = arith.minimumf %min3A_1724, %max3A_1795 : vector<16xf32>
        %max3A_1797 = arith.maximumf %min3A_1724, %max3A_1795 : vector<16xf32>
        %min3A_1798 = arith.minimumf %min3A_1726, %max3A_1797 : vector<16xf32>
        %max3A_1799 = arith.maximumf %min3A_1726, %max3A_1797 : vector<16xf32>
        %min3A_1800 = arith.minimumf %min3A_1728, %max3A_1799 : vector<16xf32>
        %max3A_1801 = arith.maximumf %min3A_1728, %max3A_1799 : vector<16xf32>
        %min3A_1802 = arith.minimumf %min3A_1730, %max3A_1801 : vector<16xf32>
        %max3A_1803 = arith.maximumf %min3A_1730, %max3A_1801 : vector<16xf32>
        %get3A_1804 = arith.constant 0 : i32
        %get3A_1805 = arith.constant 0 : i32
        %get3A_1806 = arith.constant 0 : i32
        %get3A_1807 = tpu.memref_slice %run_scoped3A[%rem3A_199, %get3A_1805, %get3A_1806] : memref<2x1x2048xf32, #tpu.memory_space<vmem>> -> memref<1x1x2048xf32, #tpu.memory_space<vmem>>
        %get3A_1808 = tpu.memref_squeeze %get3A_1807 : memref<1x1x2048xf32, #tpu.memory_space<vmem>> -> memref<1x2048xf32, #tpu.memory_space<vmem>>
        %get3A_1809 = arith.index_cast %get3A_1804 : i32 to index
        %get3A_1810 = arith.constant 1392 : index
        %get3A_1811 = tpu.vector_load %get3A_1808[%get3A_1809, %get3A_1810] {strides = array<i32>} : memref<1x2048xf32, #tpu.memory_space<vmem>>, vector<16xf32>,
        %min3A_1812 = arith.minimumf %min3A_1740, %get3A_1811 : vector<16xf32>
        %max3A_1813 = arith.maximumf %min3A_1740, %get3A_1811 : vector<16xf32>
        %min3A_1814 = arith.minimumf %min3A_1742, %max3A_1813 : vector<16xf32>
        %max3A_1815 = arith.maximumf %min3A_1742, %max3A_1813 : vector<16xf32>
        %min3A_1816 = arith.minimumf %min3A_1744, %max3A_1815 : vector<16xf32>
        %max3A_1817 = arith.maximumf %min3A_1744, %max3A_1815 : vector<16xf32>
        %min3A_1818 = arith.minimumf %min3A_1746, %max3A_1817 : vector<16xf32>
        %max3A_1819 = arith.maximumf %min3A_1746, %max3A_1817 : vector<16xf32>
        %min3A_1820 = arith.minimumf %min3A_1748, %max3A_1819 : vector<16xf32>
        %max3A_1821 = arith.maximumf %min3A_1748, %max3A_1819 : vector<16xf32>
        %get3A_1822 = arith.constant 0 : i32
        %get3A_1823 = arith.constant 0 : i32
        %get3A_1824 = arith.constant 0 : i32
        %get3A_1825 = tpu.memref_slice %run_scoped3A[%rem3A_199, %get3A_1823, %get3A_1824] : memref<2x1x2048xf32, #tpu.memory_space<vmem>> -> memref<1x1x2048xf32, #tpu.memory_space<vmem>>
        %get3A_1826 = tpu.memref_squeeze %get3A_1825 : memref<1x1x2048xf32, #tpu.memory_space<vmem>> -> memref<1x2048xf32, #tpu.memory_space<vmem>>
        %get3A_1827 = arith.index_cast %get3A_1822 : i32 to index
        %get3A_1828 = arith.constant 1408 : index
        %get3A_1829 = tpu.vector_load %get3A_1826[%get3A_1827, %get3A_1828] {strides = array<i32>} : memref<1x2048xf32, #tpu.memory_space<vmem>>, vector<16xf32>,
        %min3A_1830 = arith.minimumf %min3A_1758, %get3A_1829 : vector<16xf32>
        %max3A_1831 = arith.maximumf %min3A_1758, %get3A_1829 : vector<16xf32>
        %min3A_1832 = arith.minimumf %min3A_1760, %max3A_1831 : vector<16xf32>
        %max3A_1833 = arith.maximumf %min3A_1760, %max3A_1831 : vector<16xf32>
        %min3A_1834 = arith.minimumf %min3A_1762, %max3A_1833 : vector<16xf32>
        %max3A_1835 = arith.maximumf %min3A_1762, %max3A_1833 : vector<16xf32>
        %min3A_1836 = arith.minimumf %min3A_1764, %max3A_1835 : vector<16xf32>
        %max3A_1837 = arith.maximumf %min3A_1764, %max3A_1835 : vector<16xf32>
        %min3A_1838 = arith.minimumf %min3A_1766, %max3A_1837 : vector<16xf32>
        %max3A_1839 = arith.maximumf %min3A_1766, %max3A_1837 : vector<16xf32>
        %get3A_1840 = arith.constant 0 : i32
        %get3A_1841 = arith.constant 0 : i32
        %get3A_1842 = arith.constant 0 : i32
        %get3A_1843 = tpu.memref_slice %run_scoped3A[%rem3A_199, %get3A_1841, %get3A_1842] : memref<2x1x2048xf32, #tpu.memory_space<vmem>> -> memref<1x1x2048xf32, #tpu.memory_space<vmem>>
        %get3A_1844 = tpu.memref_squeeze %get3A_1843 : memref<1x1x2048xf32, #tpu.memory_space<vmem>> -> memref<1x2048xf32, #tpu.memory_space<vmem>>
        %get3A_1845 = arith.index_cast %get3A_1840 : i32 to index
        %get3A_1846 = arith.constant 1424 : index
        %get3A_1847 = tpu.vector_load %get3A_1844[%get3A_1845, %get3A_1846] {strides = array<i32>} : memref<1x2048xf32, #tpu.memory_space<vmem>>, vector<16xf32>,
        %min3A_1848 = arith.minimumf %min3A_1776, %get3A_1847 : vector<16xf32>
        %max3A_1849 = arith.maximumf %min3A_1776, %get3A_1847 : vector<16xf32>
        %min3A_1850 = arith.minimumf %min3A_1778, %max3A_1849 : vector<16xf32>
        %max3A_1851 = arith.maximumf %min3A_1778, %max3A_1849 : vector<16xf32>
        %min3A_1852 = arith.minimumf %min3A_1780, %max3A_1851 : vector<16xf32>
        %max3A_1853 = arith.maximumf %min3A_1780, %max3A_1851 : vector<16xf32>
        %min3A_1854 = arith.minimumf %min3A_1782, %max3A_1853 : vector<16xf32>
        %max3A_1855 = arith.maximumf %min3A_1782, %max3A_1853 : vector<16xf32>
        %min3A_1856 = arith.minimumf %min3A_1784, %max3A_1855 : vector<16xf32>
        %max3A_1857 = arith.maximumf %min3A_1784, %max3A_1855 : vector<16xf32>
        %get3A_1858 = arith.constant 0 : i32
        %get3A_1859 = arith.constant 0 : i32
        %get3A_1860 = arith.constant 0 : i32
        %get3A_1861 = tpu.memref_slice %run_scoped3A[%rem3A_199, %get3A_1859, %get3A_1860] : memref<2x1x2048xf32, #tpu.memory_space<vmem>> -> memref<1x1x2048xf32, #tpu.memory_space<vmem>>
        %get3A_1862 = tpu.memref_squeeze %get3A_1861 : memref<1x1x2048xf32, #tpu.memory_space<vmem>> -> memref<1x2048xf32, #tpu.memory_space<vmem>>
        %get3A_1863 = arith.index_cast %get3A_1858 : i32 to index
        %get3A_1864 = arith.constant 1440 : index
        %get3A_1865 = tpu.vector_load %get3A_1862[%get3A_1863, %get3A_1864] {strides = array<i32>} : memref<1x2048xf32, #tpu.memory_space<vmem>>, vector<16xf32>,
        %min3A_1866 = arith.minimumf %min3A_1794, %get3A_1865 : vector<16xf32>
        %max3A_1867 = arith.maximumf %min3A_1794, %get3A_1865 : vector<16xf32>
        %min3A_1868 = arith.minimumf %min3A_1796, %max3A_1867 : vector<16xf32>
        %max3A_1869 = arith.maximumf %min3A_1796, %max3A_1867 : vector<16xf32>
        %min3A_1870 = arith.minimumf %min3A_1798, %max3A_1869 : vector<16xf32>
        %max3A_1871 = arith.maximumf %min3A_1798, %max3A_1869 : vector<16xf32>
        %min3A_1872 = arith.minimumf %min3A_1800, %max3A_1871 : vector<16xf32>
        %max3A_1873 = arith.maximumf %min3A_1800, %max3A_1871 : vector<16xf32>
        %min3A_1874 = arith.minimumf %min3A_1802, %max3A_1873 : vector<16xf32>
        %max3A_1875 = arith.maximumf %min3A_1802, %max3A_1873 : vector<16xf32>
        %get3A_1876 = arith.constant 0 : i32
        %get3A_1877 = arith.constant 0 : i32
        %get3A_1878 = arith.constant 0 : i32
        %get3A_1879 = tpu.memref_slice %run_scoped3A[%rem3A_199, %get3A_1877, %get3A_1878] : memref<2x1x2048xf32, #tpu.memory_space<vmem>> -> memref<1x1x2048xf32, #tpu.memory_space<vmem>>
        %get3A_1880 = tpu.memref_squeeze %get3A_1879 : memref<1x1x2048xf32, #tpu.memory_space<vmem>> -> memref<1x2048xf32, #tpu.memory_space<vmem>>
        %get3A_1881 = arith.index_cast %get3A_1876 : i32 to index
        %get3A_1882 = arith.constant 1456 : index
        %get3A_1883 = tpu.vector_load %get3A_1880[%get3A_1881, %get3A_1882] {strides = array<i32>} : memref<1x2048xf32, #tpu.memory_space<vmem>>, vector<16xf32>,
        %min3A_1884 = arith.minimumf %min3A_1812, %get3A_1883 : vector<16xf32>
        %max3A_1885 = arith.maximumf %min3A_1812, %get3A_1883 : vector<16xf32>
        %min3A_1886 = arith.minimumf %min3A_1814, %max3A_1885 : vector<16xf32>
        %max3A_1887 = arith.maximumf %min3A_1814, %max3A_1885 : vector<16xf32>
        %min3A_1888 = arith.minimumf %min3A_1816, %max3A_1887 : vector<16xf32>
        %max3A_1889 = arith.maximumf %min3A_1816, %max3A_1887 : vector<16xf32>
        %min3A_1890 = arith.minimumf %min3A_1818, %max3A_1889 : vector<16xf32>
        %max3A_1891 = arith.maximumf %min3A_1818, %max3A_1889 : vector<16xf32>
        %min3A_1892 = arith.minimumf %min3A_1820, %max3A_1891 : vector<16xf32>
        %max3A_1893 = arith.maximumf %min3A_1820, %max3A_1891 : vector<16xf32>
        %get3A_1894 = arith.constant 0 : i32
        %get3A_1895 = arith.constant 0 : i32
        %get3A_1896 = arith.constant 0 : i32
        %get3A_1897 = tpu.memref_slice %run_scoped3A[%rem3A_199, %get3A_1895, %get3A_1896] : memref<2x1x2048xf32, #tpu.memory_space<vmem>> -> memref<1x1x2048xf32, #tpu.memory_space<vmem>>
        %get3A_1898 = tpu.memref_squeeze %get3A_1897 : memref<1x1x2048xf32, #tpu.memory_space<vmem>> -> memref<1x2048xf32, #tpu.memory_space<vmem>>
        %get3A_1899 = arith.index_cast %get3A_1894 : i32 to index
        %get3A_1900 = arith.constant 1472 : index
        %get3A_1901 = tpu.vector_load %get3A_1898[%get3A_1899, %get3A_1900] {strides = array<i32>} : memref<1x2048xf32, #tpu.memory_space<vmem>>, vector<16xf32>,
        %min3A_1902 = arith.minimumf %min3A_1830, %get3A_1901 : vector<16xf32>
        %max3A_1903 = arith.maximumf %min3A_1830, %get3A_1901 : vector<16xf32>
        %min3A_1904 = arith.minimumf %min3A_1832, %max3A_1903 : vector<16xf32>
        %max3A_1905 = arith.maximumf %min3A_1832, %max3A_1903 : vector<16xf32>
        %min3A_1906 = arith.minimumf %min3A_1834, %max3A_1905 : vector<16xf32>
        %max3A_1907 = arith.maximumf %min3A_1834, %max3A_1905 : vector<16xf32>
        %min3A_1908 = arith.minimumf %min3A_1836, %max3A_1907 : vector<16xf32>
        %max3A_1909 = arith.maximumf %min3A_1836, %max3A_1907 : vector<16xf32>
        %min3A_1910 = arith.minimumf %min3A_1838, %max3A_1909 : vector<16xf32>
        %max3A_1911 = arith.maximumf %min3A_1838, %max3A_1909 : vector<16xf32>
        %get3A_1912 = arith.constant 0 : i32
        %get3A_1913 = arith.constant 0 : i32
        %get3A_1914 = arith.constant 0 : i32
        %get3A_1915 = tpu.memref_slice %run_scoped3A[%rem3A_199, %get3A_1913, %get3A_1914] : memref<2x1x2048xf32, #tpu.memory_space<vmem>> -> memref<1x1x2048xf32, #tpu.memory_space<vmem>>
        %get3A_1916 = tpu.memref_squeeze %get3A_1915 : memref<1x1x2048xf32, #tpu.memory_space<vmem>> -> memref<1x2048xf32, #tpu.memory_space<vmem>>
        %get3A_1917 = arith.index_cast %get3A_1912 : i32 to index
        %get3A_1918 = arith.constant 1488 : index
        %get3A_1919 = tpu.vector_load %get3A_1916[%get3A_1917, %get3A_1918] {strides = array<i32>} : memref<1x2048xf32, #tpu.memory_space<vmem>>, vector<16xf32>,
        %min3A_1920 = arith.minimumf %min3A_1848, %get3A_1919 : vector<16xf32>
        %max3A_1921 = arith.maximumf %min3A_1848, %get3A_1919 : vector<16xf32>
        %min3A_1922 = arith.minimumf %min3A_1850, %max3A_1921 : vector<16xf32>
        %max3A_1923 = arith.maximumf %min3A_1850, %max3A_1921 : vector<16xf32>
        %min3A_1924 = arith.minimumf %min3A_1852, %max3A_1923 : vector<16xf32>
        %max3A_1925 = arith.maximumf %min3A_1852, %max3A_1923 : vector<16xf32>
        %min3A_1926 = arith.minimumf %min3A_1854, %max3A_1925 : vector<16xf32>
        %max3A_1927 = arith.maximumf %min3A_1854, %max3A_1925 : vector<16xf32>
        %min3A_1928 = arith.minimumf %min3A_1856, %max3A_1927 : vector<16xf32>
        %max3A_1929 = arith.maximumf %min3A_1856, %max3A_1927 : vector<16xf32>
        %get3A_1930 = arith.constant 0 : i32
        %get3A_1931 = arith.constant 0 : i32
        %get3A_1932 = arith.constant 0 : i32
        %get3A_1933 = tpu.memref_slice %run_scoped3A[%rem3A_199, %get3A_1931, %get3A_1932] : memref<2x1x2048xf32, #tpu.memory_space<vmem>> -> memref<1x1x2048xf32, #tpu.memory_space<vmem>>
        %get3A_1934 = tpu.memref_squeeze %get3A_1933 : memref<1x1x2048xf32, #tpu.memory_space<vmem>> -> memref<1x2048xf32, #tpu.memory_space<vmem>>
        %get3A_1935 = arith.index_cast %get3A_1930 : i32 to index
        %get3A_1936 = arith.constant 1504 : index
        %get3A_1937 = tpu.vector_load %get3A_1934[%get3A_1935, %get3A_1936] {strides = array<i32>} : memref<1x2048xf32, #tpu.memory_space<vmem>>, vector<16xf32>,
        %min3A_1938 = arith.minimumf %min3A_1866, %get3A_1937 : vector<16xf32>
        %max3A_1939 = arith.maximumf %min3A_1866, %get3A_1937 : vector<16xf32>
        %min3A_1940 = arith.minimumf %min3A_1868, %max3A_1939 : vector<16xf32>
        %max3A_1941 = arith.maximumf %min3A_1868, %max3A_1939 : vector<16xf32>
        %min3A_1942 = arith.minimumf %min3A_1870, %max3A_1941 : vector<16xf32>
        %max3A_1943 = arith.maximumf %min3A_1870, %max3A_1941 : vector<16xf32>
        %min3A_1944 = arith.minimumf %min3A_1872, %max3A_1943 : vector<16xf32>
        %max3A_1945 = arith.maximumf %min3A_1872, %max3A_1943 : vector<16xf32>
        %min3A_1946 = arith.minimumf %min3A_1874, %max3A_1945 : vector<16xf32>
        %max3A_1947 = arith.maximumf %min3A_1874, %max3A_1945 : vector<16xf32>
        %get3A_1948 = arith.constant 0 : i32
        %get3A_1949 = arith.constant 0 : i32
        %get3A_1950 = arith.constant 0 : i32
        %get3A_1951 = tpu.memref_slice %run_scoped3A[%rem3A_199, %get3A_1949, %get3A_1950] : memref<2x1x2048xf32, #tpu.memory_space<vmem>> -> memref<1x1x2048xf32, #tpu.memory_space<vmem>>
        %get3A_1952 = tpu.memref_squeeze %get3A_1951 : memref<1x1x2048xf32, #tpu.memory_space<vmem>> -> memref<1x2048xf32, #tpu.memory_space<vmem>>
        %get3A_1953 = arith.index_cast %get3A_1948 : i32 to index
        %get3A_1954 = arith.constant 1520 : index
        %get3A_1955 = tpu.vector_load %get3A_1952[%get3A_1953, %get3A_1954] {strides = array<i32>} : memref<1x2048xf32, #tpu.memory_space<vmem>>, vector<16xf32>,
        %min3A_1956 = arith.minimumf %min3A_1884, %get3A_1955 : vector<16xf32>
        %max3A_1957 = arith.maximumf %min3A_1884, %get3A_1955 : vector<16xf32>
        %min3A_1958 = arith.minimumf %min3A_1886, %max3A_1957 : vector<16xf32>
        %max3A_1959 = arith.maximumf %min3A_1886, %max3A_1957 : vector<16xf32>
        %min3A_1960 = arith.minimumf %min3A_1888, %max3A_1959 : vector<16xf32>
        %max3A_1961 = arith.maximumf %min3A_1888, %max3A_1959 : vector<16xf32>
        %min3A_1962 = arith.minimumf %min3A_1890, %max3A_1961 : vector<16xf32>
        %max3A_1963 = arith.maximumf %min3A_1890, %max3A_1961 : vector<16xf32>
        %min3A_1964 = arith.minimumf %min3A_1892, %max3A_1963 : vector<16xf32>
        %max3A_1965 = arith.maximumf %min3A_1892, %max3A_1963 : vector<16xf32>
        %get3A_1966 = arith.constant 0 : i32
        %get3A_1967 = arith.constant 0 : i32
        %get3A_1968 = arith.constant 0 : i32
        %get3A_1969 = tpu.memref_slice %run_scoped3A[%rem3A_199, %get3A_1967, %get3A_1968] : memref<2x1x2048xf32, #tpu.memory_space<vmem>> -> memref<1x1x2048xf32, #tpu.memory_space<vmem>>
        %get3A_1970 = tpu.memref_squeeze %get3A_1969 : memref<1x1x2048xf32, #tpu.memory_space<vmem>> -> memref<1x2048xf32, #tpu.memory_space<vmem>>
        %get3A_1971 = arith.index_cast %get3A_1966 : i32 to index
        %get3A_1972 = arith.constant 1536 : index
        %get3A_1973 = tpu.vector_load %get3A_1970[%get3A_1971, %get3A_1972] {strides = array<i32>} : memref<1x2048xf32, #tpu.memory_space<vmem>>, vector<16xf32>,
        %min3A_1974 = arith.minimumf %min3A_1902, %get3A_1973 : vector<16xf32>
        %max3A_1975 = arith.maximumf %min3A_1902, %get3A_1973 : vector<16xf32>
        %min3A_1976 = arith.minimumf %min3A_1904, %max3A_1975 : vector<16xf32>
        %max3A_1977 = arith.maximumf %min3A_1904, %max3A_1975 : vector<16xf32>
        %min3A_1978 = arith.minimumf %min3A_1906, %max3A_1977 : vector<16xf32>
        %max3A_1979 = arith.maximumf %min3A_1906, %max3A_1977 : vector<16xf32>
        %min3A_1980 = arith.minimumf %min3A_1908, %max3A_1979 : vector<16xf32>
        %max3A_1981 = arith.maximumf %min3A_1908, %max3A_1979 : vector<16xf32>
        %min3A_1982 = arith.minimumf %min3A_1910, %max3A_1981 : vector<16xf32>
        %max3A_1983 = arith.maximumf %min3A_1910, %max3A_1981 : vector<16xf32>
        %get3A_1984 = arith.constant 0 : i32
        %get3A_1985 = arith.constant 0 : i32
        %get3A_1986 = arith.constant 0 : i32
        %get3A_1987 = tpu.memref_slice %run_scoped3A[%rem3A_199, %get3A_1985, %get3A_1986] : memref<2x1x2048xf32, #tpu.memory_space<vmem>> -> memref<1x1x2048xf32, #tpu.memory_space<vmem>>
        %get3A_1988 = tpu.memref_squeeze %get3A_1987 : memref<1x1x2048xf32, #tpu.memory_space<vmem>> -> memref<1x2048xf32, #tpu.memory_space<vmem>>
        %get3A_1989 = arith.index_cast %get3A_1984 : i32 to index
        %get3A_1990 = arith.constant 1552 : index
        %get3A_1991 = tpu.vector_load %get3A_1988[%get3A_1989, %get3A_1990] {strides = array<i32>} : memref<1x2048xf32, #tpu.memory_space<vmem>>, vector<16xf32>,
        %min3A_1992 = arith.minimumf %min3A_1920, %get3A_1991 : vector<16xf32>
        %max3A_1993 = arith.maximumf %min3A_1920, %get3A_1991 : vector<16xf32>
        %min3A_1994 = arith.minimumf %min3A_1922, %max3A_1993 : vector<16xf32>
        %max3A_1995 = arith.maximumf %min3A_1922, %max3A_1993 : vector<16xf32>
        %min3A_1996 = arith.minimumf %min3A_1924, %max3A_1995 : vector<16xf32>
        %max3A_1997 = arith.maximumf %min3A_1924, %max3A_1995 : vector<16xf32>
        %min3A_1998 = arith.minimumf %min3A_1926, %max3A_1997 : vector<16xf32>
        %max3A_1999 = arith.maximumf %min3A_1926, %max3A_1997 : vector<16xf32>
        %min3A_2000 = arith.minimumf %min3A_1928, %max3A_1999 : vector<16xf32>
        %max3A_2001 = arith.maximumf %min3A_1928, %max3A_1999 : vector<16xf32>
        %get3A_2002 = arith.constant 0 : i32
        %get3A_2003 = arith.constant 0 : i32
        %get3A_2004 = arith.constant 0 : i32
        %get3A_2005 = tpu.memref_slice %run_scoped3A[%rem3A_199, %get3A_2003, %get3A_2004] : memref<2x1x2048xf32, #tpu.memory_space<vmem>> -> memref<1x1x2048xf32, #tpu.memory_space<vmem>>
        %get3A_2006 = tpu.memref_squeeze %get3A_2005 : memref<1x1x2048xf32, #tpu.memory_space<vmem>> -> memref<1x2048xf32, #tpu.memory_space<vmem>>
        %get3A_2007 = arith.index_cast %get3A_2002 : i32 to index
        %get3A_2008 = arith.constant 1568 : index
        %get3A_2009 = tpu.vector_load %get3A_2006[%get3A_2007, %get3A_2008] {strides = array<i32>} : memref<1x2048xf32, #tpu.memory_space<vmem>>, vector<16xf32>,
        %min3A_2010 = arith.minimumf %min3A_1938, %get3A_2009 : vector<16xf32>
        %max3A_2011 = arith.maximumf %min3A_1938, %get3A_2009 : vector<16xf32>
        %min3A_2012 = arith.minimumf %min3A_1940, %max3A_2011 : vector<16xf32>
        %max3A_2013 = arith.maximumf %min3A_1940, %max3A_2011 : vector<16xf32>
        %min3A_2014 = arith.minimumf %min3A_1942, %max3A_2013 : vector<16xf32>
        %max3A_2015 = arith.maximumf %min3A_1942, %max3A_2013 : vector<16xf32>
        %min3A_2016 = arith.minimumf %min3A_1944, %max3A_2015 : vector<16xf32>
        %max3A_2017 = arith.maximumf %min3A_1944, %max3A_2015 : vector<16xf32>
        %min3A_2018 = arith.minimumf %min3A_1946, %max3A_2017 : vector<16xf32>
        %max3A_2019 = arith.maximumf %min3A_1946, %max3A_2017 : vector<16xf32>
        %get3A_2020 = arith.constant 0 : i32
        %get3A_2021 = arith.constant 0 : i32
        %get3A_2022 = arith.constant 0 : i32
        %get3A_2023 = tpu.memref_slice %run_scoped3A[%rem3A_199, %get3A_2021, %get3A_2022] : memref<2x1x2048xf32, #tpu.memory_space<vmem>> -> memref<1x1x2048xf32, #tpu.memory_space<vmem>>
        %get3A_2024 = tpu.memref_squeeze %get3A_2023 : memref<1x1x2048xf32, #tpu.memory_space<vmem>> -> memref<1x2048xf32, #tpu.memory_space<vmem>>
        %get3A_2025 = arith.index_cast %get3A_2020 : i32 to index
        %get3A_2026 = arith.constant 1584 : index
        %get3A_2027 = tpu.vector_load %get3A_2024[%get3A_2025, %get3A_2026] {strides = array<i32>} : memref<1x2048xf32, #tpu.memory_space<vmem>>, vector<16xf32>,
        %min3A_2028 = arith.minimumf %min3A_1956, %get3A_2027 : vector<16xf32>
        %max3A_2029 = arith.maximumf %min3A_1956, %get3A_2027 : vector<16xf32>
        %min3A_2030 = arith.minimumf %min3A_1958, %max3A_2029 : vector<16xf32>
        %max3A_2031 = arith.maximumf %min3A_1958, %max3A_2029 : vector<16xf32>
        %min3A_2032 = arith.minimumf %min3A_1960, %max3A_2031 : vector<16xf32>
        %max3A_2033 = arith.maximumf %min3A_1960, %max3A_2031 : vector<16xf32>
        %min3A_2034 = arith.minimumf %min3A_1962, %max3A_2033 : vector<16xf32>
        %max3A_2035 = arith.maximumf %min3A_1962, %max3A_2033 : vector<16xf32>
        %min3A_2036 = arith.minimumf %min3A_1964, %max3A_2035 : vector<16xf32>
        %max3A_2037 = arith.maximumf %min3A_1964, %max3A_2035 : vector<16xf32>
        %get3A_2038 = arith.constant 0 : i32
        %get3A_2039 = arith.constant 0 : i32
        %get3A_2040 = arith.constant 0 : i32
        %get3A_2041 = tpu.memref_slice %run_scoped3A[%rem3A_199, %get3A_2039, %get3A_2040] : memref<2x1x2048xf32, #tpu.memory_space<vmem>> -> memref<1x1x2048xf32, #tpu.memory_space<vmem>>
        %get3A_2042 = tpu.memref_squeeze %get3A_2041 : memref<1x1x2048xf32, #tpu.memory_space<vmem>> -> memref<1x2048xf32, #tpu.memory_space<vmem>>
        %get3A_2043 = arith.index_cast %get3A_2038 : i32 to index
        %get3A_2044 = arith.constant 1600 : index
        %get3A_2045 = tpu.vector_load %get3A_2042[%get3A_2043, %get3A_2044] {strides = array<i32>} : memref<1x2048xf32, #tpu.memory_space<vmem>>, vector<16xf32>,
        %min3A_2046 = arith.minimumf %min3A_1974, %get3A_2045 : vector<16xf32>
        %max3A_2047 = arith.maximumf %min3A_1974, %get3A_2045 : vector<16xf32>
        %min3A_2048 = arith.minimumf %min3A_1976, %max3A_2047 : vector<16xf32>
        %max3A_2049 = arith.maximumf %min3A_1976, %max3A_2047 : vector<16xf32>
        %min3A_2050 = arith.minimumf %min3A_1978, %max3A_2049 : vector<16xf32>
        %max3A_2051 = arith.maximumf %min3A_1978, %max3A_2049 : vector<16xf32>
        %min3A_2052 = arith.minimumf %min3A_1980, %max3A_2051 : vector<16xf32>
        %max3A_2053 = arith.maximumf %min3A_1980, %max3A_2051 : vector<16xf32>
        %min3A_2054 = arith.minimumf %min3A_1982, %max3A_2053 : vector<16xf32>
        %max3A_2055 = arith.maximumf %min3A_1982, %max3A_2053 : vector<16xf32>
        %get3A_2056 = arith.constant 0 : i32
        %get3A_2057 = arith.constant 0 : i32
        %get3A_2058 = arith.constant 0 : i32
        %get3A_2059 = tpu.memref_slice %run_scoped3A[%rem3A_199, %get3A_2057, %get3A_2058] : memref<2x1x2048xf32, #tpu.memory_space<vmem>> -> memref<1x1x2048xf32, #tpu.memory_space<vmem>>
        %get3A_2060 = tpu.memref_squeeze %get3A_2059 : memref<1x1x2048xf32, #tpu.memory_space<vmem>> -> memref<1x2048xf32, #tpu.memory_space<vmem>>
        %get3A_2061 = arith.index_cast %get3A_2056 : i32 to index
        %get3A_2062 = arith.constant 1616 : index
        %get3A_2063 = tpu.vector_load %get3A_2060[%get3A_2061, %get3A_2062] {strides = array<i32>} : memref<1x2048xf32, #tpu.memory_space<vmem>>, vector<16xf32>,
        %min3A_2064 = arith.minimumf %min3A_1992, %get3A_2063 : vector<16xf32>
        %max3A_2065 = arith.maximumf %min3A_1992, %get3A_2063 : vector<16xf32>
        %min3A_2066 = arith.minimumf %min3A_1994, %max3A_2065 : vector<16xf32>
        %max3A_2067 = arith.maximumf %min3A_1994, %max3A_2065 : vector<16xf32>
        %min3A_2068 = arith.minimumf %min3A_1996, %max3A_2067 : vector<16xf32>
        %max3A_2069 = arith.maximumf %min3A_1996, %max3A_2067 : vector<16xf32>
        %min3A_2070 = arith.minimumf %min3A_1998, %max3A_2069 : vector<16xf32>
        %max3A_2071 = arith.maximumf %min3A_1998, %max3A_2069 : vector<16xf32>
        %min3A_2072 = arith.minimumf %min3A_2000, %max3A_2071 : vector<16xf32>
        %max3A_2073 = arith.maximumf %min3A_2000, %max3A_2071 : vector<16xf32>
        %get3A_2074 = arith.constant 0 : i32
        %get3A_2075 = arith.constant 0 : i32
        %get3A_2076 = arith.constant 0 : i32
        %get3A_2077 = tpu.memref_slice %run_scoped3A[%rem3A_199, %get3A_2075, %get3A_2076] : memref<2x1x2048xf32, #tpu.memory_space<vmem>> -> memref<1x1x2048xf32, #tpu.memory_space<vmem>>
        %get3A_2078 = tpu.memref_squeeze %get3A_2077 : memref<1x1x2048xf32, #tpu.memory_space<vmem>> -> memref<1x2048xf32, #tpu.memory_space<vmem>>
        %get3A_2079 = arith.index_cast %get3A_2074 : i32 to index
        %get3A_2080 = arith.constant 1632 : index
        %get3A_2081 = tpu.vector_load %get3A_2078[%get3A_2079, %get3A_2080] {strides = array<i32>} : memref<1x2048xf32, #tpu.memory_space<vmem>>, vector<16xf32>,
        %min3A_2082 = arith.minimumf %min3A_2010, %get3A_2081 : vector<16xf32>
        %max3A_2083 = arith.maximumf %min3A_2010, %get3A_2081 : vector<16xf32>
        %min3A_2084 = arith.minimumf %min3A_2012, %max3A_2083 : vector<16xf32>
        %max3A_2085 = arith.maximumf %min3A_2012, %max3A_2083 : vector<16xf32>
        %min3A_2086 = arith.minimumf %min3A_2014, %max3A_2085 : vector<16xf32>
        %max3A_2087 = arith.maximumf %min3A_2014, %max3A_2085 : vector<16xf32>
        %min3A_2088 = arith.minimumf %min3A_2016, %max3A_2087 : vector<16xf32>
        %max3A_2089 = arith.maximumf %min3A_2016, %max3A_2087 : vector<16xf32>
        %min3A_2090 = arith.minimumf %min3A_2018, %max3A_2089 : vector<16xf32>
        %max3A_2091 = arith.maximumf %min3A_2018, %max3A_2089 : vector<16xf32>
        %get3A_2092 = arith.constant 0 : i32
        %get3A_2093 = arith.constant 0 : i32
        %get3A_2094 = arith.constant 0 : i32
        %get3A_2095 = tpu.memref_slice %run_scoped3A[%rem3A_199, %get3A_2093, %get3A_2094] : memref<2x1x2048xf32, #tpu.memory_space<vmem>> -> memref<1x1x2048xf32, #tpu.memory_space<vmem>>
        %get3A_2096 = tpu.memref_squeeze %get3A_2095 : memref<1x1x2048xf32, #tpu.memory_space<vmem>> -> memref<1x2048xf32, #tpu.memory_space<vmem>>
        %get3A_2097 = arith.index_cast %get3A_2092 : i32 to index
        %get3A_2098 = arith.constant 1648 : index
        %get3A_2099 = tpu.vector_load %get3A_2096[%get3A_2097, %get3A_2098] {strides = array<i32>} : memref<1x2048xf32, #tpu.memory_space<vmem>>, vector<16xf32>,
        %min3A_2100 = arith.minimumf %min3A_2028, %get3A_2099 : vector<16xf32>
        %max3A_2101 = arith.maximumf %min3A_2028, %get3A_2099 : vector<16xf32>
        %min3A_2102 = arith.minimumf %min3A_2030, %max3A_2101 : vector<16xf32>
        %max3A_2103 = arith.maximumf %min3A_2030, %max3A_2101 : vector<16xf32>
        %min3A_2104 = arith.minimumf %min3A_2032, %max3A_2103 : vector<16xf32>
        %max3A_2105 = arith.maximumf %min3A_2032, %max3A_2103 : vector<16xf32>
        %min3A_2106 = arith.minimumf %min3A_2034, %max3A_2105 : vector<16xf32>
        %max3A_2107 = arith.maximumf %min3A_2034, %max3A_2105 : vector<16xf32>
        %min3A_2108 = arith.minimumf %min3A_2036, %max3A_2107 : vector<16xf32>
        %max3A_2109 = arith.maximumf %min3A_2036, %max3A_2107 : vector<16xf32>
        %get3A_2110 = arith.constant 0 : i32
        %get3A_2111 = arith.constant 0 : i32
        %get3A_2112 = arith.constant 0 : i32
        %get3A_2113 = tpu.memref_slice %run_scoped3A[%rem3A_199, %get3A_2111, %get3A_2112] : memref<2x1x2048xf32, #tpu.memory_space<vmem>> -> memref<1x1x2048xf32, #tpu.memory_space<vmem>>
        %get3A_2114 = tpu.memref_squeeze %get3A_2113 : memref<1x1x2048xf32, #tpu.memory_space<vmem>> -> memref<1x2048xf32, #tpu.memory_space<vmem>>
        %get3A_2115 = arith.index_cast %get3A_2110 : i32 to index
        %get3A_2116 = arith.constant 1664 : index
        %get3A_2117 = tpu.vector_load %get3A_2114[%get3A_2115, %get3A_2116] {strides = array<i32>} : memref<1x2048xf32, #tpu.memory_space<vmem>>, vector<16xf32>,
        %min3A_2118 = arith.minimumf %min3A_2046, %get3A_2117 : vector<16xf32>
        %max3A_2119 = arith.maximumf %min3A_2046, %get3A_2117 : vector<16xf32>
        %min3A_2120 = arith.minimumf %min3A_2048, %max3A_2119 : vector<16xf32>
        %max3A_2121 = arith.maximumf %min3A_2048, %max3A_2119 : vector<16xf32>
        %min3A_2122 = arith.minimumf %min3A_2050, %max3A_2121 : vector<16xf32>
        %max3A_2123 = arith.maximumf %min3A_2050, %max3A_2121 : vector<16xf32>
        %min3A_2124 = arith.minimumf %min3A_2052, %max3A_2123 : vector<16xf32>
        %max3A_2125 = arith.maximumf %min3A_2052, %max3A_2123 : vector<16xf32>
        %min3A_2126 = arith.minimumf %min3A_2054, %max3A_2125 : vector<16xf32>
        %max3A_2127 = arith.maximumf %min3A_2054, %max3A_2125 : vector<16xf32>
        %get3A_2128 = arith.constant 0 : i32
        %get3A_2129 = arith.constant 0 : i32
        %get3A_2130 = arith.constant 0 : i32
        %get3A_2131 = tpu.memref_slice %run_scoped3A[%rem3A_199, %get3A_2129, %get3A_2130] : memref<2x1x2048xf32, #tpu.memory_space<vmem>> -> memref<1x1x2048xf32, #tpu.memory_space<vmem>>
        %get3A_2132 = tpu.memref_squeeze %get3A_2131 : memref<1x1x2048xf32, #tpu.memory_space<vmem>> -> memref<1x2048xf32, #tpu.memory_space<vmem>>
        %get3A_2133 = arith.index_cast %get3A_2128 : i32 to index
        %get3A_2134 = arith.constant 1680 : index
        %get3A_2135 = tpu.vector_load %get3A_2132[%get3A_2133, %get3A_2134] {strides = array<i32>} : memref<1x2048xf32, #tpu.memory_space<vmem>>, vector<16xf32>,
        %min3A_2136 = arith.minimumf %min3A_2064, %get3A_2135 : vector<16xf32>
        %max3A_2137 = arith.maximumf %min3A_2064, %get3A_2135 : vector<16xf32>
        %min3A_2138 = arith.minimumf %min3A_2066, %max3A_2137 : vector<16xf32>
        %max3A_2139 = arith.maximumf %min3A_2066, %max3A_2137 : vector<16xf32>
        %min3A_2140 = arith.minimumf %min3A_2068, %max3A_2139 : vector<16xf32>
        %max3A_2141 = arith.maximumf %min3A_2068, %max3A_2139 : vector<16xf32>
        %min3A_2142 = arith.minimumf %min3A_2070, %max3A_2141 : vector<16xf32>
        %max3A_2143 = arith.maximumf %min3A_2070, %max3A_2141 : vector<16xf32>
        %min3A_2144 = arith.minimumf %min3A_2072, %max3A_2143 : vector<16xf32>
        %max3A_2145 = arith.maximumf %min3A_2072, %max3A_2143 : vector<16xf32>
        %get3A_2146 = arith.constant 0 : i32
        %get3A_2147 = arith.constant 0 : i32
        %get3A_2148 = arith.constant 0 : i32
        %get3A_2149 = tpu.memref_slice %run_scoped3A[%rem3A_199, %get3A_2147, %get3A_2148] : memref<2x1x2048xf32, #tpu.memory_space<vmem>> -> memref<1x1x2048xf32, #tpu.memory_space<vmem>>
        %get3A_2150 = tpu.memref_squeeze %get3A_2149 : memref<1x1x2048xf32, #tpu.memory_space<vmem>> -> memref<1x2048xf32, #tpu.memory_space<vmem>>
        %get3A_2151 = arith.index_cast %get3A_2146 : i32 to index
        %get3A_2152 = arith.constant 1696 : index
        %get3A_2153 = tpu.vector_load %get3A_2150[%get3A_2151, %get3A_2152] {strides = array<i32>} : memref<1x2048xf32, #tpu.memory_space<vmem>>, vector<16xf32>,
        %min3A_2154 = arith.minimumf %min3A_2082, %get3A_2153 : vector<16xf32>
        %max3A_2155 = arith.maximumf %min3A_2082, %get3A_2153 : vector<16xf32>
        %min3A_2156 = arith.minimumf %min3A_2084, %max3A_2155 : vector<16xf32>
        %max3A_2157 = arith.maximumf %min3A_2084, %max3A_2155 : vector<16xf32>
        %min3A_2158 = arith.minimumf %min3A_2086, %max3A_2157 : vector<16xf32>
        %max3A_2159 = arith.maximumf %min3A_2086, %max3A_2157 : vector<16xf32>
        %min3A_2160 = arith.minimumf %min3A_2088, %max3A_2159 : vector<16xf32>
        %max3A_2161 = arith.maximumf %min3A_2088, %max3A_2159 : vector<16xf32>
        %min3A_2162 = arith.minimumf %min3A_2090, %max3A_2161 : vector<16xf32>
        %max3A_2163 = arith.maximumf %min3A_2090, %max3A_2161 : vector<16xf32>
        %get3A_2164 = arith.constant 0 : i32
        %get3A_2165 = arith.constant 0 : i32
        %get3A_2166 = arith.constant 0 : i32
        %get3A_2167 = tpu.memref_slice %run_scoped3A[%rem3A_199, %get3A_2165, %get3A_2166] : memref<2x1x2048xf32, #tpu.memory_space<vmem>> -> memref<1x1x2048xf32, #tpu.memory_space<vmem>>
        %get3A_2168 = tpu.memref_squeeze %get3A_2167 : memref<1x1x2048xf32, #tpu.memory_space<vmem>> -> memref<1x2048xf32, #tpu.memory_space<vmem>>
        %get3A_2169 = arith.index_cast %get3A_2164 : i32 to index
        %get3A_2170 = arith.constant 1712 : index
        %get3A_2171 = tpu.vector_load %get3A_2168[%get3A_2169, %get3A_2170] {strides = array<i32>} : memref<1x2048xf32, #tpu.memory_space<vmem>>, vector<16xf32>,
        %min3A_2172 = arith.minimumf %min3A_2100, %get3A_2171 : vector<16xf32>
        %max3A_2173 = arith.maximumf %min3A_2100, %get3A_2171 : vector<16xf32>
        %min3A_2174 = arith.minimumf %min3A_2102, %max3A_2173 : vector<16xf32>
        %max3A_2175 = arith.maximumf %min3A_2102, %max3A_2173 : vector<16xf32>
        %min3A_2176 = arith.minimumf %min3A_2104, %max3A_2175 : vector<16xf32>
        %max3A_2177 = arith.maximumf %min3A_2104, %max3A_2175 : vector<16xf32>
        %min3A_2178 = arith.minimumf %min3A_2106, %max3A_2177 : vector<16xf32>
        %max3A_2179 = arith.maximumf %min3A_2106, %max3A_2177 : vector<16xf32>
        %min3A_2180 = arith.minimumf %min3A_2108, %max3A_2179 : vector<16xf32>
        %max3A_2181 = arith.maximumf %min3A_2108, %max3A_2179 : vector<16xf32>
        %get3A_2182 = arith.constant 0 : i32
        %get3A_2183 = arith.constant 0 : i32
        %get3A_2184 = arith.constant 0 : i32
        %get3A_2185 = tpu.memref_slice %run_scoped3A[%rem3A_199, %get3A_2183, %get3A_2184] : memref<2x1x2048xf32, #tpu.memory_space<vmem>> -> memref<1x1x2048xf32, #tpu.memory_space<vmem>>
        %get3A_2186 = tpu.memref_squeeze %get3A_2185 : memref<1x1x2048xf32, #tpu.memory_space<vmem>> -> memref<1x2048xf32, #tpu.memory_space<vmem>>
        %get3A_2187 = arith.index_cast %get3A_2182 : i32 to index
        %get3A_2188 = arith.constant 1728 : index
        %get3A_2189 = tpu.vector_load %get3A_2186[%get3A_2187, %get3A_2188] {strides = array<i32>} : memref<1x2048xf32, #tpu.memory_space<vmem>>, vector<16xf32>,
        %min3A_2190 = arith.minimumf %min3A_2118, %get3A_2189 : vector<16xf32>
        %max3A_2191 = arith.maximumf %min3A_2118, %get3A_2189 : vector<16xf32>
        %min3A_2192 = arith.minimumf %min3A_2120, %max3A_2191 : vector<16xf32>
        %max3A_2193 = arith.maximumf %min3A_2120, %max3A_2191 : vector<16xf32>
        %min3A_2194 = arith.minimumf %min3A_2122, %max3A_2193 : vector<16xf32>
        %max3A_2195 = arith.maximumf %min3A_2122, %max3A_2193 : vector<16xf32>
        %min3A_2196 = arith.minimumf %min3A_2124, %max3A_2195 : vector<16xf32>
        %max3A_2197 = arith.maximumf %min3A_2124, %max3A_2195 : vector<16xf32>
        %min3A_2198 = arith.minimumf %min3A_2126, %max3A_2197 : vector<16xf32>
        %max3A_2199 = arith.maximumf %min3A_2126, %max3A_2197 : vector<16xf32>
        %get3A_2200 = arith.constant 0 : i32
        %get3A_2201 = arith.constant 0 : i32
        %get3A_2202 = arith.constant 0 : i32
        %get3A_2203 = tpu.memref_slice %run_scoped3A[%rem3A_199, %get3A_2201, %get3A_2202] : memref<2x1x2048xf32, #tpu.memory_space<vmem>> -> memref<1x1x2048xf32, #tpu.memory_space<vmem>>
        %get3A_2204 = tpu.memref_squeeze %get3A_2203 : memref<1x1x2048xf32, #tpu.memory_space<vmem>> -> memref<1x2048xf32, #tpu.memory_space<vmem>>
        %get3A_2205 = arith.index_cast %get3A_2200 : i32 to index
        %get3A_2206 = arith.constant 1744 : index
        %get3A_2207 = tpu.vector_load %get3A_2204[%get3A_2205, %get3A_2206] {strides = array<i32>} : memref<1x2048xf32, #tpu.memory_space<vmem>>, vector<16xf32>,
        %min3A_2208 = arith.minimumf %min3A_2136, %get3A_2207 : vector<16xf32>
        %max3A_2209 = arith.maximumf %min3A_2136, %get3A_2207 : vector<16xf32>
        %min3A_2210 = arith.minimumf %min3A_2138, %max3A_2209 : vector<16xf32>
        %max3A_2211 = arith.maximumf %min3A_2138, %max3A_2209 : vector<16xf32>
        %min3A_2212 = arith.minimumf %min3A_2140, %max3A_2211 : vector<16xf32>
        %max3A_2213 = arith.maximumf %min3A_2140, %max3A_2211 : vector<16xf32>
        %min3A_2214 = arith.minimumf %min3A_2142, %max3A_2213 : vector<16xf32>
        %max3A_2215 = arith.maximumf %min3A_2142, %max3A_2213 : vector<16xf32>
        %min3A_2216 = arith.minimumf %min3A_2144, %max3A_2215 : vector<16xf32>
        %max3A_2217 = arith.maximumf %min3A_2144, %max3A_2215 : vector<16xf32>
        %get3A_2218 = arith.constant 0 : i32
        %get3A_2219 = arith.constant 0 : i32
        %get3A_2220 = arith.constant 0 : i32
        %get3A_2221 = tpu.memref_slice %run_scoped3A[%rem3A_199, %get3A_2219, %get3A_2220] : memref<2x1x2048xf32, #tpu.memory_space<vmem>> -> memref<1x1x2048xf32, #tpu.memory_space<vmem>>
        %get3A_2222 = tpu.memref_squeeze %get3A_2221 : memref<1x1x2048xf32, #tpu.memory_space<vmem>> -> memref<1x2048xf32, #tpu.memory_space<vmem>>
        %get3A_2223 = arith.index_cast %get3A_2218 : i32 to index
        %get3A_2224 = arith.constant 1760 : index
        %get3A_2225 = tpu.vector_load %get3A_2222[%get3A_2223, %get3A_2224] {strides = array<i32>} : memref<1x2048xf32, #tpu.memory_space<vmem>>, vector<16xf32>,
        %min3A_2226 = arith.minimumf %min3A_2154, %get3A_2225 : vector<16xf32>
        %max3A_2227 = arith.maximumf %min3A_2154, %get3A_2225 : vector<16xf32>
        %min3A_2228 = arith.minimumf %min3A_2156, %max3A_2227 : vector<16xf32>
        %max3A_2229 = arith.maximumf %min3A_2156, %max3A_2227 : vector<16xf32>
        %min3A_2230 = arith.minimumf %min3A_2158, %max3A_2229 : vector<16xf32>
        %max3A_2231 = arith.maximumf %min3A_2158, %max3A_2229 : vector<16xf32>
        %min3A_2232 = arith.minimumf %min3A_2160, %max3A_2231 : vector<16xf32>
        %max3A_2233 = arith.maximumf %min3A_2160, %max3A_2231 : vector<16xf32>
        %min3A_2234 = arith.minimumf %min3A_2162, %max3A_2233 : vector<16xf32>
        %max3A_2235 = arith.maximumf %min3A_2162, %max3A_2233 : vector<16xf32>
        %get3A_2236 = arith.constant 0 : i32
        %get3A_2237 = arith.constant 0 : i32
        %get3A_2238 = arith.constant 0 : i32
        %get3A_2239 = tpu.memref_slice %run_scoped3A[%rem3A_199, %get3A_2237, %get3A_2238] : memref<2x1x2048xf32, #tpu.memory_space<vmem>> -> memref<1x1x2048xf32, #tpu.memory_space<vmem>>
        %get3A_2240 = tpu.memref_squeeze %get3A_2239 : memref<1x1x2048xf32, #tpu.memory_space<vmem>> -> memref<1x2048xf32, #tpu.memory_space<vmem>>
        %get3A_2241 = arith.index_cast %get3A_2236 : i32 to index
        %get3A_2242 = arith.constant 1776 : index
        %get3A_2243 = tpu.vector_load %get3A_2240[%get3A_2241, %get3A_2242] {strides = array<i32>} : memref<1x2048xf32, #tpu.memory_space<vmem>>, vector<16xf32>,
        %min3A_2244 = arith.minimumf %min3A_2172, %get3A_2243 : vector<16xf32>
        %max3A_2245 = arith.maximumf %min3A_2172, %get3A_2243 : vector<16xf32>
        %min3A_2246 = arith.minimumf %min3A_2174, %max3A_2245 : vector<16xf32>
        %max3A_2247 = arith.maximumf %min3A_2174, %max3A_2245 : vector<16xf32>
        %min3A_2248 = arith.minimumf %min3A_2176, %max3A_2247 : vector<16xf32>
        %max3A_2249 = arith.maximumf %min3A_2176, %max3A_2247 : vector<16xf32>
        %min3A_2250 = arith.minimumf %min3A_2178, %max3A_2249 : vector<16xf32>
        %max3A_2251 = arith.maximumf %min3A_2178, %max3A_2249 : vector<16xf32>
        %min3A_2252 = arith.minimumf %min3A_2180, %max3A_2251 : vector<16xf32>
        %max3A_2253 = arith.maximumf %min3A_2180, %max3A_2251 : vector<16xf32>
        %get3A_2254 = arith.constant 0 : i32
        %get3A_2255 = arith.constant 0 : i32
        %get3A_2256 = arith.constant 0 : i32
        %get3A_2257 = tpu.memref_slice %run_scoped3A[%rem3A_199, %get3A_2255, %get3A_2256] : memref<2x1x2048xf32, #tpu.memory_space<vmem>> -> memref<1x1x2048xf32, #tpu.memory_space<vmem>>
        %get3A_2258 = tpu.memref_squeeze %get3A_2257 : memref<1x1x2048xf32, #tpu.memory_space<vmem>> -> memref<1x2048xf32, #tpu.memory_space<vmem>>
        %get3A_2259 = arith.index_cast %get3A_2254 : i32 to index
        %get3A_2260 = arith.constant 1792 : index
        %get3A_2261 = tpu.vector_load %get3A_2258[%get3A_2259, %get3A_2260] {strides = array<i32>} : memref<1x2048xf32, #tpu.memory_space<vmem>>, vector<16xf32>,
        %min3A_2262 = arith.minimumf %min3A_2190, %get3A_2261 : vector<16xf32>
        %max3A_2263 = arith.maximumf %min3A_2190, %get3A_2261 : vector<16xf32>
        %min3A_2264 = arith.minimumf %min3A_2192, %max3A_2263 : vector<16xf32>
        %max3A_2265 = arith.maximumf %min3A_2192, %max3A_2263 : vector<16xf32>
        %min3A_2266 = arith.minimumf %min3A_2194, %max3A_2265 : vector<16xf32>
        %max3A_2267 = arith.maximumf %min3A_2194, %max3A_2265 : vector<16xf32>
        %min3A_2268 = arith.minimumf %min3A_2196, %max3A_2267 : vector<16xf32>
        %max3A_2269 = arith.maximumf %min3A_2196, %max3A_2267 : vector<16xf32>
        %min3A_2270 = arith.minimumf %min3A_2198, %max3A_2269 : vector<16xf32>
        %max3A_2271 = arith.maximumf %min3A_2198, %max3A_2269 : vector<16xf32>
        %get3A_2272 = arith.constant 0 : i32
        %get3A_2273 = arith.constant 0 : i32
        %get3A_2274 = arith.constant 0 : i32
        %get3A_2275 = tpu.memref_slice %run_scoped3A[%rem3A_199, %get3A_2273, %get3A_2274] : memref<2x1x2048xf32, #tpu.memory_space<vmem>> -> memref<1x1x2048xf32, #tpu.memory_space<vmem>>
        %get3A_2276 = tpu.memref_squeeze %get3A_2275 : memref<1x1x2048xf32, #tpu.memory_space<vmem>> -> memref<1x2048xf32, #tpu.memory_space<vmem>>
        %get3A_2277 = arith.index_cast %get3A_2272 : i32 to index
        %get3A_2278 = arith.constant 1808 : index
        %get3A_2279 = tpu.vector_load %get3A_2276[%get3A_2277, %get3A_2278] {strides = array<i32>} : memref<1x2048xf32, #tpu.memory_space<vmem>>, vector<16xf32>,
        %min3A_2280 = arith.minimumf %min3A_2208, %get3A_2279 : vector<16xf32>
        %max3A_2281 = arith.maximumf %min3A_2208, %get3A_2279 : vector<16xf32>
        %min3A_2282 = arith.minimumf %min3A_2210, %max3A_2281 : vector<16xf32>
        %max3A_2283 = arith.maximumf %min3A_2210, %max3A_2281 : vector<16xf32>
        %min3A_2284 = arith.minimumf %min3A_2212, %max3A_2283 : vector<16xf32>
        %max3A_2285 = arith.maximumf %min3A_2212, %max3A_2283 : vector<16xf32>
        %min3A_2286 = arith.minimumf %min3A_2214, %max3A_2285 : vector<16xf32>
        %max3A_2287 = arith.maximumf %min3A_2214, %max3A_2285 : vector<16xf32>
        %min3A_2288 = arith.minimumf %min3A_2216, %max3A_2287 : vector<16xf32>
        %max3A_2289 = arith.maximumf %min3A_2216, %max3A_2287 : vector<16xf32>
        %get3A_2290 = arith.constant 0 : i32
        %get3A_2291 = arith.constant 0 : i32
        %get3A_2292 = arith.constant 0 : i32
        %get3A_2293 = tpu.memref_slice %run_scoped3A[%rem3A_199, %get3A_2291, %get3A_2292] : memref<2x1x2048xf32, #tpu.memory_space<vmem>> -> memref<1x1x2048xf32, #tpu.memory_space<vmem>>
        %get3A_2294 = tpu.memref_squeeze %get3A_2293 : memref<1x1x2048xf32, #tpu.memory_space<vmem>> -> memref<1x2048xf32, #tpu.memory_space<vmem>>
        %get3A_2295 = arith.index_cast %get3A_2290 : i32 to index
        %get3A_2296 = arith.constant 1824 : index
        %get3A_2297 = tpu.vector_load %get3A_2294[%get3A_2295, %get3A_2296] {strides = array<i32>} : memref<1x2048xf32, #tpu.memory_space<vmem>>, vector<16xf32>,
        %min3A_2298 = arith.minimumf %min3A_2226, %get3A_2297 : vector<16xf32>
        %max3A_2299 = arith.maximumf %min3A_2226, %get3A_2297 : vector<16xf32>
        %min3A_2300 = arith.minimumf %min3A_2228, %max3A_2299 : vector<16xf32>
        %max3A_2301 = arith.maximumf %min3A_2228, %max3A_2299 : vector<16xf32>
        %min3A_2302 = arith.minimumf %min3A_2230, %max3A_2301 : vector<16xf32>
        %max3A_2303 = arith.maximumf %min3A_2230, %max3A_2301 : vector<16xf32>
        %min3A_2304 = arith.minimumf %min3A_2232, %max3A_2303 : vector<16xf32>
        %max3A_2305 = arith.maximumf %min3A_2232, %max3A_2303 : vector<16xf32>
        %min3A_2306 = arith.minimumf %min3A_2234, %max3A_2305 : vector<16xf32>
        %max3A_2307 = arith.maximumf %min3A_2234, %max3A_2305 : vector<16xf32>
        %get3A_2308 = arith.constant 0 : i32
        %get3A_2309 = arith.constant 0 : i32
        %get3A_2310 = arith.constant 0 : i32
        %get3A_2311 = tpu.memref_slice %run_scoped3A[%rem3A_199, %get3A_2309, %get3A_2310] : memref<2x1x2048xf32, #tpu.memory_space<vmem>> -> memref<1x1x2048xf32, #tpu.memory_space<vmem>>
        %get3A_2312 = tpu.memref_squeeze %get3A_2311 : memref<1x1x2048xf32, #tpu.memory_space<vmem>> -> memref<1x2048xf32, #tpu.memory_space<vmem>>
        %get3A_2313 = arith.index_cast %get3A_2308 : i32 to index
        %get3A_2314 = arith.constant 1840 : index
        %get3A_2315 = tpu.vector_load %get3A_2312[%get3A_2313, %get3A_2314] {strides = array<i32>} : memref<1x2048xf32, #tpu.memory_space<vmem>>, vector<16xf32>,
        %min3A_2316 = arith.minimumf %min3A_2244, %get3A_2315 : vector<16xf32>
        %max3A_2317 = arith.maximumf %min3A_2244, %get3A_2315 : vector<16xf32>
        %min3A_2318 = arith.minimumf %min3A_2246, %max3A_2317 : vector<16xf32>
        %max3A_2319 = arith.maximumf %min3A_2246, %max3A_2317 : vector<16xf32>
        %min3A_2320 = arith.minimumf %min3A_2248, %max3A_2319 : vector<16xf32>
        %max3A_2321 = arith.maximumf %min3A_2248, %max3A_2319 : vector<16xf32>
        %min3A_2322 = arith.minimumf %min3A_2250, %max3A_2321 : vector<16xf32>
        %max3A_2323 = arith.maximumf %min3A_2250, %max3A_2321 : vector<16xf32>
        %min3A_2324 = arith.minimumf %min3A_2252, %max3A_2323 : vector<16xf32>
        %max3A_2325 = arith.maximumf %min3A_2252, %max3A_2323 : vector<16xf32>
        %get3A_2326 = arith.constant 0 : i32
        %get3A_2327 = arith.constant 0 : i32
        %get3A_2328 = arith.constant 0 : i32
        %get3A_2329 = tpu.memref_slice %run_scoped3A[%rem3A_199, %get3A_2327, %get3A_2328] : memref<2x1x2048xf32, #tpu.memory_space<vmem>> -> memref<1x1x2048xf32, #tpu.memory_space<vmem>>
        %get3A_2330 = tpu.memref_squeeze %get3A_2329 : memref<1x1x2048xf32, #tpu.memory_space<vmem>> -> memref<1x2048xf32, #tpu.memory_space<vmem>>
        %get3A_2331 = arith.index_cast %get3A_2326 : i32 to index
        %get3A_2332 = arith.constant 1856 : index
        %get3A_2333 = tpu.vector_load %get3A_2330[%get3A_2331, %get3A_2332] {strides = array<i32>} : memref<1x2048xf32, #tpu.memory_space<vmem>>, vector<16xf32>,
        %min3A_2334 = arith.minimumf %min3A_2262, %get3A_2333 : vector<16xf32>
        %max3A_2335 = arith.maximumf %min3A_2262, %get3A_2333 : vector<16xf32>
        %min3A_2336 = arith.minimumf %min3A_2264, %max3A_2335 : vector<16xf32>
        %max3A_2337 = arith.maximumf %min3A_2264, %max3A_2335 : vector<16xf32>
        %min3A_2338 = arith.minimumf %min3A_2266, %max3A_2337 : vector<16xf32>
        %max3A_2339 = arith.maximumf %min3A_2266, %max3A_2337 : vector<16xf32>
        %min3A_2340 = arith.minimumf %min3A_2268, %max3A_2339 : vector<16xf32>
        %max3A_2341 = arith.maximumf %min3A_2268, %max3A_2339 : vector<16xf32>
        %min3A_2342 = arith.minimumf %min3A_2270, %max3A_2341 : vector<16xf32>
        %max3A_2343 = arith.maximumf %min3A_2270, %max3A_2341 : vector<16xf32>
        %get3A_2344 = arith.constant 0 : i32
        %get3A_2345 = arith.constant 0 : i32
        %get3A_2346 = arith.constant 0 : i32
        %get3A_2347 = tpu.memref_slice %run_scoped3A[%rem3A_199, %get3A_2345, %get3A_2346] : memref<2x1x2048xf32, #tpu.memory_space<vmem>> -> memref<1x1x2048xf32, #tpu.memory_space<vmem>>
        %get3A_2348 = tpu.memref_squeeze %get3A_2347 : memref<1x1x2048xf32, #tpu.memory_space<vmem>> -> memref<1x2048xf32, #tpu.memory_space<vmem>>
        %get3A_2349 = arith.index_cast %get3A_2344 : i32 to index
        %get3A_2350 = arith.constant 1872 : index
        %get3A_2351 = tpu.vector_load %get3A_2348[%get3A_2349, %get3A_2350] {strides = array<i32>} : memref<1x2048xf32, #tpu.memory_space<vmem>>, vector<16xf32>,
        %min3A_2352 = arith.minimumf %min3A_2280, %get3A_2351 : vector<16xf32>
        %max3A_2353 = arith.maximumf %min3A_2280, %get3A_2351 : vector<16xf32>
        %min3A_2354 = arith.minimumf %min3A_2282, %max3A_2353 : vector<16xf32>
        %max3A_2355 = arith.maximumf %min3A_2282, %max3A_2353 : vector<16xf32>
        %min3A_2356 = arith.minimumf %min3A_2284, %max3A_2355 : vector<16xf32>
        %max3A_2357 = arith.maximumf %min3A_2284, %max3A_2355 : vector<16xf32>
        %min3A_2358 = arith.minimumf %min3A_2286, %max3A_2357 : vector<16xf32>
        %max3A_2359 = arith.maximumf %min3A_2286, %max3A_2357 : vector<16xf32>
        %min3A_2360 = arith.minimumf %min3A_2288, %max3A_2359 : vector<16xf32>
        %max3A_2361 = arith.maximumf %min3A_2288, %max3A_2359 : vector<16xf32>
        %get3A_2362 = arith.constant 0 : i32
        %get3A_2363 = arith.constant 0 : i32
        %get3A_2364 = arith.constant 0 : i32
        %get3A_2365 = tpu.memref_slice %run_scoped3A[%rem3A_199, %get3A_2363, %get3A_2364] : memref<2x1x2048xf32, #tpu.memory_space<vmem>> -> memref<1x1x2048xf32, #tpu.memory_space<vmem>>
        %get3A_2366 = tpu.memref_squeeze %get3A_2365 : memref<1x1x2048xf32, #tpu.memory_space<vmem>> -> memref<1x2048xf32, #tpu.memory_space<vmem>>
        %get3A_2367 = arith.index_cast %get3A_2362 : i32 to index
        %get3A_2368 = arith.constant 1888 : index
        %get3A_2369 = tpu.vector_load %get3A_2366[%get3A_2367, %get3A_2368] {strides = array<i32>} : memref<1x2048xf32, #tpu.memory_space<vmem>>, vector<16xf32>,
        %min3A_2370 = arith.minimumf %min3A_2298, %get3A_2369 : vector<16xf32>
        %max3A_2371 = arith.maximumf %min3A_2298, %get3A_2369 : vector<16xf32>
        %min3A_2372 = arith.minimumf %min3A_2300, %max3A_2371 : vector<16xf32>
        %max3A_2373 = arith.maximumf %min3A_2300, %max3A_2371 : vector<16xf32>
        %min3A_2374 = arith.minimumf %min3A_2302, %max3A_2373 : vector<16xf32>
        %max3A_2375 = arith.maximumf %min3A_2302, %max3A_2373 : vector<16xf32>
        %min3A_2376 = arith.minimumf %min3A_2304, %max3A_2375 : vector<16xf32>
        %max3A_2377 = arith.maximumf %min3A_2304, %max3A_2375 : vector<16xf32>
        %min3A_2378 = arith.minimumf %min3A_2306, %max3A_2377 : vector<16xf32>
        %max3A_2379 = arith.maximumf %min3A_2306, %max3A_2377 : vector<16xf32>
        %get3A_2380 = arith.constant 0 : i32
        %get3A_2381 = arith.constant 0 : i32
        %get3A_2382 = arith.constant 0 : i32
        %get3A_2383 = tpu.memref_slice %run_scoped3A[%rem3A_199, %get3A_2381, %get3A_2382] : memref<2x1x2048xf32, #tpu.memory_space<vmem>> -> memref<1x1x2048xf32, #tpu.memory_space<vmem>>
        %get3A_2384 = tpu.memref_squeeze %get3A_2383 : memref<1x1x2048xf32, #tpu.memory_space<vmem>> -> memref<1x2048xf32, #tpu.memory_space<vmem>>
        %get3A_2385 = arith.index_cast %get3A_2380 : i32 to index
        %get3A_2386 = arith.constant 1904 : index
        %get3A_2387 = tpu.vector_load %get3A_2384[%get3A_2385, %get3A_2386] {strides = array<i32>} : memref<1x2048xf32, #tpu.memory_space<vmem>>, vector<16xf32>,
        %min3A_2388 = arith.minimumf %min3A_2316, %get3A_2387 : vector<16xf32>
        %max3A_2389 = arith.maximumf %min3A_2316, %get3A_2387 : vector<16xf32>
        %min3A_2390 = arith.minimumf %min3A_2318, %max3A_2389 : vector<16xf32>
        %max3A_2391 = arith.maximumf %min3A_2318, %max3A_2389 : vector<16xf32>
        %min3A_2392 = arith.minimumf %min3A_2320, %max3A_2391 : vector<16xf32>
        %max3A_2393 = arith.maximumf %min3A_2320, %max3A_2391 : vector<16xf32>
        %min3A_2394 = arith.minimumf %min3A_2322, %max3A_2393 : vector<16xf32>
        %max3A_2395 = arith.maximumf %min3A_2322, %max3A_2393 : vector<16xf32>
        %min3A_2396 = arith.minimumf %min3A_2324, %max3A_2395 : vector<16xf32>
        %max3A_2397 = arith.maximumf %min3A_2324, %max3A_2395 : vector<16xf32>
        %get3A_2398 = arith.constant 0 : i32
        %get3A_2399 = arith.constant 0 : i32
        %get3A_2400 = arith.constant 0 : i32
        %get3A_2401 = tpu.memref_slice %run_scoped3A[%rem3A_199, %get3A_2399, %get3A_2400] : memref<2x1x2048xf32, #tpu.memory_space<vmem>> -> memref<1x1x2048xf32, #tpu.memory_space<vmem>>
        %get3A_2402 = tpu.memref_squeeze %get3A_2401 : memref<1x1x2048xf32, #tpu.memory_space<vmem>> -> memref<1x2048xf32, #tpu.memory_space<vmem>>
        %get3A_2403 = arith.index_cast %get3A_2398 : i32 to index
        %get3A_2404 = arith.constant 1920 : index
        %get3A_2405 = tpu.vector_load %get3A_2402[%get3A_2403, %get3A_2404] {strides = array<i32>} : memref<1x2048xf32, #tpu.memory_space<vmem>>, vector<16xf32>,
        %min3A_2406 = arith.minimumf %min3A_2334, %get3A_2405 : vector<16xf32>
        %max3A_2407 = arith.maximumf %min3A_2334, %get3A_2405 : vector<16xf32>
        %min3A_2408 = arith.minimumf %min3A_2336, %max3A_2407 : vector<16xf32>
        %max3A_2409 = arith.maximumf %min3A_2336, %max3A_2407 : vector<16xf32>
        %min3A_2410 = arith.minimumf %min3A_2338, %max3A_2409 : vector<16xf32>
        %max3A_2411 = arith.maximumf %min3A_2338, %max3A_2409 : vector<16xf32>
        %min3A_2412 = arith.minimumf %min3A_2340, %max3A_2411 : vector<16xf32>
        %max3A_2413 = arith.maximumf %min3A_2340, %max3A_2411 : vector<16xf32>
        %min3A_2414 = arith.minimumf %min3A_2342, %max3A_2413 : vector<16xf32>
        %max3A_2415 = arith.maximumf %min3A_2342, %max3A_2413 : vector<16xf32>
        %get3A_2416 = arith.constant 0 : i32
        %get3A_2417 = arith.constant 0 : i32
        %get3A_2418 = arith.constant 0 : i32
        %get3A_2419 = tpu.memref_slice %run_scoped3A[%rem3A_199, %get3A_2417, %get3A_2418] : memref<2x1x2048xf32, #tpu.memory_space<vmem>> -> memref<1x1x2048xf32, #tpu.memory_space<vmem>>
        %get3A_2420 = tpu.memref_squeeze %get3A_2419 : memref<1x1x2048xf32, #tpu.memory_space<vmem>> -> memref<1x2048xf32, #tpu.memory_space<vmem>>
        %get3A_2421 = arith.index_cast %get3A_2416 : i32 to index
        %get3A_2422 = arith.constant 1936 : index
        %get3A_2423 = tpu.vector_load %get3A_2420[%get3A_2421, %get3A_2422] {strides = array<i32>} : memref<1x2048xf32, #tpu.memory_space<vmem>>, vector<16xf32>,
        %min3A_2424 = arith.minimumf %min3A_2352, %get3A_2423 : vector<16xf32>
        %max3A_2425 = arith.maximumf %min3A_2352, %get3A_2423 : vector<16xf32>
        %min3A_2426 = arith.minimumf %min3A_2354, %max3A_2425 : vector<16xf32>
        %max3A_2427 = arith.maximumf %min3A_2354, %max3A_2425 : vector<16xf32>
        %min3A_2428 = arith.minimumf %min3A_2356, %max3A_2427 : vector<16xf32>
        %max3A_2429 = arith.maximumf %min3A_2356, %max3A_2427 : vector<16xf32>
        %min3A_2430 = arith.minimumf %min3A_2358, %max3A_2429 : vector<16xf32>
        %max3A_2431 = arith.maximumf %min3A_2358, %max3A_2429 : vector<16xf32>
        %min3A_2432 = arith.minimumf %min3A_2360, %max3A_2431 : vector<16xf32>
        %max3A_2433 = arith.maximumf %min3A_2360, %max3A_2431 : vector<16xf32>
        %get3A_2434 = arith.constant 0 : i32
        %get3A_2435 = arith.constant 0 : i32
        %get3A_2436 = arith.constant 0 : i32
        %get3A_2437 = tpu.memref_slice %run_scoped3A[%rem3A_199, %get3A_2435, %get3A_2436] : memref<2x1x2048xf32, #tpu.memory_space<vmem>> -> memref<1x1x2048xf32, #tpu.memory_space<vmem>>
        %get3A_2438 = tpu.memref_squeeze %get3A_2437 : memref<1x1x2048xf32, #tpu.memory_space<vmem>> -> memref<1x2048xf32, #tpu.memory_space<vmem>>
        %get3A_2439 = arith.index_cast %get3A_2434 : i32 to index
        %get3A_2440 = arith.constant 1952 : index
        %get3A_2441 = tpu.vector_load %get3A_2438[%get3A_2439, %get3A_2440] {strides = array<i32>} : memref<1x2048xf32, #tpu.memory_space<vmem>>, vector<16xf32>,
        %min3A_2442 = arith.minimumf %min3A_2370, %get3A_2441 : vector<16xf32>
        %max3A_2443 = arith.maximumf %min3A_2370, %get3A_2441 : vector<16xf32>
        %min3A_2444 = arith.minimumf %min3A_2372, %max3A_2443 : vector<16xf32>
        %max3A_2445 = arith.maximumf %min3A_2372, %max3A_2443 : vector<16xf32>
        %min3A_2446 = arith.minimumf %min3A_2374, %max3A_2445 : vector<16xf32>
        %max3A_2447 = arith.maximumf %min3A_2374, %max3A_2445 : vector<16xf32>
        %min3A_2448 = arith.minimumf %min3A_2376, %max3A_2447 : vector<16xf32>
        %max3A_2449 = arith.maximumf %min3A_2376, %max3A_2447 : vector<16xf32>
        %min3A_2450 = arith.minimumf %min3A_2378, %max3A_2449 : vector<16xf32>
        %max3A_2451 = arith.maximumf %min3A_2378, %max3A_2449 : vector<16xf32>
        %get3A_2452 = arith.constant 0 : i32
        %get3A_2453 = arith.constant 0 : i32
        %get3A_2454 = arith.constant 0 : i32
        %get3A_2455 = tpu.memref_slice %run_scoped3A[%rem3A_199, %get3A_2453, %get3A_2454] : memref<2x1x2048xf32, #tpu.memory_space<vmem>> -> memref<1x1x2048xf32, #tpu.memory_space<vmem>>
        %get3A_2456 = tpu.memref_squeeze %get3A_2455 : memref<1x1x2048xf32, #tpu.memory_space<vmem>> -> memref<1x2048xf32, #tpu.memory_space<vmem>>
        %get3A_2457 = arith.index_cast %get3A_2452 : i32 to index
        %get3A_2458 = arith.constant 1968 : index
        %get3A_2459 = tpu.vector_load %get3A_2456[%get3A_2457, %get3A_2458] {strides = array<i32>} : memref<1x2048xf32, #tpu.memory_space<vmem>>, vector<16xf32>,
        %min3A_2460 = arith.minimumf %min3A_2388, %get3A_2459 : vector<16xf32>
        %max3A_2461 = arith.maximumf %min3A_2388, %get3A_2459 : vector<16xf32>
        %min3A_2462 = arith.minimumf %min3A_2390, %max3A_2461 : vector<16xf32>
        %max3A_2463 = arith.maximumf %min3A_2390, %max3A_2461 : vector<16xf32>
        %min3A_2464 = arith.minimumf %min3A_2392, %max3A_2463 : vector<16xf32>
        %max3A_2465 = arith.maximumf %min3A_2392, %max3A_2463 : vector<16xf32>
        %min3A_2466 = arith.minimumf %min3A_2394, %max3A_2465 : vector<16xf32>
        %max3A_2467 = arith.maximumf %min3A_2394, %max3A_2465 : vector<16xf32>
        %min3A_2468 = arith.minimumf %min3A_2396, %max3A_2467 : vector<16xf32>
        %max3A_2469 = arith.maximumf %min3A_2396, %max3A_2467 : vector<16xf32>
        %get3A_2470 = arith.constant 0 : i32
        %get3A_2471 = arith.constant 0 : i32
        %get3A_2472 = arith.constant 0 : i32
        %get3A_2473 = tpu.memref_slice %run_scoped3A[%rem3A_199, %get3A_2471, %get3A_2472] : memref<2x1x2048xf32, #tpu.memory_space<vmem>> -> memref<1x1x2048xf32, #tpu.memory_space<vmem>>
        %get3A_2474 = tpu.memref_squeeze %get3A_2473 : memref<1x1x2048xf32, #tpu.memory_space<vmem>> -> memref<1x2048xf32, #tpu.memory_space<vmem>>
        %get3A_2475 = arith.index_cast %get3A_2470 : i32 to index
        %get3A_2476 = arith.constant 1984 : index
        %get3A_2477 = tpu.vector_load %get3A_2474[%get3A_2475, %get3A_2476] {strides = array<i32>} : memref<1x2048xf32, #tpu.memory_space<vmem>>, vector<16xf32>,
        %min3A_2478 = arith.minimumf %min3A_2406, %get3A_2477 : vector<16xf32>
        %max3A_2479 = arith.maximumf %min3A_2406, %get3A_2477 : vector<16xf32>
        %min3A_2480 = arith.minimumf %min3A_2408, %max3A_2479 : vector<16xf32>
        %max3A_2481 = arith.maximumf %min3A_2408, %max3A_2479 : vector<16xf32>
        %min3A_2482 = arith.minimumf %min3A_2410, %max3A_2481 : vector<16xf32>
        %max3A_2483 = arith.maximumf %min3A_2410, %max3A_2481 : vector<16xf32>
        %min3A_2484 = arith.minimumf %min3A_2412, %max3A_2483 : vector<16xf32>
        %max3A_2485 = arith.maximumf %min3A_2412, %max3A_2483 : vector<16xf32>
        %min3A_2486 = arith.minimumf %min3A_2414, %max3A_2485 : vector<16xf32>
        %max3A_2487 = arith.maximumf %min3A_2414, %max3A_2485 : vector<16xf32>
        %get3A_2488 = arith.constant 0 : i32
        %get3A_2489 = arith.constant 0 : i32
        %get3A_2490 = arith.constant 0 : i32
        %get3A_2491 = tpu.memref_slice %run_scoped3A[%rem3A_199, %get3A_2489, %get3A_2490] : memref<2x1x2048xf32, #tpu.memory_space<vmem>> -> memref<1x1x2048xf32, #tpu.memory_space<vmem>>
        %get3A_2492 = tpu.memref_squeeze %get3A_2491 : memref<1x1x2048xf32, #tpu.memory_space<vmem>> -> memref<1x2048xf32, #tpu.memory_space<vmem>>
        %get3A_2493 = arith.index_cast %get3A_2488 : i32 to index
        %get3A_2494 = arith.constant 2000 : index
        %get3A_2495 = tpu.vector_load %get3A_2492[%get3A_2493, %get3A_2494] {strides = array<i32>} : memref<1x2048xf32, #tpu.memory_space<vmem>>, vector<16xf32>,
        %min3A_2496 = arith.minimumf %min3A_2424, %get3A_2495 : vector<16xf32>
        %max3A_2497 = arith.maximumf %min3A_2424, %get3A_2495 : vector<16xf32>
        %min3A_2498 = arith.minimumf %min3A_2426, %max3A_2497 : vector<16xf32>
        %max3A_2499 = arith.maximumf %min3A_2426, %max3A_2497 : vector<16xf32>
        %min3A_2500 = arith.minimumf %min3A_2428, %max3A_2499 : vector<16xf32>
        %max3A_2501 = arith.maximumf %min3A_2428, %max3A_2499 : vector<16xf32>
        %min3A_2502 = arith.minimumf %min3A_2430, %max3A_2501 : vector<16xf32>
        %max3A_2503 = arith.maximumf %min3A_2430, %max3A_2501 : vector<16xf32>
        %min3A_2504 = arith.minimumf %min3A_2432, %max3A_2503 : vector<16xf32>
        %max3A_2505 = arith.maximumf %min3A_2432, %max3A_2503 : vector<16xf32>
        %get3A_2506 = arith.constant 0 : i32
        %get3A_2507 = arith.constant 0 : i32
        %get3A_2508 = arith.constant 0 : i32
        %get3A_2509 = tpu.memref_slice %run_scoped3A[%rem3A_199, %get3A_2507, %get3A_2508] : memref<2x1x2048xf32, #tpu.memory_space<vmem>> -> memref<1x1x2048xf32, #tpu.memory_space<vmem>>
        %get3A_2510 = tpu.memref_squeeze %get3A_2509 : memref<1x1x2048xf32, #tpu.memory_space<vmem>> -> memref<1x2048xf32, #tpu.memory_space<vmem>>
        %get3A_2511 = arith.index_cast %get3A_2506 : i32 to index
        %get3A_2512 = arith.constant 2016 : index
        %get3A_2513 = tpu.vector_load %get3A_2510[%get3A_2511, %get3A_2512] {strides = array<i32>} : memref<1x2048xf32, #tpu.memory_space<vmem>>, vector<16xf32>,
        %min3A_2514 = arith.minimumf %min3A_2442, %get3A_2513 : vector<16xf32>
        %max3A_2515 = arith.maximumf %min3A_2442, %get3A_2513 : vector<16xf32>
        %min3A_2516 = arith.minimumf %min3A_2444, %max3A_2515 : vector<16xf32>
        %max3A_2517 = arith.maximumf %min3A_2444, %max3A_2515 : vector<16xf32>
        %min3A_2518 = arith.minimumf %min3A_2446, %max3A_2517 : vector<16xf32>
        %max3A_2519 = arith.maximumf %min3A_2446, %max3A_2517 : vector<16xf32>
        %min3A_2520 = arith.minimumf %min3A_2448, %max3A_2519 : vector<16xf32>
        %max3A_2521 = arith.maximumf %min3A_2448, %max3A_2519 : vector<16xf32>
        %min3A_2522 = arith.minimumf %min3A_2450, %max3A_2521 : vector<16xf32>
        %max3A_2523 = arith.maximumf %min3A_2450, %max3A_2521 : vector<16xf32>
        %get3A_2524 = arith.constant 0 : i32
        %get3A_2525 = arith.constant 0 : i32
        %get3A_2526 = arith.constant 0 : i32
        %get3A_2527 = tpu.memref_slice %run_scoped3A[%rem3A_199, %get3A_2525, %get3A_2526] : memref<2x1x2048xf32, #tpu.memory_space<vmem>> -> memref<1x1x2048xf32, #tpu.memory_space<vmem>>
        %get3A_2528 = tpu.memref_squeeze %get3A_2527 : memref<1x1x2048xf32, #tpu.memory_space<vmem>> -> memref<1x2048xf32, #tpu.memory_space<vmem>>
        %get3A_2529 = arith.index_cast %get3A_2524 : i32 to index
        %get3A_2530 = arith.constant 2032 : index
        %get3A_2531 = tpu.vector_load %get3A_2528[%get3A_2529, %get3A_2530] {strides = array<i32>} : memref<1x2048xf32, #tpu.memory_space<vmem>>, vector<16xf32>,
        %min3A_2532 = arith.minimumf %min3A_2460, %get3A_2531 : vector<16xf32>
        %max3A_2533 = arith.maximumf %min3A_2460, %get3A_2531 : vector<16xf32>
        %min3A_2534 = arith.minimumf %min3A_2462, %max3A_2533 : vector<16xf32>
        %max3A_2535 = arith.maximumf %min3A_2462, %max3A_2533 : vector<16xf32>
        %min3A_2536 = arith.minimumf %min3A_2464, %max3A_2535 : vector<16xf32>
        %max3A_2537 = arith.maximumf %min3A_2464, %max3A_2535 : vector<16xf32>
        %min3A_2538 = arith.minimumf %min3A_2466, %max3A_2537 : vector<16xf32>
        %max3A_2539 = arith.maximumf %min3A_2466, %max3A_2537 : vector<16xf32>
        %min3A_2540 = arith.minimumf %min3A_2468, %max3A_2539 : vector<16xf32>
        %max3A_2541 = arith.maximumf %min3A_2468, %max3A_2539 : vector<16xf32>
        %min3A_2542 = arith.minimumf %min3A_2478, %min3A_2496 : vector<16xf32>
        %max3A_2543 = arith.maximumf %min3A_2478, %min3A_2496 : vector<16xf32>
        %min3A_2544 = arith.minimumf %min3A_2480, %max3A_2543 : vector<16xf32>
        %max3A_2545 = arith.maximumf %min3A_2480, %max3A_2543 : vector<16xf32>
        %min3A_2546 = arith.minimumf %min3A_2482, %max3A_2545 : vector<16xf32>
        %max3A_2547 = arith.maximumf %min3A_2482, %max3A_2545 : vector<16xf32>
        %min3A_2548 = arith.minimumf %min3A_2484, %max3A_2547 : vector<16xf32>
        %max3A_2549 = arith.maximumf %min3A_2484, %max3A_2547 : vector<16xf32>
        %min3A_2550 = arith.minimumf %min3A_2486, %max3A_2549 : vector<16xf32>
        %max3A_2551 = arith.maximumf %min3A_2486, %max3A_2549 : vector<16xf32>
        %min3A_2552 = arith.minimumf %min3A_2542, %min3A_2498 : vector<16xf32>
        %max3A_2553 = arith.maximumf %min3A_2542, %min3A_2498 : vector<16xf32>
        %min3A_2554 = arith.minimumf %min3A_2544, %max3A_2553 : vector<16xf32>
        %max3A_2555 = arith.maximumf %min3A_2544, %max3A_2553 : vector<16xf32>
        %min3A_2556 = arith.minimumf %min3A_2546, %max3A_2555 : vector<16xf32>
        %max3A_2557 = arith.maximumf %min3A_2546, %max3A_2555 : vector<16xf32>
        %min3A_2558 = arith.minimumf %min3A_2548, %max3A_2557 : vector<16xf32>
        %max3A_2559 = arith.maximumf %min3A_2548, %max3A_2557 : vector<16xf32>
        %min3A_2560 = arith.minimumf %min3A_2550, %max3A_2559 : vector<16xf32>
        %max3A_2561 = arith.maximumf %min3A_2550, %max3A_2559 : vector<16xf32>
        %min3A_2562 = arith.minimumf %min3A_2552, %min3A_2500 : vector<16xf32>
        %max3A_2563 = arith.maximumf %min3A_2552, %min3A_2500 : vector<16xf32>
        %min3A_2564 = arith.minimumf %min3A_2554, %max3A_2563 : vector<16xf32>
        %max3A_2565 = arith.maximumf %min3A_2554, %max3A_2563 : vector<16xf32>
        %min3A_2566 = arith.minimumf %min3A_2556, %max3A_2565 : vector<16xf32>
        %max3A_2567 = arith.maximumf %min3A_2556, %max3A_2565 : vector<16xf32>
        %min3A_2568 = arith.minimumf %min3A_2558, %max3A_2567 : vector<16xf32>
        %max3A_2569 = arith.maximumf %min3A_2558, %max3A_2567 : vector<16xf32>
        %min3A_2570 = arith.minimumf %min3A_2560, %max3A_2569 : vector<16xf32>
        %max3A_2571 = arith.maximumf %min3A_2560, %max3A_2569 : vector<16xf32>
        %min3A_2572 = arith.minimumf %min3A_2562, %min3A_2502 : vector<16xf32>
        %max3A_2573 = arith.maximumf %min3A_2562, %min3A_2502 : vector<16xf32>
        %min3A_2574 = arith.minimumf %min3A_2564, %max3A_2573 : vector<16xf32>
        %max3A_2575 = arith.maximumf %min3A_2564, %max3A_2573 : vector<16xf32>
        %min3A_2576 = arith.minimumf %min3A_2566, %max3A_2575 : vector<16xf32>
        %max3A_2577 = arith.maximumf %min3A_2566, %max3A_2575 : vector<16xf32>
        %min3A_2578 = arith.minimumf %min3A_2568, %max3A_2577 : vector<16xf32>
        %max3A_2579 = arith.maximumf %min3A_2568, %max3A_2577 : vector<16xf32>
        %min3A_2580 = arith.minimumf %min3A_2570, %max3A_2579 : vector<16xf32>
        %max3A_2581 = arith.maximumf %min3A_2570, %max3A_2579 : vector<16xf32>
        %min3A_2582 = arith.minimumf %min3A_2572, %min3A_2504 : vector<16xf32>
        %max3A_2583 = arith.maximumf %min3A_2572, %min3A_2504 : vector<16xf32>
        %min3A_2584 = arith.minimumf %min3A_2574, %max3A_2583 : vector<16xf32>
        %max3A_2585 = arith.maximumf %min3A_2574, %max3A_2583 : vector<16xf32>
        %min3A_2586 = arith.minimumf %min3A_2576, %max3A_2585 : vector<16xf32>
        %max3A_2587 = arith.maximumf %min3A_2576, %max3A_2585 : vector<16xf32>
        %min3A_2588 = arith.minimumf %min3A_2578, %max3A_2587 : vector<16xf32>
        %max3A_2589 = arith.maximumf %min3A_2578, %max3A_2587 : vector<16xf32>
        %min3A_2590 = arith.minimumf %min3A_2580, %max3A_2589 : vector<16xf32>
        %max3A_2591 = arith.maximumf %min3A_2580, %max3A_2589 : vector<16xf32>
        %min3A_2592 = arith.minimumf %min3A_2582, %min3A_2514 : vector<16xf32>
        %max3A_2593 = arith.maximumf %min3A_2582, %min3A_2514 : vector<16xf32>
        %min3A_2594 = arith.minimumf %min3A_2584, %max3A_2593 : vector<16xf32>
        %max3A_2595 = arith.maximumf %min3A_2584, %max3A_2593 : vector<16xf32>
        %min3A_2596 = arith.minimumf %min3A_2586, %max3A_2595 : vector<16xf32>
        %max3A_2597 = arith.maximumf %min3A_2586, %max3A_2595 : vector<16xf32>
        %min3A_2598 = arith.minimumf %min3A_2588, %max3A_2597 : vector<16xf32>
        %max3A_2599 = arith.maximumf %min3A_2588, %max3A_2597 : vector<16xf32>
        %min3A_2600 = arith.minimumf %min3A_2590, %max3A_2599 : vector<16xf32>
        %max3A_2601 = arith.maximumf %min3A_2590, %max3A_2599 : vector<16xf32>
        %min3A_2602 = arith.minimumf %min3A_2592, %min3A_2516 : vector<16xf32>
        %max3A_2603 = arith.maximumf %min3A_2592, %min3A_2516 : vector<16xf32>
        %min3A_2604 = arith.minimumf %min3A_2594, %max3A_2603 : vector<16xf32>
        %max3A_2605 = arith.maximumf %min3A_2594, %max3A_2603 : vector<16xf32>
        %min3A_2606 = arith.minimumf %min3A_2596, %max3A_2605 : vector<16xf32>
        %max3A_2607 = arith.maximumf %min3A_2596, %max3A_2605 : vector<16xf32>
        %min3A_2608 = arith.minimumf %min3A_2598, %max3A_2607 : vector<16xf32>
        %max3A_2609 = arith.maximumf %min3A_2598, %max3A_2607 : vector<16xf32>
        %min3A_2610 = arith.minimumf %min3A_2600, %max3A_2609 : vector<16xf32>
        %max3A_2611 = arith.maximumf %min3A_2600, %max3A_2609 : vector<16xf32>
        %min3A_2612 = arith.minimumf %min3A_2602, %min3A_2518 : vector<16xf32>
        %max3A_2613 = arith.maximumf %min3A_2602, %min3A_2518 : vector<16xf32>
        %min3A_2614 = arith.minimumf %min3A_2604, %max3A_2613 : vector<16xf32>
        %max3A_2615 = arith.maximumf %min3A_2604, %max3A_2613 : vector<16xf32>
        %min3A_2616 = arith.minimumf %min3A_2606, %max3A_2615 : vector<16xf32>
        %max3A_2617 = arith.maximumf %min3A_2606, %max3A_2615 : vector<16xf32>
        %min3A_2618 = arith.minimumf %min3A_2608, %max3A_2617 : vector<16xf32>
        %max3A_2619 = arith.maximumf %min3A_2608, %max3A_2617 : vector<16xf32>
        %min3A_2620 = arith.minimumf %min3A_2610, %max3A_2619 : vector<16xf32>
        %max3A_2621 = arith.maximumf %min3A_2610, %max3A_2619 : vector<16xf32>
        %min3A_2622 = arith.minimumf %min3A_2612, %min3A_2520 : vector<16xf32>
        %max3A_2623 = arith.maximumf %min3A_2612, %min3A_2520 : vector<16xf32>
        %min3A_2624 = arith.minimumf %min3A_2614, %max3A_2623 : vector<16xf32>
        %max3A_2625 = arith.maximumf %min3A_2614, %max3A_2623 : vector<16xf32>
        %min3A_2626 = arith.minimumf %min3A_2616, %max3A_2625 : vector<16xf32>
        %max3A_2627 = arith.maximumf %min3A_2616, %max3A_2625 : vector<16xf32>
        %min3A_2628 = arith.minimumf %min3A_2618, %max3A_2627 : vector<16xf32>
        %max3A_2629 = arith.maximumf %min3A_2618, %max3A_2627 : vector<16xf32>
        %min3A_2630 = arith.minimumf %min3A_2620, %max3A_2629 : vector<16xf32>
        %max3A_2631 = arith.maximumf %min3A_2620, %max3A_2629 : vector<16xf32>
        %min3A_2632 = arith.minimumf %min3A_2622, %min3A_2522 : vector<16xf32>
        %max3A_2633 = arith.maximumf %min3A_2622, %min3A_2522 : vector<16xf32>
        %min3A_2634 = arith.minimumf %min3A_2624, %max3A_2633 : vector<16xf32>
        %max3A_2635 = arith.maximumf %min3A_2624, %max3A_2633 : vector<16xf32>
        %min3A_2636 = arith.minimumf %min3A_2626, %max3A_2635 : vector<16xf32>
        %max3A_2637 = arith.maximumf %min3A_2626, %max3A_2635 : vector<16xf32>
        %min3A_2638 = arith.minimumf %min3A_2628, %max3A_2637 : vector<16xf32>
        %max3A_2639 = arith.maximumf %min3A_2628, %max3A_2637 : vector<16xf32>
        %min3A_2640 = arith.minimumf %min3A_2630, %max3A_2639 : vector<16xf32>
        %max3A_2641 = arith.maximumf %min3A_2630, %max3A_2639 : vector<16xf32>
        %min3A_2642 = arith.minimumf %min3A_2632, %min3A_2532 : vector<16xf32>
        %max3A_2643 = arith.maximumf %min3A_2632, %min3A_2532 : vector<16xf32>
        %min3A_2644 = arith.minimumf %min3A_2634, %max3A_2643 : vector<16xf32>
        %max3A_2645 = arith.maximumf %min3A_2634, %max3A_2643 : vector<16xf32>
        %min3A_2646 = arith.minimumf %min3A_2636, %max3A_2645 : vector<16xf32>
        %max3A_2647 = arith.maximumf %min3A_2636, %max3A_2645 : vector<16xf32>
        %min3A_2648 = arith.minimumf %min3A_2638, %max3A_2647 : vector<16xf32>
        %max3A_2649 = arith.maximumf %min3A_2638, %max3A_2647 : vector<16xf32>
        %min3A_2650 = arith.minimumf %min3A_2640, %max3A_2649 : vector<16xf32>
        %max3A_2651 = arith.maximumf %min3A_2640, %max3A_2649 : vector<16xf32>
        %min3A_2652 = arith.minimumf %min3A_2642, %min3A_2534 : vector<16xf32>
        %max3A_2653 = arith.maximumf %min3A_2642, %min3A_2534 : vector<16xf32>
        %min3A_2654 = arith.minimumf %min3A_2644, %max3A_2653 : vector<16xf32>
        %max3A_2655 = arith.maximumf %min3A_2644, %max3A_2653 : vector<16xf32>
        %min3A_2656 = arith.minimumf %min3A_2646, %max3A_2655 : vector<16xf32>
        %max3A_2657 = arith.maximumf %min3A_2646, %max3A_2655 : vector<16xf32>
        %min3A_2658 = arith.minimumf %min3A_2648, %max3A_2657 : vector<16xf32>
        %max3A_2659 = arith.maximumf %min3A_2648, %max3A_2657 : vector<16xf32>
        %min3A_2660 = arith.minimumf %min3A_2650, %max3A_2659 : vector<16xf32>
        %max3A_2661 = arith.maximumf %min3A_2650, %max3A_2659 : vector<16xf32>
        %min3A_2662 = arith.minimumf %min3A_2652, %min3A_2536 : vector<16xf32>
        %max3A_2663 = arith.maximumf %min3A_2652, %min3A_2536 : vector<16xf32>
        %min3A_2664 = arith.minimumf %min3A_2654, %max3A_2663 : vector<16xf32>
        %max3A_2665 = arith.maximumf %min3A_2654, %max3A_2663 : vector<16xf32>
        %min3A_2666 = arith.minimumf %min3A_2656, %max3A_2665 : vector<16xf32>
        %max3A_2667 = arith.maximumf %min3A_2656, %max3A_2665 : vector<16xf32>
        %min3A_2668 = arith.minimumf %min3A_2658, %max3A_2667 : vector<16xf32>
        %max3A_2669 = arith.maximumf %min3A_2658, %max3A_2667 : vector<16xf32>
        %min3A_2670 = arith.minimumf %min3A_2660, %max3A_2669 : vector<16xf32>
        %max3A_2671 = arith.maximumf %min3A_2660, %max3A_2669 : vector<16xf32>
        %min3A_2672 = arith.minimumf %min3A_2662, %min3A_2538 : vector<16xf32>
        %max3A_2673 = arith.maximumf %min3A_2662, %min3A_2538 : vector<16xf32>
        %min3A_2674 = arith.minimumf %min3A_2664, %max3A_2673 : vector<16xf32>
        %max3A_2675 = arith.maximumf %min3A_2664, %max3A_2673 : vector<16xf32>
        %min3A_2676 = arith.minimumf %min3A_2666, %max3A_2675 : vector<16xf32>
        %max3A_2677 = arith.maximumf %min3A_2666, %max3A_2675 : vector<16xf32>
        %min3A_2678 = arith.minimumf %min3A_2668, %max3A_2677 : vector<16xf32>
        %max3A_2679 = arith.maximumf %min3A_2668, %max3A_2677 : vector<16xf32>
        %min3A_2680 = arith.minimumf %min3A_2670, %max3A_2679 : vector<16xf32>
        %max3A_2681 = arith.maximumf %min3A_2670, %max3A_2679 : vector<16xf32>
        %min3A_2682 = arith.minimumf %min3A_2672, %min3A_2540 : vector<16xf32>
        %max3A_2683 = arith.maximumf %min3A_2672, %min3A_2540 : vector<16xf32>
        %min3A_2684 = arith.minimumf %min3A_2674, %max3A_2683 : vector<16xf32>
        %max3A_2685 = arith.maximumf %min3A_2674, %max3A_2683 : vector<16xf32>
        %min3A_2686 = arith.minimumf %min3A_2676, %max3A_2685 : vector<16xf32>
        %max3A_2687 = arith.maximumf %min3A_2676, %max3A_2685 : vector<16xf32>
        %min3A_2688 = arith.minimumf %min3A_2678, %max3A_2687 : vector<16xf32>
        %max3A_2689 = arith.maximumf %min3A_2678, %max3A_2687 : vector<16xf32>
        %min3A_2690 = arith.minimumf %min3A_2680, %max3A_2689 : vector<16xf32>
        %max3A_2691 = arith.maximumf %min3A_2680, %max3A_2689 : vector<16xf32>
        %iota3A = tpu.iota {dimensions = array<i32: 0>} : vector<16xi32>
        %broadcast_in_dim3A_2692 = arith.constant 0x7F800000 : f32
        %broadcast_in_dim3A_2693 = vector.broadcast %broadcast_in_dim3A_2692 : f32 to vector<16xf32>
        %reduce_min3A = arith.constant true
        %reduce_min3A_2694 = vector.broadcast %reduce_min3A : i1 to vector<16xi1>
        %reduce_min3A_2695 = tpu.scan <min>, %min3A_2682 masked %reduce_min3A_2694 : vector<16xf32>, vector<16xi1> -> vector<16xf32>
        %reduce_min3A_2696 = vector.extract %reduce_min3A_2695[15] : f32 from vector<16xf32>
        %eq3A_2697 = arith.constant 0 : i32
        %eq3A_2698 = vector.broadcast %eq3A_2697 : i32 to vector<16xi32>
        %eq3A_2699 = arith.cmpi eq, %iota3A, %eq3A_2698 : vector<16xi32>
        %broadcast_in_dim3A_2700 = vector.broadcast %reduce_min3A_2696 : f32 to vector<16xf32>
        %select_n3A_2701 = arith.select %eq3A_2699, %broadcast_in_dim3A_2700, %broadcast_in_dim3A_2693 : vector<16xi1>, vector<16xf32>
        %le3A = vector.broadcast %reduce_min3A_2696 : f32 to vector<16xf32>
        %le3A_2702 = arith.cmpf ole, %min3A_2682, %le3A : vector<16xf32>
        %select_n3A_2703 = arith.select %le3A_2702, %min3A_2684, %min3A_2682 : vector<16xi1>, vector<16xf32>
        %select_n3A_2704 = arith.select %le3A_2702, %min3A_2686, %min3A_2684 : vector<16xi1>, vector<16xf32>
        %select_n3A_2705 = arith.select %le3A_2702, %min3A_2688, %min3A_2686 : vector<16xi1>, vector<16xf32>
        %select_n3A_2706 = arith.select %le3A_2702, %min3A_2690, %min3A_2688 : vector<16xi1>, vector<16xf32>
        %jit3A = arith.constant 0x7F800000 : f32
        %broadcast_in_dim3A_2707 = vector.broadcast %jit3A : f32 to vector<16xf32>
        %select_n3A_2708 = arith.select %le3A_2702, %broadcast_in_dim3A_2707, %min3A_2690 : vector<16xi1>, vector<16xf32>
        %reduce_min3A_2709 = arith.constant true
        %reduce_min3A_2710 = vector.broadcast %reduce_min3A_2709 : i1 to vector<16xi1>
        %reduce_min3A_2711 = tpu.scan <min>, %select_n3A_2703 masked %reduce_min3A_2710 : vector<16xf32>, vector<16xi1> -> vector<16xf32>
        %reduce_min3A_2712 = vector.extract %reduce_min3A_2711[15] : f32 from vector<16xf32>
        %eq3A_2713 = arith.constant 1 : i32
        %eq3A_2714 = vector.broadcast %eq3A_2713 : i32 to vector<16xi32>
        %eq3A_2715 = arith.cmpi eq, %iota3A, %eq3A_2714 : vector<16xi32>
        %broadcast_in_dim3A_2716 = vector.broadcast %reduce_min3A_2712 : f32 to vector<16xf32>
        %select_n3A_2717 = arith.select %eq3A_2715, %broadcast_in_dim3A_2716, %select_n3A_2701 : vector<16xi1>, vector<16xf32>
        %le3A_2718 = vector.broadcast %reduce_min3A_2712 : f32 to vector<16xf32>
        %le3A_2719 = arith.cmpf ole, %select_n3A_2703, %le3A_2718 : vector<16xf32>
        %select_n3A_2720 = arith.select %le3A_2719, %select_n3A_2704, %select_n3A_2703 : vector<16xi1>, vector<16xf32>
        %select_n3A_2721 = arith.select %le3A_2719, %select_n3A_2705, %select_n3A_2704 : vector<16xi1>, vector<16xf32>
        %select_n3A_2722 = arith.select %le3A_2719, %select_n3A_2706, %select_n3A_2705 : vector<16xi1>, vector<16xf32>
        %select_n3A_2723 = arith.select %le3A_2719, %select_n3A_2708, %select_n3A_2706 : vector<16xi1>, vector<16xf32>
        %jit3A_2724 = arith.constant 0x7F800000 : f32
        %broadcast_in_dim3A_2725 = vector.broadcast %jit3A_2724 : f32 to vector<16xf32>
        %select_n3A_2726 = arith.select %le3A_2719, %broadcast_in_dim3A_2725, %select_n3A_2708 : vector<16xi1>, vector<16xf32>
        %reduce_min3A_2727 = arith.constant true
        %reduce_min3A_2728 = vector.broadcast %reduce_min3A_2727 : i1 to vector<16xi1>
        %reduce_min3A_2729 = tpu.scan <min>, %select_n3A_2720 masked %reduce_min3A_2728 : vector<16xf32>, vector<16xi1> -> vector<16xf32>
        %reduce_min3A_2730 = vector.extract %reduce_min3A_2729[15] : f32 from vector<16xf32>
        %eq3A_2731 = arith.constant 2 : i32
        %eq3A_2732 = vector.broadcast %eq3A_2731 : i32 to vector<16xi32>
        %eq3A_2733 = arith.cmpi eq, %iota3A, %eq3A_2732 : vector<16xi32>
        %broadcast_in_dim3A_2734 = vector.broadcast %reduce_min3A_2730 : f32 to vector<16xf32>
        %select_n3A_2735 = arith.select %eq3A_2733, %broadcast_in_dim3A_2734, %select_n3A_2717 : vector<16xi1>, vector<16xf32>
        %le3A_2736 = vector.broadcast %reduce_min3A_2730 : f32 to vector<16xf32>
        %le3A_2737 = arith.cmpf ole, %select_n3A_2720, %le3A_2736 : vector<16xf32>
        %select_n3A_2738 = arith.select %le3A_2737, %select_n3A_2721, %select_n3A_2720 : vector<16xi1>, vector<16xf32>
        %select_n3A_2739 = arith.select %le3A_2737, %select_n3A_2722, %select_n3A_2721 : vector<16xi1>, vector<16xf32>
        %select_n3A_2740 = arith.select %le3A_2737, %select_n3A_2723, %select_n3A_2722 : vector<16xi1>, vector<16xf32>
        %select_n3A_2741 = arith.select %le3A_2737, %select_n3A_2726, %select_n3A_2723 : vector<16xi1>, vector<16xf32>
        %jit3A_2742 = arith.constant 0x7F800000 : f32
        %broadcast_in_dim3A_2743 = vector.broadcast %jit3A_2742 : f32 to vector<16xf32>
        %select_n3A_2744 = arith.select %le3A_2737, %broadcast_in_dim3A_2743, %select_n3A_2726 : vector<16xi1>, vector<16xf32>
        %reduce_min3A_2745 = arith.constant true
        %reduce_min3A_2746 = vector.broadcast %reduce_min3A_2745 : i1 to vector<16xi1>
        %reduce_min3A_2747 = tpu.scan <min>, %select_n3A_2738 masked %reduce_min3A_2746 : vector<16xf32>, vector<16xi1> -> vector<16xf32>
        %reduce_min3A_2748 = vector.extract %reduce_min3A_2747[15] : f32 from vector<16xf32>
        %eq3A_2749 = arith.constant 3 : i32
        %eq3A_2750 = vector.broadcast %eq3A_2749 : i32 to vector<16xi32>
        %eq3A_2751 = arith.cmpi eq, %iota3A, %eq3A_2750 : vector<16xi32>
        %broadcast_in_dim3A_2752 = vector.broadcast %reduce_min3A_2748 : f32 to vector<16xf32>
        %select_n3A_2753 = arith.select %eq3A_2751, %broadcast_in_dim3A_2752, %select_n3A_2735 : vector<16xi1>, vector<16xf32>
        %le3A_2754 = vector.broadcast %reduce_min3A_2748 : f32 to vector<16xf32>
        %le3A_2755 = arith.cmpf ole, %select_n3A_2738, %le3A_2754 : vector<16xf32>
        %select_n3A_2756 = arith.select %le3A_2755, %select_n3A_2739, %select_n3A_2738 : vector<16xi1>, vector<16xf32>
        %select_n3A_2757 = arith.select %le3A_2755, %select_n3A_2740, %select_n3A_2739 : vector<16xi1>, vector<16xf32>
        %select_n3A_2758 = arith.select %le3A_2755, %select_n3A_2741, %select_n3A_2740 : vector<16xi1>, vector<16xf32>
        %select_n3A_2759 = arith.select %le3A_2755, %select_n3A_2744, %select_n3A_2741 : vector<16xi1>, vector<16xf32>
        %jit3A_2760 = arith.constant 0x7F800000 : f32
        %broadcast_in_dim3A_2761 = vector.broadcast %jit3A_2760 : f32 to vector<16xf32>
        %select_n3A_2762 = arith.select %le3A_2755, %broadcast_in_dim3A_2761, %select_n3A_2744 : vector<16xi1>, vector<16xf32>
        %reduce_min3A_2763 = arith.constant true
        %reduce_min3A_2764 = vector.broadcast %reduce_min3A_2763 : i1 to vector<16xi1>
        %reduce_min3A_2765 = tpu.scan <min>, %select_n3A_2756 masked %reduce_min3A_2764 : vector<16xf32>, vector<16xi1> -> vector<16xf32>
        %reduce_min3A_2766 = vector.extract %reduce_min3A_2765[15] : f32 from vector<16xf32>
        %eq3A_2767 = arith.constant 4 : i32
        %eq3A_2768 = vector.broadcast %eq3A_2767 : i32 to vector<16xi32>
        %eq3A_2769 = arith.cmpi eq, %iota3A, %eq3A_2768 : vector<16xi32>
        %broadcast_in_dim3A_2770 = vector.broadcast %reduce_min3A_2766 : f32 to vector<16xf32>
        %select_n3A_2771 = arith.select %eq3A_2769, %broadcast_in_dim3A_2770, %select_n3A_2753 : vector<16xi1>, vector<16xf32>
        %swap3A = arith.constant 0 : i32
        %swap3A_2772 = arith.constant 0 : i32
        %swap3A_2773 = arith.constant 0 : i32
        %swap3A_2774 = tpu.memref_slice %run_scoped3A_8[%rem3A_201, %swap3A_2772, %swap3A_2773] : memref<2x1x16xf32, #tpu.memory_space<vmem>> -> memref<1x1x16xf32, #tpu.memory_space<vmem>>
        %swap3A_2775 = tpu.memref_squeeze %swap3A_2774 : memref<1x1x16xf32, #tpu.memory_space<vmem>> -> memref<1x16xf32, #tpu.memory_space<vmem>>
        %swap3A_2776 = arith.index_cast %swap3A : i32 to index
        %swap3A_2777 = arith.constant 0 : index
        %swap3A_2778 = tpu.vector_load %swap3A_2775[%swap3A_2776, %swap3A_2777] {strides = array<i32>} : memref<1x16xf32, #tpu.memory_space<vmem>>, vector<16xf32>,
        tpu.vector_store %swap3A_2775[%swap3A_2776, %swap3A_2777], %select_n3A_2771 {strides = array<i32>} : memref<1x16xf32, #tpu.memory_space<vmem>>, vector<16xf32>,
        "tpu.trace_stop"() : () -> ()
        %ne3A_2779 = arith.cmpi ne, %add3A_131, %add3A_149 : i32
        %or3A_2780 = arith.constant false
        %or3A_2781 = arith.ori %or3A_2780, %ne3A_2779 : i1
        %or3A_2782 = arith.constant false
        %or3A_2783 = arith.ori %or3A_2781, %or3A_2782 : i1
        %or3A_2784 = arith.ori %or3A_2783, %eq3A_130 : i1
        %convert_element_type3A_2785 = arith.extui %or3A_2784 : i1 to i32
        %cond3A_2786 = arith.constant 0 : i32
        %cond3A_2787 = arith.cmpi ne, %convert_element_type3A_2785, %cond3A_2786 : i32
        scf.if %cond3A_2787 {
        } else {
        }
        %and3A_2788 = arith.constant false
        %and3A_2789 = arith.andi %or3A_2784, %and3A_2788 : i1
        %ne3A_2790 = arith.cmpi ne, %add3A_131, %add3A_149 : i32
        %or3A_2791 = arith.constant false
        %or3A_2792 = arith.ori %or3A_2791, %ne3A_2790 : i1
        %or3A_2793 = arith.constant false
        %or3A_2794 = arith.ori %or3A_2792, %or3A_2793 : i1
        %or3A_2795 = arith.ori %or3A_2794, %eq3A_130 : i1
        %convert_element_type3A_2796 = arith.extui %or3A_2795 : i1 to i32
        %cond3A_2797 = arith.constant 0 : i32
        %cond3A_2798 = arith.cmpi ne, %convert_element_type3A_2796, %cond3A_2797 : i32
        scf.if %cond3A_2798 {
          "tpu.trace_start"() <{level = 10 : i32, message = "ep_copy_out"}> : () -> ()
          %rem3A_2850 = arith.constant 2 : i32
          %rem3A_2851 = arith.remui %scan3A_124, %rem3A_2850 : i32
          %mul3A_2852 = arith.constant 1 : i32
          %mul3A_2853 = arith.muli %mul3A_2852, %add3A_131 : i32
          %dma_start3A_2854 = arith.constant 0 : i32
          %dma_start3A_2855 = arith.constant 0 : i32
          %dma_start3A_2856 = tpu.memref_slice %run_scoped3A_8[%rem3A_2851, %dma_start3A_2854, %dma_start3A_2855] : memref<2x1x16xf32, #tpu.memory_space<vmem>> -> memref<1x1x16xf32, #tpu.memory_space<vmem>>
          %dma_start3A_2857 = tpu.memref_squeeze %dma_start3A_2856 : memref<1x1x16xf32, #tpu.memory_space<vmem>> -> memref<1x16xf32, #tpu.memory_space<vmem>>
          %dma_start3A_2858 = arith.constant 0 : i32
          %dma_start3A_2859 = tpu.memref_slice %arg3[%mul3A_2853, %dma_start3A_2858] : memref<2048x16xf32, #tpu.memory_space<hbm>> -> memref<1x16xf32, #tpu.memory_space<hbm>>
          %dma_start3A_2860 = tpu.memref_slice %run_scoped3A_9[%rem3A_2851] : memref<2x!tpu.dma_semaphore, #tpu.memory_space<semaphore_mem>> -> memref<1x!tpu.dma_semaphore, #tpu.memory_space<semaphore_mem>>
          %dma_start3A_2861 = tpu.memref_squeeze %dma_start3A_2860 : memref<1x!tpu.dma_semaphore, #tpu.memory_space<semaphore_mem>> -> memref<!tpu.dma_semaphore, #tpu.memory_space<semaphore_mem>>
          %dma_start3A_2862 = arith.constant 0 : i32
          %dma_start3A_2863 = tpu.memref_slice %arg3[%mul3A_2853, %dma_start3A_2862] : memref<2048x16xf32, #tpu.memory_space<hbm>> -> memref<1x16xf32, #tpu.memory_space<hbm>>
          %dma_start3A_2864 = arith.constant 0 : i32
          %dma_start3A_2865 = arith.constant 0 : i32
          %dma_start3A_2866 = tpu.memref_slice %run_scoped3A_8[%rem3A_2851, %dma_start3A_2864, %dma_start3A_2865] : memref<2x1x16xf32, #tpu.memory_space<vmem>> -> memref<1x1x16xf32, #tpu.memory_space<vmem>>
          %dma_start3A_2867 = tpu.memref_squeeze %dma_start3A_2866 : memref<1x1x16xf32, #tpu.memory_space<vmem>> -> memref<1x16xf32, #tpu.memory_space<vmem>>
          tpu.enqueue_dma source(%dma_start3A_2867 : memref<1x16xf32, #tpu.memory_space<vmem>>) target(%dma_start3A_2863 : memref<1x16xf32, #tpu.memory_space<hbm>>) target_semaphore(%dma_start3A_2861 : memref<!tpu.dma_semaphore, #tpu.memory_space<semaphore_mem>>)
          "tpu.trace_stop"() : () -> ()
        } else {
        }
        %and3A_2799 = arith.constant true
        %and3A_2800 = arith.andi %or3A_2795, %and3A_2799 : i1
        %add3A_2801 = arith.constant 1 : i32
        %add3A_2802 = arith.addi %scan3A_124, %add3A_2801 : i32
        %select_n3A_2803 = arith.select %and3A_2800, %add3A_2802, %scan3A_124 : i32
        %ne3A_2804 = arith.cmpi ne, %add3A_131, %add3A_140 : i32
        %or3A_2805 = arith.constant false
        %or3A_2806 = arith.ori %or3A_2805, %ne3A_2804 : i1
        %or3A_2807 = arith.constant false
        %or3A_2808 = arith.ori %or3A_2806, %or3A_2807 : i1
        %not3A_2809 = arith.constant true
        %not3A_2810 = arith.xori %eq3A_128, %not3A_2809 : i1
        %and3A_2811 = arith.andi %or3A_2808, %not3A_2810 : i1
        %convert_element_type3A_2812 = arith.extui %and3A_2811 : i1 to i32
        %cond3A_2813 = arith.constant 0 : i32
        %cond3A_2814 = arith.cmpi ne, %convert_element_type3A_2812, %cond3A_2813 : i32
        scf.if %cond3A_2814 {
        } else {
        }
        %and3A_2815 = arith.constant false
        %and3A_2816 = arith.andi %and3A_2811, %and3A_2815 : i1
        %ne3A_2817 = arith.cmpi ne, %add3A_131, %add3A_140 : i32
        %or3A_2818 = arith.constant false
        %or3A_2819 = arith.ori %or3A_2818, %ne3A_2817 : i1
        %or3A_2820 = arith.constant false
        %or3A_2821 = arith.ori %or3A_2819, %or3A_2820 : i1
        %not3A_2822 = arith.constant true
        %not3A_2823 = arith.xori %eq3A_128, %not3A_2822 : i1
        %and3A_2824 = arith.andi %or3A_2821, %not3A_2823 : i1
        %convert_element_type3A_2825 = arith.extui %and3A_2824 : i1 to i32
        %cond3A_2826 = arith.constant 0 : i32
        %cond3A_2827 = arith.cmpi ne, %convert_element_type3A_2825, %cond3A_2826 : i32
        scf.if %cond3A_2827 {
          "tpu.trace_start"() <{level = 10 : i32, message = "ep_wait_out"}> : () -> ()
          %rem3A_2850 = arith.constant 2 : i32
          %rem3A_2851 = arith.remui %scan3A_125, %rem3A_2850 : i32
          %mul3A_2852 = arith.constant 1 : i32
          %mul3A_2853 = arith.muli %mul3A_2852, %add3A_140 : i32
          %dma_wait3A_2854 = arith.constant 0 : i32
          %dma_wait3A_2855 = arith.constant 0 : i32
          %dma_wait3A_2856 = tpu.memref_slice %run_scoped3A_8[%rem3A_2851, %dma_wait3A_2854, %dma_wait3A_2855] : memref<2x1x16xf32, #tpu.memory_space<vmem>> -> memref<1x1x16xf32, #tpu.memory_space<vmem>>
          %dma_wait3A_2857 = tpu.memref_squeeze %dma_wait3A_2856 : memref<1x1x16xf32, #tpu.memory_space<vmem>> -> memref<1x16xf32, #tpu.memory_space<vmem>>
          %dma_wait3A_2858 = arith.constant 0 : i32
          %dma_wait3A_2859 = tpu.memref_slice %arg3[%mul3A_2853, %dma_wait3A_2858] : memref<2048x16xf32, #tpu.memory_space<hbm>> -> memref<1x16xf32, #tpu.memory_space<hbm>>
          %dma_wait3A_2860 = tpu.memref_slice %run_scoped3A_9[%rem3A_2851] : memref<2x!tpu.dma_semaphore, #tpu.memory_space<semaphore_mem>> -> memref<1x!tpu.dma_semaphore, #tpu.memory_space<semaphore_mem>>
          %dma_wait3A_2861 = tpu.memref_squeeze %dma_wait3A_2860 : memref<1x!tpu.dma_semaphore, #tpu.memory_space<semaphore_mem>> -> memref<!tpu.dma_semaphore, #tpu.memory_space<semaphore_mem>>
          %dma_wait3A_2862 = arith.constant 0 : i32
          %dma_wait3A_2863 = tpu.memref_slice %arg3[%mul3A_2853, %dma_wait3A_2862] : memref<2048x16xf32, #tpu.memory_space<hbm>> -> memref<1x16xf32, #tpu.memory_space<hbm>>
          %dma_wait3A_2864 = arith.constant 0 : i32
          %dma_wait3A_2865 = arith.constant 0 : i32
          %dma_wait3A_2866 = tpu.memref_slice %run_scoped3A_8[%rem3A_2851, %dma_wait3A_2864, %dma_wait3A_2865] : memref<2x1x16xf32, #tpu.memory_space<vmem>> -> memref<1x1x16xf32, #tpu.memory_space<vmem>>
          %dma_wait3A_2867 = tpu.memref_squeeze %dma_wait3A_2866 : memref<1x1x16xf32, #tpu.memory_space<vmem>> -> memref<1x16xf32, #tpu.memory_space<vmem>>
          tpu.wait_dma2 semaphore(%dma_wait3A_2861 : memref<!tpu.dma_semaphore, #tpu.memory_space<semaphore_mem>>) src(%dma_wait3A_2867 : memref<1x16xf32, #tpu.memory_space<vmem>>) dst(%dma_wait3A_2863 : memref<1x16xf32, #tpu.memory_space<hbm>>)
          "tpu.trace_stop"() : () -> ()
        } else {
        }
        %and3A_2828 = arith.constant true
        %and3A_2829 = arith.andi %and3A_2824, %and3A_2828 : i1
        %add3A_2830 = arith.constant 1 : i32
        %add3A_2831 = arith.addi %scan3A_125, %add3A_2830 : i32
        %select_n3A_2832 = arith.select %and3A_2829, %add3A_2831, %scan3A_125 : i32
        %ne3A_2833 = arith.cmpi ne, %add3A_131, %add3A_149 : i32
        %or3A_2834 = arith.constant false
        %or3A_2835 = arith.ori %or3A_2834, %ne3A_2833 : i1
        %or3A_2836 = arith.constant false
        %or3A_2837 = arith.ori %or3A_2835, %or3A_2836 : i1
        %or3A_2838 = arith.ori %or3A_2837, %eq3A_130 : i1
        %add3A_2839 = arith.constant 1 : i32
        %add3A_2840 = arith.addi %scan3A_123, %add3A_2839 : i32
        %select_n3A_2841 = arith.select %or3A_2838, %add3A_2840, %scan3A_123 : i32
        %add3A_2842 = arith.constant 1 : i32
        %add3A_2843 = arith.addi %scan3A_126, %add3A_2842 : i32
        %select_n3A_2844 = arith.constant true
        %select_n3A_2845 = arith.select %select_n3A_2844, %add3A_2843, %scan3A_126 : i32
        %eq3A_2846 = arith.constant 64 : i32
        %eq3A_2847 = arith.cmpi eq, %select_n3A_2845, %eq3A_2846 : i32
        %select_n3A_2848 = arith.constant 0 : i32
        %select_n3A_2849 = arith.select %eq3A_2847, %select_n3A_2848, %select_n3A_2845 : i32
        scf.yield %select_n3A_169, %select_n3A_2841, %select_n3A_2803, %select_n3A_2832, %select_n3A_2849 : i32, i32, i32, i32, i32
      }
      %scan3A_68 = arith.constant 64 : i32
      %sub3A = arith.constant 1 : i32
      %sub3A_69 = arith.subi %scan3A_67#4, %sub3A : i32
      %select_n3A_70 = arith.constant true
      %select_n3A_71 = arith.select %select_n3A_70, %sub3A_69, %scan3A_67#4 : i32
      %eq3A_72 = arith.constant -1 : i32
      %eq3A_73 = arith.cmpi eq, %select_n3A_71, %eq3A_72 : i32
      %select_n3A_74 = arith.constant 63 : i32
      %select_n3A_75 = arith.select %eq3A_73, %select_n3A_74, %select_n3A_71 : i32
      %add3A_76 = arith.addi %select_n3A_75, %mul3A_6 : i32
      %sub3A_77 = arith.constant 1 : i32
      %sub3A_78 = arith.subi %select_n3A_75, %sub3A_77 : i32
      %select_n3A_79 = arith.constant true
      %select_n3A_80 = arith.select %select_n3A_79, %sub3A_78, %select_n3A_75 : i32
      %eq3A_81 = arith.constant -1 : i32
      %eq3A_82 = arith.cmpi eq, %select_n3A_80, %eq3A_81 : i32
      %select_n3A_83 = arith.constant 63 : i32
      %select_n3A_84 = arith.select %eq3A_82, %select_n3A_83, %select_n3A_80 : i32
      %add3A_85 = arith.addi %select_n3A_84, %mul3A_6 : i32
      %add3A_86 = arith.constant 1 : i32
      %add3A_87 = arith.addi %select_n3A_75, %add3A_86 : i32
      %select_n3A_88 = arith.constant true
      %select_n3A_89 = arith.select %select_n3A_88, %add3A_87, %select_n3A_75 : i32
      %eq3A_90 = arith.constant 64 : i32
      %eq3A_91 = arith.cmpi eq, %select_n3A_89, %eq3A_90 : i32
      %select_n3A_92 = arith.constant 0 : i32
      %select_n3A_93 = arith.select %eq3A_91, %select_n3A_92, %select_n3A_89 : i32
      %add3A_94 = arith.addi %select_n3A_93, %mul3A_6 : i32
      %add3A_95 = arith.constant 1 : i32
      %add3A_96 = arith.addi %select_n3A_93, %add3A_95 : i32
      %select_n3A_97 = arith.constant true
      %select_n3A_98 = arith.select %select_n3A_97, %add3A_96, %select_n3A_93 : i32
      %eq3A_99 = arith.constant 64 : i32
      %eq3A_100 = arith.cmpi eq, %select_n3A_98, %eq3A_99 : i32
      %select_n3A_101 = arith.constant 0 : i32
      %select_n3A_102 = arith.select %eq3A_100, %select_n3A_101, %select_n3A_98 : i32
      %add3A_103 = arith.addi %select_n3A_102, %mul3A_6 : i32
      "tpu.trace_start"() <{level = 10 : i32, message = "ep_finalize"}> : () -> ()
      %rem3A_104 = arith.constant 2 : i32
      %rem3A_105 = arith.remui %scan3A_67#3, %rem3A_104 : i32
      %mul3A_106 = arith.constant 1 : i32
      %mul3A_107 = arith.muli %mul3A_106, %add3A_76 : i32
      %dma_wait3A = arith.constant 0 : i32
      %dma_wait3A_108 = arith.constant 0 : i32
      %dma_wait3A_109 = tpu.memref_slice %run_scoped3A_8[%rem3A_105, %dma_wait3A, %dma_wait3A_108] : memref<2x1x16xf32, #tpu.memory_space<vmem>> -> memref<1x1x16xf32, #tpu.memory_space<vmem>>
      %dma_wait3A_110 = tpu.memref_squeeze %dma_wait3A_109 : memref<1x1x16xf32, #tpu.memory_space<vmem>> -> memref<1x16xf32, #tpu.memory_space<vmem>>
      %dma_wait3A_111 = arith.constant 0 : i32
      %dma_wait3A_112 = tpu.memref_slice %arg3[%mul3A_107, %dma_wait3A_111] : memref<2048x16xf32, #tpu.memory_space<hbm>> -> memref<1x16xf32, #tpu.memory_space<hbm>>
      %dma_wait3A_113 = tpu.memref_slice %run_scoped3A_9[%rem3A_105] : memref<2x!tpu.dma_semaphore, #tpu.memory_space<semaphore_mem>> -> memref<1x!tpu.dma_semaphore, #tpu.memory_space<semaphore_mem>>
      %dma_wait3A_114 = tpu.memref_squeeze %dma_wait3A_113 : memref<1x!tpu.dma_semaphore, #tpu.memory_space<semaphore_mem>> -> memref<!tpu.dma_semaphore, #tpu.memory_space<semaphore_mem>>
      %dma_wait3A_115 = arith.constant 0 : i32
      %dma_wait3A_116 = tpu.memref_slice %arg3[%mul3A_107, %dma_wait3A_115] : memref<2048x16xf32, #tpu.memory_space<hbm>> -> memref<1x16xf32, #tpu.memory_space<hbm>>
      %dma_wait3A_117 = arith.constant 0 : i32
      %dma_wait3A_118 = arith.constant 0 : i32
      %dma_wait3A_119 = tpu.memref_slice %run_scoped3A_8[%rem3A_105, %dma_wait3A_117, %dma_wait3A_118] : memref<2x1x16xf32, #tpu.memory_space<vmem>> -> memref<1x1x16xf32, #tpu.memory_space<vmem>>
      %dma_wait3A_120 = tpu.memref_squeeze %dma_wait3A_119 : memref<1x1x16xf32, #tpu.memory_space<vmem>> -> memref<1x16xf32, #tpu.memory_space<vmem>>
      tpu.wait_dma2 semaphore(%dma_wait3A_114 : memref<!tpu.dma_semaphore, #tpu.memory_space<semaphore_mem>>) src(%dma_wait3A_120 : memref<1x16xf32, #tpu.memory_space<vmem>>) dst(%dma_wait3A_116 : memref<1x16xf32, #tpu.memory_space<hbm>>)
      "tpu.trace_stop"() : () -> ()
      tpu.yield
    }) : () -> ()
    return
  }
}

module attributes {stable_mosaic.version = 14 : i64} {
  func.func @_d2_body(%arg0: i32, %arg1: memref<256x768xf32, #tpu.memory_space<vmem>>, %arg2: memref<768x2048xf32, #tpu.memory_space<vmem>>, %arg3: memref<256x2048xf32, #tpu.memory_space<vmem>>) attributes {dimension_semantics = [#tpu.dimension_semantics<arbitrary>], iteration_bounds = array<i64: 8>, scalar_prefetch = 0 : i64, scratch_operands = 0 : i64, tpu.core_type = #tpu.core_type<tc>, window_params = [{transform_indices = @transform_0, window_bounds = array<i64: 256, 768>}, {pipeline_mode = #tpu.pipeline_mode<synchronous>, transform_indices = @transform_1, window_bounds = array<i64: 768, 2048>}, {transform_indices = @transform_2, window_bounds = array<i64: 256, 2048>}]} {
    %get3A = arith.constant 0 : index
    %get3A_0 = arith.constant 0 : index
    %get3A_1 = vector.load %arg1[%get3A, %get3A_0] : memref<256x768xf32, #tpu.memory_space<vmem>>, vector<256x768xf32>
    %get3A_2 = arith.constant 0 : index
    %get3A_3 = arith.constant 0 : index
    %get3A_4 = vector.load %arg2[%get3A_2, %get3A_3] : memref<768x2048xf32, #tpu.memory_space<vmem>>, vector<768x2048xf32>
    %dot_general3A = arith.constant dense<0.000000e+00> : vector<256x2048xf32>
    %dot_general3A_5 = tpu.matmul %get3A_1, %get3A_4, %dot_general3A {dimension_numbers = #tpu.dot_dimension_numbers<[1], [0], [0], [1], [0, 0, 1, 1], [], []>, transpose_lhs_hint = false} : vector<256x768xf32>, vector<768x2048xf32>, vector<256x2048xf32> -> vector<256x2048xf32>
    %mul3A = arith.mulf %get3A_1, %get3A_1 : vector<256x768xf32>
    %reduce_sum3A = arith.constant dense<0.000000e+00> : vector<256xf32>
    %reduce_sum3A_6 = vector.multi_reduction <add>, %mul3A, %reduce_sum3A [1] : vector<256x768xf32> to vector<256xf32>
    %broadcast_in_dim3A = vector.shape_cast %reduce_sum3A_6 : vector<256xf32> to vector<256x1xf32>
    %mul3A_7 = arith.mulf %get3A_4, %get3A_4 : vector<768x2048xf32>
    %reduce_sum3A_8 = arith.constant dense<0.000000e+00> : vector<2048xf32>
    %reduce_sum3A_9 = vector.multi_reduction <add>, %mul3A_7, %reduce_sum3A_8 [0] : vector<768x2048xf32> to vector<2048xf32>
    %broadcast_in_dim3A_10 = vector.shape_cast %reduce_sum3A_9 : vector<2048xf32> to vector<1x2048xf32>
    %add3A = vector.broadcast %broadcast_in_dim3A : vector<256x1xf32> to vector<256x2048xf32>
    %add3A_11 = vector.broadcast %broadcast_in_dim3A_10 : vector<1x2048xf32> to vector<256x2048xf32>
    %add3A_12 = arith.addf %add3A, %add3A_11 : vector<256x2048xf32>
    %mul3A_13 = arith.constant 2.000000e+00 : f32
    %mul3A_14 = vector.broadcast %mul3A_13 : f32 to vector<256x2048xf32>
    %mul3A_15 = arith.mulf %mul3A_14, %dot_general3A_5 : vector<256x2048xf32>
    %sub3A = arith.subf %add3A_12, %mul3A_15 : vector<256x2048xf32>
    %swap3A = arith.constant 0 : index
    %swap3A_16 = arith.constant 0 : index
    %swap3A_17 = vector.load %arg3[%swap3A, %swap3A_16] : memref<256x2048xf32, #tpu.memory_space<vmem>>, vector<256x2048xf32>
    tpu.vector_store %arg3[%swap3A, %swap3A_16], %sub3A {strides = array<i32>} : memref<256x2048xf32, #tpu.memory_space<vmem>>, vector<256x2048xf32>,
    return
  }
  func.func @transform_0(%arg0: i32) -> (i32, i32) {
    %c0_i32 = arith.constant 0 : i32
    %c0_i32_0 = arith.constant 0 : i32
    return %arg0, %c0_i32 : i32, i32
  }
  func.func @transform_1(%arg0: i32) -> (i32, i32) {
    %c0_i32 = arith.constant 0 : i32
    %c0_i32_0 = arith.constant 0 : i32
    %c0_i32_1 = arith.constant 0 : i32
    return %c0_i32, %c0_i32_0 : i32, i32
  }
  func.func @transform_2(%arg0: i32) -> (i32, i32) {
    %c0_i32 = arith.constant 0 : i32
    %c0_i32_0 = arith.constant 0 : i32
    return %arg0, %c0_i32 : i32, i32
  }
}

module attributes {stable_mosaic.version = 14 : i64} {
  func.func @_fin_body(%arg0: memref<2048x16xf32, #tpu.memory_space<vmem>>, %arg1: memref<1x1xf32, #tpu.memory_space<smem>>) attributes {dimension_semantics = [], scalar_prefetch = 0 : i64, scratch_operands = 0 : i64, tpu.core_type = #tpu.core_type<tc>} {
    %get3A = arith.constant 0 : index
    %get3A_0 = arith.constant 0 : index
    %get3A_1 = vector.load %arg0[%get3A, %get3A_0] : memref<2048x16xf32, #tpu.memory_space<vmem>>, vector<2048x16xf32>
    %iota3A = tpu.iota {dimensions = array<i32: 1>} : vector<2048x16xi32>
    %max3A = arith.constant 0.000000e+00 : f32
    %max3A_2 = vector.broadcast %max3A : f32 to vector<2048x16xf32>
    %max3A_3 = arith.maximumf %get3A_1, %max3A_2 : vector<2048x16xf32>
    %add3A = arith.constant 9.99999996E-13 : f32
    %add3A_4 = vector.broadcast %add3A : f32 to vector<2048x16xf32>
    %add3A_5 = arith.addf %max3A_3, %add3A_4 : vector<2048x16xf32>
    %sqrt3A = math.sqrt %add3A_5 : vector<2048x16xf32>
    %lt3A = arith.constant 5 : i32
    %lt3A_6 = vector.broadcast %lt3A : i32 to vector<2048x16xi32>
    %lt3A_7 = arith.cmpi slt, %iota3A, %lt3A_6 : vector<2048x16xi32>
    %jit3A = arith.constant 0.000000e+00 : f32
    %broadcast_in_dim3A = vector.broadcast %jit3A : f32 to vector<2048x16xf32>
    %select_n3A = arith.select %lt3A_7, %sqrt3A, %broadcast_in_dim3A : vector<2048x16xi1>, vector<2048x16xf32>
    %reduce_sum3A = vector.shape_cast %select_n3A : vector<2048x16xf32> to vector<1x2048x16xf32>
    %reduce_sum3A_8 = arith.constant dense<0.000000e+00> : vector<1xf32>
    %reduce_sum3A_9 = vector.multi_reduction <add>, %reduce_sum3A, %reduce_sum3A_8 [1, 2] : vector<1x2048x16xf32> to vector<1xf32>
    %reduce_sum3A_10 = vector.shape_cast %reduce_sum3A_9 : vector<1xf32> to vector<1x1x1xf32>
    %reduce_sum3A_11 = vector.extract %reduce_sum3A_10[0, 0, 0] : f32 from vector<1x1x1xf32>
    %mul3A = arith.mulf %select_n3A, %select_n3A : vector<2048x16xf32>
    %reduce_sum3A_12 = vector.shape_cast %mul3A : vector<2048x16xf32> to vector<1x2048x16xf32>
    %reduce_sum3A_13 = arith.constant dense<0.000000e+00> : vector<1xf32>
    %reduce_sum3A_14 = vector.multi_reduction <add>, %reduce_sum3A_12, %reduce_sum3A_13 [1, 2] : vector<1x2048x16xf32> to vector<1xf32>
    %reduce_sum3A_15 = vector.shape_cast %reduce_sum3A_14 : vector<1xf32> to vector<1x1x1xf32>
    %reduce_sum3A_16 = vector.extract %reduce_sum3A_15[0, 0, 0] : f32 from vector<1x1x1xf32>
    %mul3A_17 = arith.mulf %reduce_sum3A_11, %reduce_sum3A_11 : f32
    %div3A = arith.constant 1.024000e+04 : f32
    %div3A_18 = arith.divf %mul3A_17, %div3A : f32
    %sub3A = arith.subf %reduce_sum3A_16, %div3A_18 : f32
    %sub3A_19 = arith.constant 1.024000e+04 : f32
    %sub3A_20 = arith.constant 1.000000e+00 : f32
    %sub3A_21 = arith.subf %sub3A_19, %sub3A_20 : f32
    %div3A_22 = arith.divf %sub3A, %sub3A_21 : f32
    %max3A_23 = arith.constant 0.000000e+00 : f32
    %max3A_24 = arith.maximumf %div3A_22, %max3A_23 : f32
    %sqrt3A_25 = math.sqrt %max3A_24 : f32
    %neg3A = arith.constant 0.000000e+00 : f32
    %neg3A_26 = arith.subf %neg3A, %sqrt3A_25 : f32
    %swap3A = arith.constant 0 : index
    %swap3A_27 = arith.constant 0 : index
    %swap3A_28 = memref.load %arg1[%swap3A, %swap3A_27] : memref<1x1xf32, #tpu.memory_space<smem>>
    memref.store %neg3A_26, %arg1[%swap3A, %swap3A_27] : memref<1x1xf32, #tpu.memory_space<smem>>
    return
  }
}

</mosaic_0001>

<sc_bundles>
// kernel: kernel.5.cloned.1.call-start
scs
__scs_entry_jumppad:
0x0: {  	(pc) =	sbr.rel $0x88, $3  }
0x1: {  	(tag) =	ssettag $0x0;
	lr =	simm.s32 $0x1  }
0x2: {  	[smem:$0x3FA0] =	sst lr;
	_ =	strace $0xD0000000  }
0x3: {  	_ = 	snop  }
0x4: {  	_ = 	snop  }
0x5: {  	_ = 	snop  }
0x6: {  	_ = 	snop  }
0x7: {  	_ = 	snop  }
__scs_overlays_trampoline_lowered:
0x8: {  	[smem:$0x3FAF] =	sst s0  }
0x9: {  	[smem:$0x3FB0] =	sst s1  }
0xa: {  	[smem:$0x3FB1] =	sst s2  }
0xb: {  	[smem:$0x3FB2] =	sst s3  }
0xc: {  	[smem:$0x3FB3] =	sst s4  }
0xd: {  	[smem:$0x3FB4] =	sst s5  }
0xe: {  	[smem:$0x3FB5] =	sst s6  }
0xf: {  	[smem:$0x3FB6] =	sst s7  }
0x10: {  	[smem:$0x3FB7] =	sst s8  }
0x11: {  	[smem:$0x3FB8] =	sst s9;
	s0 =	simm.s32 @!p0 $0x0  }
0x12: {  	s1 =	sld [smem:$0x3F9E];
	s0 =	simm.s32 @p0 $0x1  }
0x13: {  	[smem:$0x3FB9] =	sst s0;
	s0 =	simm.s32 @!p1 $0x0  }
0x14: {  	s2 =	sld [smem:$0x3F9D];
	s0 =	simm.s32 @p1 $0x1  }
0x15: {  	[smem:$0x3FBA] =	sst s0;
	s0 =	simm.s32 @!p2 $0x0  }
0x16: {  	s3 =	sld [smem:$0x3FDB];
	s0 =	simm.s32 @p2 $0x1  }
0x17: {  	s4 =	simm.s32 $0x1BF5;
	[smem:$0x3FBC] =	sst s0  }
0x18: {  	s0 =	sld [smem:$0x3F9F];
	_ =	swait.ge [sflag:s4], $0x0  }
0x19: {  	s7 =	sld [smem:$0x3FA0]  }
0x1a: {  	s8 =	sadd.s32 $0xFFFFE003, lr  }
0x1b: {  	s9 =	sadd.s32 $0xFFFFFEF7, lr;
	s5 =	simm.s32 $0xFFFFFFFF;
	p2 =	slt.u32 s8, $0xFFFFF086  }
0x1c: {  	p1 =	slt.u32 s9, $0xF7A;
	s5 =	simm.s32 @!p2 $0x0  }
0x1d: {  	s5 =	simm.s32 @p1 $0x1;
	p0 =	seq.s32 s7, s2  }
0x1e: {  	s7 =	smul.u32 @!p0 $0xF7A, s2;
	p2 =	seq.s32 @!p0 s5, $0x0  }
0x1f: {  	s9 =	smul.u32 $0xF7A, s1;
	s8 =	simm.s32 @!p0 $0x1BF5;
	p2 =	por !p2, p0  }
0x20: {  	[sflag:s8] =	ssyncset.s32 @!p0 $0xFFFFF086;
	s6 =	sadd.s32 @!p0 s3, s7;
	s7 =	simm.s32 @!p0 $0x108  }
0x21: {  	s3 =	sadd.s32 s3, s9;
	s6 =	sadd.s32 @!p0 $0x88, s6;
	s7 =	simm.s32 @p2 $0x1082  }
0x22: {  	[simem:s7], [sflag:s8] =	dma.local @!p0 [hbm:s6], $0xF7A  }
0x23: {  	s9 =	sor.u32 $0xD0000000, s2;
	s6 =	simm.s32 $0x108;
	_ =	swait.ge @!p0 [sflag:s8], $0x0  }
0x24: {  	s3 =	sadd.s32 $0x88, s3;
	s6 =	simm.s32 @!p1 $0x1082;
	[sflag:s4] =	ssyncset.s32 $0xFFFFF086  }
0x25: {  	[simem:s6], [sflag:s4] =	dma.local [hbm:s3], $0xF7A  }
0x26: {  	[smem:$0x3FA0] =	sst s1;
	(tag) =	ssettag s2;
	_ =	strace s9  }
0x27: {  	s1 =	sld [smem:$0x3FB0]  }
0x28: {  	s2 =	sld [smem:$0x3FB1]  }
0x29: {  	s4 =	sld [smem:$0x3FB3]  }
0x2a: {  	p0 =	seq.s32 s5, $0x0;
	s5 =	sld [smem:$0x3FB4]  }
0x2b: {  	s6 =	sld [smem:$0x3FB5]  }
0x2c: {  	s7 =	sld [smem:$0x3FB6]  }
0x2d: {  	s3 =	simm.s32 $0x108;
	s8 =	sld [smem:$0x3FB7]  }
0x2e: {  	s3 =	simm.s32 @!p0 $0x1082;
	s9 =	sld [smem:$0x3FB8]  }
0x2f: {  	lr =	sadd.s32 s0, s3;
	s0 =	sld [smem:$0x3FAF]  }
0x30: {  	s3 =	sld [smem:$0x3FB2]  }
0x31: {  	[smem:$0x3FBB] =	sst s10  }
0x32: {  	s10 =	sld [smem:$0x3FB9];
	_ =	sdelay $0x3  }
0x33: {  	p0 =	seq.s32 s10, $0x1;
	s10 =	sld [smem:$0x3FBB];
	_ =	sdelay $0x3  }
0x34: {  	[smem:$0x3FBB] =	sst s10  }
0x35: {  	s10 =	sld [smem:$0x3FBA];
	_ =	sdelay $0x3  }
0x36: {  	p1 =	seq.s32 s10, $0x1;
	s10 =	sld [smem:$0x3FBB];
	_ =	sdelay $0x3  }
0x37: {  	[smem:$0x3FBB] =	sst s10  }
0x38: {  	s10 =	sld [smem:$0x3FBC]  }
0x39: {  	_ = 	snop;
	(pc) =	sbr.ind lr, $3  }
0x3a: {  	_ = 	snop  }
0x3b: {  	_ = 	snop  }
0x3c: {  	p2 =	seq.s32 s10, $0x1;
	s10 =	sld [smem:$0x3FBB]  }
0x3d: {  	_ =	shalt  }
0x3e: {  	_ =	shalt  }
0x3f: {  	_ =	shalt  }
0x40: {  	_ =	shalt  }
0x41: {  	_ =	shalt  }
0x42: {  	_ =	shalt  }
0x43: {  	_ =	shalt  }
0x44: {  	_ =	shalt  }
0x45: {  	_ =	shalt  }
0x46: {  	_ =	shalt  }
0x47: {  	_ =	shalt  }
0x48: {  	_ =	shalt  }
0x49: {  	_ =	shalt  }
0x4a: {  	_ =	shalt  }
0x4b: {  	_ =	shalt  }
0x4c: {  	_ =	shalt  }
0x4d: {  	_ =	shalt  }
0x4e: {  	_ =	shalt  }
0x4f: {  	_ =	shalt  }
0x50: {  	_ =	shalt  }
0x51: {  	_ =	shalt  }
0x52: {  	_ =	shalt  }
0x53: {  	_ =	shalt  }
0x54: {  	_ =	shalt  }
0x55: {  	_ =	shalt  }
0x56: {  	_ =	shalt  }
0x57: {  	_ =	shalt  }
0x58: {  	_ =	shalt  }
0x59: {  	_ =	shalt  }
0x5a: {  	_ =	shalt  }
0x5b: {  	_ =	shalt  }
0x5c: {  	_ =	shalt  }
0x5d: {  	_ =	shalt  }
0x5e: {  	_ =	shalt  }
0x5f: {  	_ =	shalt  }
0x60: {  	_ =	shalt  }
0x61: {  	_ =	shalt  }
0x62: {  	_ =	shalt  }
0x63: {  	_ =	shalt  }
0x64: {  	_ =	shalt  }
0x65: {  	_ =	shalt  }
0x66: {  	_ =	shalt  }
0x67: {  	_ =	shalt  }
0x68: {  	_ =	shalt  }
0x69: {  	_ =	shalt  }
0x6a: {  	_ =	shalt  }
0x6b: {  	_ =	shalt  }
0x6c: {  	_ =	shalt  }
0x6d: {  	_ =	shalt  }
0x6e: {  	_ =	shalt  }
0x6f: {  	_ =	shalt  }
0x70: {  	_ =	shalt  }
0x71: {  	_ =	shalt  }
0x72: {  	_ =	shalt  }
0x73: {  	_ =	shalt  }
0x74: {  	_ =	shalt  }
0x75: {  	_ =	shalt  }
0x76: {  	_ =	shalt  }
0x77: {  	_ =	shalt  }
0x78: {  	_ =	shalt  }
0x79: {  	_ =	shalt  }
0x7a: {  	_ =	shalt  }
0x7b: {  	_ =	shalt  }
0x7c: {  	_ =	shalt  }
0x7d: {  	_ =	shalt  }
0x7e: {  	_ =	shalt  }
0x7f: {  	_ =	shalt  }
0x80: {  	_ =	shalt  }
0x81: {  	_ =	shalt  }
0x82: {  	_ =	shalt  }
0x83: {  	_ =	shalt  }
0x84: {  	_ =	shalt  }
0x85: {  	_ =	shalt  }
0x86: {  	_ =	shalt  }
0x87: {  	_ =	shalt  }
.Lfunc_end0:
.L_simem_size_0:
called_computation_lowered:
.L_overlay_start_0:
0x88: {  	s2 =	sld [smem:$0x3FD9]  }
0x89: {  	s3 =	sld [smem:$0x3FFE];
	_ =	sdelay $0x1  }
0x8a: {  	s1 =	srdreg.scid  }
0x8b: {  	s0 =	sand.u32 $0x1, s1  }
0x8c: {  	s16 =	sshll.u32 s0, $0xA;
	s2 =	sadd.s32 s3, s2  }
0x8d: {  	s2 =	sadd.s32 s2, s16  }
0x8e: {  	[smem:$0x3FC7] =	sst s2  }
0x8f: {  	_ = 	snop  }
0x90: {  	(tm) =	ssettm $0x1  }
0x91: {  	s17 =	sld [smem:$0x3FFB];
	_ =	sdelay $0x3  }
0x92: {  	_ =	strace s17  }
0x93: {  	s2 =	sld [smem:$0x3FFC];
	_ =	sdelay $0x3  }
0x94: {  	_ =	strace s2  }
0x95: {  	s2 =	sld [smem:$0x3FFD];
	_ =	sdelay $0x3  }
0x96: {  	_ =	strace s2  }
0x97: {  	_ =	strace $0x8FFFFFFF  }
0x98: {  	s18 =	sld [smem:$0x3FDB];
	_ =	sdelay $0x1  }
0x99: {  	s19 =	simm.s32 $_scs_section_size  }
0x9a: {  	s4 =	simm.s32 $_size__tile_overlayer_lowered;
	s5 =	simm.s32 $_tile_overlayer_lowered  }
0x9b: {  	s22 =	simm.s32 $0x1BFF;
	s21 =	sshll.u32 s5, $0x1;
	s2 =	sadd.s32 s19, s18  }
0x9c: {  	s6 =	simm.s32 $0x0;
	s20 =	sshll.u32 s4, $0x1;
	s4 =	sadd.s32 s21, s2  }
0x9d: {  	[timem:s6], [sflag:s22] =	dma.local [hbm:s4], s20  }
0x9e: {  	_ =	swait.ge [sflag:s22], s20  }
0x9f: {  	s3 =	ssub.s32 $0x0, s20;
	[sflag:s22] =	ssyncset.done $0x0  }
0xa0: {  	[sflag:s22] =	ssyncadd.s32 s3;
	_ =	sdelay $0x1  }
0xa1: {  	s23 =	simm.s32 $0x1B8B  }
0xa2: {  	_ =	swait.ge [sflag:s23], $0x1  }
0xa3: {  	[sflag:s23] =	ssyncset.done $0x0  }
0xa4: {  	s25 =	simm.s32 $0x1B8E;
	s24 =	sld [smem:$0x3FFE];
	[sflag:s23] =	ssyncadd.s32 $0xFFFFFFFF  }
0xa5: {  	s26 =	simm.s32 $execute0_lowered;
	[smem:$0x3FD2] =	sst s25  }
0xa6: {  	s4 =	sshll.u32 s26, $0x1;
	_ =	strace $0x80000046;
	[dreg:$0x1] =	wrdreg $0xFFFFFFFF  }
0xa7: {  	s28 =	simm.s32 $_size_execute0_lowered;
	s2 =	sadd.s32 s2, s4;
	[dreg:$0x0] =	wrdreg $0x0  }
0xa8: {  	s4 =	sshll.u32 s28, $0x1;
	[dreg:$0x2] =	wrdreg s2  }
0xa9: {  	[dreg:$0x3] =	wrdreg s4  }
0xaa: {  	[dreg:$0x4] =	wrdreg $0xC0  }
0xab: {  	_ =	task [dreg:s6], $0x5FFFF  }
0xac: {  	[dreg:$0x1] =	wrdreg $0xFFFFFFFF  }
0xad: {  	[dreg:$0x0] =	wrdreg $0x60  }
0xae: {  	[dreg:$0x2] =	wrdreg s24  }
0xaf: {  	[dreg:$0x3] =	wrdreg $0x9  }
0xb0: {  	_ =	task.clear_ibuf [dreg:s6], $0x4FFFF;
	_ =	strace $0x90000046  }
0xb1: {  	s29 =	simm.s32 $0x9;
	_ =	strace $0x8000004F  }
0xb2: {  	_ =	swait.ge [sflag:s29], $0x1  }
0xb3: {  	[sflag:s29] =	ssyncadd.s32 $0xFFFFFFFF  }
0xb4: {  	_ =	strace $0x9000004F  }
0xb5: {  	_ =	sfence  }
0xb6: {  	s30 =	sld [smem:$0x0];
	_ =	sdelay $0x2  }
0xb7: {  	s31 =	sshll.u32 s1, $0xD;
	s1 =	sshrl.u32 s1, $0x2  }
0xb8: {  	s3 =	sand.u32 $0x4000, s31;
	s1 =	sadd.s32 s1, s30  }
0xb9: {  	s0 =	sor.u32 s3, s0;
	s1 =	sshll.u32 s1, $0x11  }
0xba: {  	s0 =	sor.u32 s1, s0  }
0xbb: {  	s0 =	sadd.s32 $0x8F2B, s0  }
0xbc: {  	[sflag:s0] =	ssyncadd.remote.s32 $0x1  }
0xbd: {  	_ =	sfence.sel $0xFFFF  }
0xbe: {  	[dreg:$0x0] =	wrdreg $0xFFFFFFFF;
	(pc) =	sbr.abs _section_cstart, $3  }
0xbf: {  	[dreg:$0x1] =	wrdreg $0xFFFFFFFF  }
0xc0: {  	_ =	task.clear_ibuf [dreg:s6], $0x2FFFF;
	_ =	strace $0x9FFFFFFF  }
0xc1: {  	(tm) =	ssettm $0x7FFFFFFF  }
tec
execute0_lowered:
.L_overlay_start_1:
0x0: {  	(tag) =	ssettag $0x1  }
0x1: {  	s4 =	rddreg [dreg:$0x0]  }
0x2: {  	s0 =	rddreg [dreg:$0x1];
	s1 =	simm.s32 $0x0  }
0x3: {  	s5 =	srdreg.scid;
	s2 =	stileid.u32;
	s10 =	simm.s32 $0x0  }
0x4: {  	[smem:$0x7FF] =	sst s1;
	s3 =	sadd.s32 $0x800, s4;
	s5 =	sand.u32 $0x1, s5  }
0x5: {  	s7 =	sshll.u32 s2, $0x6;
	s8 =	sadd.s32 $0x80800, s4;
	_ =	strace $0x80000047  }
0x6: {  	s6 =	ssub.s32 $0x2, s5;
	s5 =	sshll.u32 s5, $0xA;
	[dreg:$0x2] =	wrdreg s8  }
0x7: {  	s8 =	simm.s32 $0x400;
	s9 =	sshrl.u32 s6, $0x1;
	s4 =	sor.u32 s7, s5  }
0x8: {  	vm0 =	vmmov $0x1;
	vm1 =	vcmask $0x314;
	s7 =	simm.s32 $0x80;
	s6 =	ssub.s32 s6, s9;
	s5 =	sshll.u32 s4, $0x8  }
0x9: {  	vm2 =	vcmask $0x714;
	vm3 =	vcmask $0xB14;
	vm4 =	vcmask $0xF14;
	s9 =	simm.s32 $0x4;
	s5 =	sadd.s32 s3, s5;
	s6 =	smax.u32 s6, $0x1  }
.LBB2_1:
0xa: {  	_ =	strace $0x80000048;
	s11 =	simm.s32 $0x40  }
0xb: {  	s12 =	simm.s32 $0x0;
	s13 =	simm.s32 $0x0;
	s14 =	simm.s32 $0x0  }
0xc: {  	[tilespmem:s1], [sflag:$0x1] =	stream.strided.gather [hbm4b:s5+s7], $0x800, s8, s7, $0x200038;
	[tilespmem:$0x1100] =	vst v63  }
0xd: {  	s15 =	simm.s32 $0x0;
	s16 =	simm.s32 $0x1;
	_ =	strace $0x90000048  }
.LBB2_2:
0xe: {  	s17 =	smov.u32 s12;
	s12 =	sadd.s32 $0x1, s12  }
0xf: {  	p0 =	seq.s32 s12, $0x40  }
0x10: {  	s12 =	simm.s32 @p0 $0x0  }
0x11: {  	p6 =	sne.s32 s11, $0x1;
	p1 =	sne.s32 s17, s12  }
0x12: {  	p0 =	por !p6, !p1  }
0x13: {  	p0 =	por !p0, !p0  }
0x14: {  	s18 =	sadd.s32 @p0 s4, s12  }
0x15: {  	s19 =	sshll.u32 @p0 s12, $0x7;
	s18 =	sshll.u32 @p0 s18, $0xB  }
0x16: {  	s19 =	sand.u32 @p0 $0x380, s19;
	s18 =	sand.u32 @p0 $0xFFFFC000, s18  }
0x17: {  	_ =	strace @p0 $0x80000049;
	s21 =	simm.s32 @p0 $0x80;
	s18 =	sor.u32 @p0 s19, s18  }
0x18: {  	s22 =	simm.s32 @p0 $0x400;
	s19 =	sand.u32 @p0 $0x1, s16;
	s18 =	sshrl.u32 @p0 s18, $0x3  }
0x19: {  	s20 =	sshll.u32 @p0 s19, $0xB;
	s19 =	sadd.s32 @p0 $0x1, s19;
	s18 =	sadd.s32 @p0 s3, s18  }
0x1a: {  	[tilespmem:s20], [sflag:s19] =	stream.strided.gather @p0 [hbm4b:s18+s21], $0x800, s22, s21, $0x200038;
	[tilespmem:$0x1100] =	vst v63  }
0x1b: {  	s29 =	sand.u32 $0x1, s15;
	_ =	strace @p0 $0x90000049  }
0x1c: {  	s18 =	sadd.s32 $0x1, s29;
	_ =	strace $0x8000004A  }
0x1d: {  	_ =	swait.ge [sflag:s18], $0x800  }
0x1e: {  	[sflag:s18] =	ssyncset.done $0x0  }
0x1f: {  	[sflag:s18] =	ssyncadd.s32 $0xFFFFF800  }
0x20: {  	s30 =	sshll.u32 s15, $0xB;
	_ =	strace $0x9000004A  }
0x21: {  	s18 =	sand.u32 $0x800, s30;
	_ =	strace $0x8000004B  }
0x22: {  	v0 =	vld [tilespmem:s18+$0x0]  }
0x23: {  	v1 =	vld [tilespmem:s18+$0x10]  }
0x24: {  	v2 =	vld [tilespmem:s18+$0x20]  }
0x25: {  	v3 =	vld [tilespmem:s18+$0x40]  }
0x26: {  	v4 =	vld [tilespmem:s18+$0x30]  }
0x27: {  	v5 =	vld [tilespmem:s18+$0x50]  }
0x28: {  	v7 =	vld [tilespmem:s18+$0x60]  }
0x29: {  	v11 =	vld [tilespmem:s18+$0x70]  }
0x2a: {  	v13 =	vld [tilespmem:s18+$0x80];
	v6 =	vmax.f32 v0, $+Inf  }
0x2b: {  	v23 =	vld [tilespmem:s18+$0x90];
	v8 =	vmax.f32 v1, $+Inf;
	v9 =	vmax.f32 v2, $+Inf;
	v10 =	vmax.f32 v0, v3  }
0x2c: {  	v25 =	vld [tilespmem:s18+$0xA0];
	v12 =	vmax.f32 v4, $+Inf;
	v0 =	vmin.f32 v0, v3;
	v20 =	vmax.f32 v1, v5  }
0x2d: {  	v17 =	vld [tilespmem:s18+$0xB0];
	v1 =	vmin.f32 v1, v5;
	v22 =	vmin.f32 v2, v7;
	v2 =	vmax.f32 v2, v7  }
0x2e: {  	v15 =	vmax.f32 v4, v11;
	v4 =	vmin.f32 v4, v11;
	v19 =	vmax.f32 v6, v10  }
0x2f: {  	v10 =	vmin.f32 v6, v10;
	v21 =	vmin.f32 v8, v20;
	v14 =	vmin.f32 v9, v2  }
0x30: {  	v2 =	vmax.f32 v9, v2;
	v24 =	vmax.f32 v12, v15;
	v15 =	vmin.f32 v12, v15  }
0x31: {  	v26 =	vmax.f32 v0, v13;
	v0 =	vmin.f32 v0, v13;
	v16 =	vmax.f32 v1, v23  }
0x32: {  	v18 =	vld [tilespmem:s18+$0xC0];
	v1 =	vmin.f32 v1, v23;
	v30 =	vmax.f32 v22, v25;
	v34 =	vmax.f32 v4, v17  }
0x33: {  	v35 =	vld [tilespmem:s18+$0xD0];
	v4 =	vmin.f32 v4, v17;
	v3 =	vmin.f32 v6, v19;
	v6 =	vmax.f32 v8, v20  }
0x34: {  	v2 =	vmin.f32 v9, v2;
	v9 =	vmin.f32 v12, v24;
	v27 =	vmin.f32 v10, v26  }
0x35: {  	v10 =	vmax.f32 v10, v26;
	v28 =	vmax.f32 v21, v16;
	v5 =	vmin.f32 v21, v16  }
0x36: {  	v41 =	vld [tilespmem:s18+$0xF0];
	v31 =	vmax.f32 v14, v30;
	v32 =	vmin.f32 v14, v30;
	v36 =	vmin.f32 v15, v34  }
0x37: {  	v45 =	vld [tilespmem:s18+$0x100];
	v14 =	vmax.f32 v15, v34;
	v19 =	vmax.f32 v0, v18;
	v0 =	vmin.f32 v0, v18  }
0x38: {  	v48 =	vld [tilespmem:s18+$0x110];
	v20 =	vmax.f32 v1, v35;
	v1 =	vmin.f32 v1, v35;
	v6 =	vmin.f32 v8, v6  }
0x39: {  	v12 =	vmin.f32 v3, v10;
	v10 =	vmax.f32 v3, v10;
	v8 =	vmin.f32 v22, v25  }
0x3a: {  	v33 =	vmax.f32 v2, v31;
	v15 =	vmin.f32 v9, v14;
	v14 =	vmax.f32 v9, v14  }
0x3b: {  	v37 =	vmax.f32 v27, v19;
	v13 =	vmin.f32 v27, v19;
	v40 =	vmax.f32 v5, v20  }
0x3c: {  	v38 =	vld [tilespmem:s18+$0xE0];
	v5 =	vmin.f32 v5, v20;
	v22 =	vmax.f32 v4, v41;
	v4 =	vmin.f32 v4, v41  }
0x3d: {  	v23 =	vmax.f32 v0, v45;
	v0 =	vmin.f32 v0, v45;
	v53 =	vmax.f32 v1, v48  }
0x3e: {  	v55 =	vld [tilespmem:s18+$0x130];
	v1 =	vmin.f32 v1, v48;
	v3 =	vmin.f32 v3, v10;
	v29 =	vmax.f32 v6, v28  }
0x3f: {  	v59 =	vld [tilespmem:s18+$0x140];
	v7 =	vmin.f32 v6, v28;
	v10 =	vmin.f32 v2, v31;
	v2 =	vmin.f32 v2, v33  }
0x40: {  	v9 =	vmin.f32 v9, v14;
	v39 =	vmin.f32 v12, v37;
	v12 =	vmax.f32 v12, v37  }
0x41: {  	v21 =	vmax.f32 v8, v38;
	v43 =	vmin.f32 v8, v38;
	v47 =	vmax.f32 v36, v22  }
0x42: {  	v17 =	vmin.f32 v36, v22;
	v50 =	vmax.f32 v13, v23;
	v13 =	vmin.f32 v13, v23  }
0x43: {  	v51 =	vld [tilespmem:s18+$0x120];
	v54 =	vmax.f32 v5, v53;
	v5 =	vmin.f32 v5, v53;
	v61 =	vmax.f32 v4, v55  }
0x44: {  	v63 =	vld [tilespmem:s18+$0x150];
	v4 =	vmin.f32 v4, v55;
	v25 =	vmax.f32 v0, v59;
	v0 =	vmin.f32 v0, v59  }
0x45: {  	v6 =	vmin.f32 v6, v29;
	v14 =	vmin.f32 v3, v12;
	v12 =	vmax.f32 v3, v12  }
0x46: {  	v42 =	vmin.f32 v7, v40;
	v7 =	vmax.f32 v7, v40;
	v44 =	vmax.f32 v32, v21  }
0x47: {  	v11 =	vmin.f32 v32, v21;
	v49 =	vmin.f32 v15, v47;
	v52 =	vmin.f32 v39, v50  }
0x48: {  	v57 =	vmax.f32 v43, v51;
	v62 =	vmax.f32 v17, v61;
	v26 =	vmax.f32 v13, v25  }
0x49: {  	v13 =	vmin.f32 v13, v25;
	v29 =	vmax.f32 v1, v63;
	v1 =	vmin.f32 v1, v63  }
0x4a: {  	v3 =	vmin.f32 v3, v12;
	v12 =	vmin.f32 v6, v7;
	v7 =	vmax.f32 v6, v7  }
0x4b: {  	v35 =	vld [tilespmem:s18+$0x180];
	v46 =	vmin.f32 v10, v44;
	v8 =	vmax.f32 v10, v44;
	v56 =	vmin.f32 v42, v54  }
0x4c: {  	v27 =	vld [tilespmem:s18+$0x160];
	v58 =	vmax.f32 v11, v57;
	v11 =	vmin.f32 v11, v57;
	v24 =	vmin.f32 v49, v62  }
0x4d: {  	v28 =	vmin.f32 v52, v26;
	v30 =	vmax.f32 v5, v29;
	v5 =	vmin.f32 v5, v29  }
0x4e: {  	v6 =	vmin.f32 v6, v7;
	v10 =	vmin.f32 v2, v8;
	v8 =	vmax.f32 v2, v8  }
0x4f: {  	v31 =	vld [tilespmem:s18+$0x170];
	v7 =	vmin.f32 v43, v51;
	v60 =	vmin.f32 v46, v58;
	v32 =	vmin.f32 v56, v30  }
0x50: {  	v41 =	vmax.f32 v0, v35;
	v0 =	vmin.f32 v0, v35;
	v2 =	vmin.f32 v2, v8  }
0x51: {  	v8 =	vmax.f32 v15, v47;
	v33 =	vmax.f32 v7, v27;
	v7 =	vmin.f32 v7, v27  }
0x52: {  	v51 =	vld [tilespmem:s18+$0x1C0];
	v15 =	vmin.f32 v9, v8;
	v8 =	vmax.f32 v9, v8;
	v34 =	vmax.f32 v11, v33  }
0x53: {  	v47 =	vld [tilespmem:s18+$0x1B0];
	v11 =	vmin.f32 v11, v33;
	v8 =	vmin.f32 v9, v8;
	v9 =	vmax.f32 v39, v50  }
0x54: {  	v27 =	vld [tilespmem:s18+$0x200];
	v37 =	vmax.f32 v4, v31;
	v19 =	vmin.f32 v14, v9;
	v9 =	vmax.f32 v14, v9  }
0x55: {  	v4 =	vmin.f32 v4, v31;
	v36 =	vmin.f32 v60, v34;
	v3 =	vmin.f32 v3, v9  }
0x56: {  	v63 =	vld [tilespmem:s18+$0x1F0];
	v9 =	vmax.f32 v42, v54;
	v42 =	vmax.f32 v13, v41;
	v13 =	vmin.f32 v13, v41  }
0x57: {  	v57 =	vmax.f32 v0, v51;
	v0 =	vmin.f32 v0, v51;
	v20 =	vmin.f32 v12, v9  }
0x58: {  	v39 =	vld [tilespmem:s18+$0x190];
	v9 =	vmax.f32 v12, v9;
	v44 =	vmin.f32 v28, v42;
	v53 =	vmax.f32 v4, v47  }
0x59: {  	v4 =	vmin.f32 v4, v47;
	v33 =	vmax.f32 v0, v27;
	v0 =	vmin.f32 v0, v27  }
0x5a: {  	v43 =	vld [tilespmem:s18+$0x1A0];
	v6 =	vmin.f32 v6, v9;
	v9 =	vmax.f32 v46, v58;
	v58 =	vmax.f32 v13, v57  }
0x5b: {  	v55 =	vld [tilespmem:s18+$0x1D0];
	v13 =	vmin.f32 v13, v57;
	v29 =	vmax.f32 v4, v63;
	v4 =	vmin.f32 v4, v63  }
0x5c: {  	v21 =	vmin.f32 v10, v9;
	v9 =	vmax.f32 v10, v9;
	v10 =	vmin.f32 v17, v61  }
0x5d: {  	v45 =	vmax.f32 v1, v39;
	v1 =	vmin.f32 v1, v39;
	v2 =	vmin.f32 v2, v9  }
0x5e: {  	v9 =	vmax.f32 v49, v62;
	v38 =	vmax.f32 v10, v37;
	v10 =	vmin.f32 v10, v37  }
0x5f: {  	v59 =	vld [tilespmem:s18+$0x1E0];
	v46 =	vmax.f32 v5, v45;
	v5 =	vmin.f32 v5, v45;
	v49 =	vmax.f32 v7, v43  }
0x60: {  	v31 =	vld [tilespmem:s18+$0x210];
	v7 =	vmin.f32 v7, v43;
	v61 =	vmax.f32 v1, v55;
	v1 =	vmin.f32 v1, v55  }
0x61: {  	v22 =	vmin.f32 v15, v9;
	v9 =	vmax.f32 v15, v9;
	v40 =	vmin.f32 v24, v38  }
0x62: {  	v35 =	vld [tilespmem:s18+$0x220];
	v48 =	vmin.f32 v32, v46;
	v50 =	vmax.f32 v11, v49;
	v11 =	vmin.f32 v11, v49  }
0x63: {  	v47 =	vld [tilespmem:s18+$0x250];
	v54 =	vmax.f32 v10, v53;
	v10 =	vmin.f32 v10, v53;
	v62 =	vmax.f32 v5, v61  }
0x64: {  	v51 =	vld [tilespmem:s18+$0x260];
	v5 =	vmin.f32 v5, v61;
	v25 =	vmax.f32 v7, v59;
	v7 =	vmin.f32 v7, v59  }
0x65: {  	v37 =	vmax.f32 v1, v31;
	v1 =	vmin.f32 v1, v31;
	v8 =	vmin.f32 v8, v9  }
0x66: {  	v39 =	vld [tilespmem:s18+$0x230];
	v9 =	vmax.f32 v52, v26;
	v52 =	vmin.f32 v36, v50;
	v26 =	vmax.f32 v11, v25  }
0x67: {  	v63 =	vld [tilespmem:s18+$0x290];
	v11 =	vmin.f32 v11, v25;
	v41 =	vmax.f32 v7, v35;
	v7 =	vmin.f32 v7, v35  }
0x68: {  	v43 =	vld [tilespmem:s18+$0x240];
	v53 =	vmax.f32 v1, v47;
	v1 =	vmin.f32 v1, v47;
	v23 =	vmin.f32 v19, v9  }
0x69: {  	v55 =	vld [tilespmem:s18+$0x270];
	v9 =	vmax.f32 v19, v9;
	v57 =	vmax.f32 v7, v51;
	v7 =	vmin.f32 v7, v51  }
0x6a: {  	v3 =	vmin.f32 v3, v9;
	v9 =	vmax.f32 v56, v30;
	v56 =	vmin.f32 v40, v54  }
0x6b: {  	v59 =	vld [tilespmem:s18+$0x280];
	v30 =	vmax.f32 v10, v29;
	v10 =	vmin.f32 v10, v29;
	v45 =	vmax.f32 v4, v39  }
0x6c: {  	v4 =	vmin.f32 v4, v39;
	v29 =	vmax.f32 v1, v63;
	v1 =	vmin.f32 v1, v63  }
0x6d: {  	v27 =	vld [tilespmem:s18+$0x2A0];
	v14 =	vmin.f32 v20, v9;
	v9 =	vmax.f32 v20, v9;
	v49 =	vmax.f32 v0, v43  }
0x6e: {  	v0 =	vmin.f32 v0, v43;
	v61 =	vmax.f32 v4, v55;
	v4 =	vmin.f32 v4, v55  }
0x6f: {  	v6 =	vmin.f32 v6, v9;
	v9 =	vmax.f32 v60, v34;
	v60 =	vmin.f32 v44, v58  }
0x70: {  	v31 =	vld [tilespmem:s18+$0x2B0];
	v34 =	vmax.f32 v13, v33;
	v13 =	vmin.f32 v13, v33;
	v25 =	vmax.f32 v0, v59  }
0x71: {  	v0 =	vmin.f32 v0, v59;
	v12 =	vmin.f32 v21, v9;
	v9 =	vmax.f32 v21, v9  }
0x72: {  	v33 =	vmax.f32 v7, v27;
	v7 =	vmin.f32 v7, v27;
	v2 =	vmin.f32 v2, v9  }
0x73: {  	v35 =	vld [tilespmem:s18+$0x2C0];
	v9 =	vmax.f32 v24, v38;
	v24 =	vmin.f32 v48, v62;
	v38 =	vmax.f32 v5, v37  }
0x74: {  	v5 =	vmin.f32 v5, v37;
	v17 =	vmin.f32 v22, v9;
	v9 =	vmax.f32 v22, v9  }
0x75: {  	v37 =	vmax.f32 v4, v31;
	v4 =	vmin.f32 v4, v31;
	v8 =	vmin.f32 v8, v9  }
0x76: {  	v39 =	vld [tilespmem:s18+$0x2D0];
	v9 =	vmax.f32 v28, v42;
	v28 =	vmin.f32 v52, v26;
	v42 =	vmax.f32 v11, v41  }
0x77: {  	v11 =	vmin.f32 v11, v41;
	v15 =	vmin.f32 v23, v9;
	v9 =	vmax.f32 v23, v9  }
0x78: {  	v41 =	vmax.f32 v0, v35;
	v0 =	vmin.f32 v0, v35;
	v3 =	vmin.f32 v3, v9  }
0x79: {  	v9 =	vmax.f32 v32, v46;
	v32 =	vmin.f32 v56, v30;
	v46 =	vmax.f32 v10, v45  }
0x7a: {  	v10 =	vmin.f32 v10, v45;
	v19 =	vmin.f32 v14, v9;
	v9 =	vmax.f32 v14, v9  }
0x7b: {  	v47 =	vld [tilespmem:s18+$0x2F0];
	v45 =	vmax.f32 v1, v39;
	v6 =	vmin.f32 v6, v9;
	v9 =	vmax.f32 v36, v50  }
0x7c: {  	v1 =	vmin.f32 v1, v39;
	v20 =	vmin.f32 v12, v9;
	v9 =	vmax.f32 v12, v9  }
0x7d: {  	v36 =	vmin.f32 v60, v34;
	v50 =	vmax.f32 v13, v49;
	v2 =	vmin.f32 v2, v9  }
0x7e: {  	v51 =	vld [tilespmem:s18+$0x300];
	v9 =	vmax.f32 v40, v54;
	v40 =	vmin.f32 v24, v38;
	v54 =	vmax.f32 v5, v53  }
0x7f: {  	v5 =	vmin.f32 v5, v53;
	v21 =	vmin.f32 v17, v9;
	v9 =	vmax.f32 v17, v9  }
0x80: {  	v53 =	vmax.f32 v4, v47;
	v4 =	vmin.f32 v4, v47;
	v8 =	vmin.f32 v8, v9  }
0x81: {  	v55 =	vld [tilespmem:s18+$0x310];
	v9 =	vmax.f32 v44, v58;
	v44 =	vmin.f32 v28, v42;
	v58 =	vmax.f32 v11, v57  }
0x82: {  	v11 =	vmin.f32 v11, v57;
	v22 =	vmin.f32 v15, v9;
	v9 =	vmax.f32 v15, v9  }
0x83: {  	v57 =	vmax.f32 v0, v51;
	v0 =	vmin.f32 v0, v51;
	v3 =	vmin.f32 v3, v9  }
0x84: {  	v9 =	vmax.f32 v48, v62;
	v48 =	vmin.f32 v32, v46;
	v62 =	vmax.f32 v10, v61  }
0x85: {  	v63 =	vld [tilespmem:s18+$0x330];
	v10 =	vmin.f32 v10, v61;
	v23 =	vmin.f32 v19, v9;
	v9 =	vmax.f32 v19, v9  }
0x86: {  	v61 =	vmax.f32 v1, v55;
	v6 =	vmin.f32 v6, v9;
	v9 =	vmax.f32 v52, v26  }
0x87: {  	v1 =	vmin.f32 v1, v55;
	v14 =	vmin.f32 v20, v9;
	v9 =	vmax.f32 v20, v9  }
0x88: {  	v27 =	vld [tilespmem:s18+$0x340];
	v52 =	vmin.f32 v36, v50;
	v2 =	vmin.f32 v2, v9;
	v9 =	vmax.f32 v56, v30  }
0x89: {  	v56 =	vmin.f32 v40, v54;
	v30 =	vmax.f32 v5, v29;
	v5 =	vmin.f32 v5, v29  }
0x8a: {  	v29 =	vmax.f32 v4, v63;
	v12 =	vmin.f32 v21, v9;
	v9 =	vmax.f32 v21, v9  }
0x8b: {  	v4 =	vmin.f32 v4, v63;
	v8 =	vmin.f32 v8, v9;
	v9 =	vmax.f32 v60, v34  }
0x8c: {  	v60 =	vmin.f32 v44, v58;
	v34 =	vmax.f32 v11, v33;
	v11 =	vmin.f32 v11, v33  }
0x8d: {  	v31 =	vld [tilespmem:s18+$0x350];
	v33 =	vmax.f32 v0, v27;
	v17 =	vmin.f32 v22, v9;
	v9 =	vmax.f32 v22, v9  }
0x8e: {  	v0 =	vmin.f32 v0, v27;
	v3 =	vmin.f32 v3, v9;
	v9 =	vmax.f32 v24, v38  }
0x8f: {  	v39 =	vld [tilespmem:s18+$0x370];
	v24 =	vmin.f32 v48, v62;
	v15 =	vmin.f32 v23, v9;
	v9 =	vmax.f32 v23, v9  }
0x90: {  	v38 =	vmax.f32 v10, v37;
	v6 =	vmin.f32 v6, v9;
	v9 =	vmax.f32 v28, v42  }
0x91: {  	v43 =	vld [tilespmem:s18+$0x2E0];
	v10 =	vmin.f32 v10, v37;
	v19 =	vmin.f32 v14, v9;
	v9 =	vmax.f32 v14, v9  }
0x92: {  	v37 =	vmax.f32 v1, v31;
	v1 =	vmin.f32 v1, v31;
	v2 =	vmin.f32 v2, v9  }
0x93: {  	v9 =	vmax.f32 v32, v46;
	v32 =	vmin.f32 v56, v30;
	v46 =	vmax.f32 v5, v45  }
0x94: {  	v59 =	vld [tilespmem:s18+$0x320];
	v5 =	vmin.f32 v5, v45;
	v45 =	vmax.f32 v4, v39;
	v4 =	vmin.f32 v4, v39  }
0x95: {  	v20 =	vmin.f32 v12, v9;
	v9 =	vmax.f32 v12, v9;
	v12 =	vmin.f32 v13, v49  }
0x96: {  	v35 =	vld [tilespmem:s18+$0x360];
	v49 =	vmax.f32 v7, v43;
	v7 =	vmin.f32 v7, v43;
	v8 =	vmin.f32 v8, v9  }
0x97: {  	v9 =	vmax.f32 v36, v50;
	v26 =	vmax.f32 v12, v25;
	v12 =	vmin.f32 v12, v25  }
0x98: {  	v47 =	vld [tilespmem:s18+$0x390];
	v36 =	vmin.f32 v60, v34;
	v50 =	vmax.f32 v11, v49;
	v11 =	vmin.f32 v11, v49  }
0x99: {  	v25 =	vmax.f32 v7, v59;
	v7 =	vmin.f32 v7, v59;
	v21 =	vmin.f32 v17, v9  }
0x9a: {  	v9 =	vmax.f32 v17, v9;
	v28 =	vmin.f32 v52, v26;
	v42 =	vmax.f32 v12, v41  }
0x9b: {  	v43 =	vld [tilespmem:s18+$0x380];
	v12 =	vmin.f32 v12, v41;
	v41 =	vmax.f32 v7, v35;
	v7 =	vmin.f32 v7, v35  }
0x9c: {  	v3 =	vmin.f32 v3, v9;
	v9 =	vmax.f32 v40, v54;
	v40 =	vmin.f32 v24, v38  }
0x9d: {  	v51 =	vld [tilespmem:s18+$0x3A0];
	v54 =	vmax.f32 v10, v53;
	v10 =	vmin.f32 v10, v53;
	v53 =	vmax.f32 v1, v47  }
0x9e: {  	v1 =	vmin.f32 v1, v47;
	v22 =	vmin.f32 v15, v9;
	v9 =	vmax.f32 v15, v9  }
0x9f: {  	v6 =	vmin.f32 v6, v9;
	v9 =	vmax.f32 v44, v58;
	v44 =	vmin.f32 v28, v42  }
0xa0: {  	v55 =	vld [tilespmem:s18+$0x3B0];
	v58 =	vmax.f32 v12, v57;
	v12 =	vmin.f32 v12, v57;
	v49 =	vmax.f32 v0, v43  }
0xa1: {  	v0 =	vmin.f32 v0, v43;
	v23 =	vmin.f32 v19, v9;
	v9 =	vmax.f32 v19, v9  }
0xa2: {  	v57 =	vmax.f32 v7, v51;
	v7 =	vmin.f32 v7, v51;
	v2 =	vmin.f32 v2, v9  }
0xa3: {  	v59 =	vld [tilespmem:s18+$0x3C0];
	v9 =	vmax.f32 v48, v62;
	v48 =	vmin.f32 v32, v46;
	v62 =	vmax.f32 v5, v61  }
0xa4: {  	v5 =	vmin.f32 v5, v61;
	v14 =	vmin.f32 v20, v9;
	v9 =	vmax.f32 v20, v9  }
0xa5: {  	v61 =	vmax.f32 v4, v55;
	v4 =	vmin.f32 v4, v55;
	v8 =	vmin.f32 v8, v9  }
0xa6: {  	v63 =	vld [tilespmem:s18+$0x3D0];
	v9 =	vmax.f32 v52, v26;
	v52 =	vmin.f32 v36, v50;
	v26 =	vmax.f32 v11, v25  }
0xa7: {  	v11 =	vmin.f32 v11, v25;
	v13 =	vmin.f32 v21, v9;
	v9 =	vmax.f32 v21, v9  }
0xa8: {  	v25 =	vmax.f32 v0, v59;
	v0 =	vmin.f32 v0, v59;
	v3 =	vmin.f32 v3, v9  }
0xa9: {  	v27 =	vld [tilespmem:s18+$0x3E0];
	v9 =	vmax.f32 v56, v30;
	v56 =	vmin.f32 v40, v54;
	v30 =	vmax.f32 v10, v29  }
0xaa: {  	v10 =	vmin.f32 v10, v29;
	v17 =	vmin.f32 v22, v9;
	v9 =	vmax.f32 v22, v9  }
0xab: {  	v29 =	vmax.f32 v1, v63;
	v1 =	vmin.f32 v1, v63;
	v6 =	vmin.f32 v6, v9  }
0xac: {  	v31 =	vld [tilespmem:s18+$0x3F0];
	v9 =	vmax.f32 v60, v34;
	v60 =	vmin.f32 v44, v58;
	v34 =	vmax.f32 v12, v33  }
0xad: {  	v12 =	vmin.f32 v12, v33;
	v15 =	vmin.f32 v23, v9;
	v9 =	vmax.f32 v23, v9  }
0xae: {  	v33 =	vmax.f32 v7, v27;
	v7 =	vmin.f32 v7, v27;
	v2 =	vmin.f32 v2, v9  }
0xaf: {  	v35 =	vld [tilespmem:s18+$0x400];
	v9 =	vmax.f32 v24, v38;
	v24 =	vmin.f32 v48, v62;
	v38 =	vmax.f32 v5, v37  }
0xb0: {  	v5 =	vmin.f32 v5, v37;
	v19 =	vmin.f32 v14, v9;
	v9 =	vmax.f32 v14, v9  }
0xb1: {  	v37 =	vmax.f32 v4, v31;
	v4 =	vmin.f32 v4, v31;
	v8 =	vmin.f32 v8, v9  }
0xb2: {  	v39 =	vld [tilespmem:s18+$0x410];
	v9 =	vmax.f32 v28, v42;
	v28 =	vmin.f32 v52, v26;
	v42 =	vmax.f32 v11, v41  }
0xb3: {  	v11 =	vmin.f32 v11, v41;
	v20 =	vmin.f32 v13, v9;
	v9 =	vmax.f32 v13, v9  }
0xb4: {  	v41 =	vmax.f32 v0, v35;
	v0 =	vmin.f32 v0, v35;
	v3 =	vmin.f32 v3, v9  }
0xb5: {  	v43 =	vld [tilespmem:s18+$0x420];
	v9 =	vmax.f32 v32, v46;
	v32 =	vmin.f32 v56, v30;
	v46 =	vmax.f32 v10, v45  }
0xb6: {  	v10 =	vmin.f32 v10, v45;
	v21 =	vmin.f32 v17, v9;
	v9 =	vmax.f32 v17, v9  }
0xb7: {  	v45 =	vmax.f32 v1, v39;
	v1 =	vmin.f32 v1, v39;
	v6 =	vmin.f32 v6, v9  }
0xb8: {  	v47 =	vld [tilespmem:s18+$0x430];
	v9 =	vmax.f32 v36, v50;
	v36 =	vmin.f32 v60, v34;
	v50 =	vmax.f32 v12, v49  }
0xb9: {  	v12 =	vmin.f32 v12, v49;
	v22 =	vmin.f32 v15, v9;
	v9 =	vmax.f32 v15, v9  }
0xba: {  	v49 =	vmax.f32 v7, v43;
	v7 =	vmin.f32 v7, v43;
	v2 =	vmin.f32 v2, v9  }
0xbb: {  	v51 =	vld [tilespmem:s18+$0x440];
	v9 =	vmax.f32 v40, v54;
	v40 =	vmin.f32 v24, v38;
	v54 =	vmax.f32 v5, v53  }
0xbc: {  	v5 =	vmin.f32 v5, v53;
	v23 =	vmin.f32 v19, v9;
	v9 =	vmax.f32 v19, v9  }
0xbd: {  	v53 =	vmax.f32 v4, v47;
	v4 =	vmin.f32 v4, v47;
	v8 =	vmin.f32 v8, v9  }
0xbe: {  	v55 =	vld [tilespmem:s18+$0x450];
	v9 =	vmax.f32 v44, v58;
	v44 =	vmin.f32 v28, v42;
	v58 =	vmax.f32 v11, v57  }
0xbf: {  	v11 =	vmin.f32 v11, v57;
	v14 =	vmin.f32 v20, v9;
	v9 =	vmax.f32 v20, v9  }
0xc0: {  	v57 =	vmax.f32 v0, v51;
	v0 =	vmin.f32 v0, v51;
	v3 =	vmin.f32 v3, v9  }
0xc1: {  	v59 =	vld [tilespmem:s18+$0x460];
	v9 =	vmax.f32 v48, v62;
	v48 =	vmin.f32 v32, v46;
	v62 =	vmax.f32 v10, v61  }
0xc2: {  	v10 =	vmin.f32 v10, v61;
	v13 =	vmin.f32 v21, v9;
	v9 =	vmax.f32 v21, v9  }
0xc3: {  	v61 =	vmax.f32 v1, v55;
	v1 =	vmin.f32 v1, v55;
	v6 =	vmin.f32 v6, v9  }
0xc4: {  	v63 =	vld [tilespmem:s18+$0x470];
	v9 =	vmax.f32 v52, v26;
	v52 =	vmin.f32 v36, v50;
	v26 =	vmax.f32 v12, v25  }
0xc5: {  	v12 =	vmin.f32 v12, v25;
	v17 =	vmin.f32 v22, v9;
	v9 =	vmax.f32 v22, v9  }
0xc6: {  	v25 =	vmax.f32 v7, v59;
	v7 =	vmin.f32 v7, v59;
	v2 =	vmin.f32 v2, v9  }
0xc7: {  	v27 =	vld [tilespmem:s18+$0x480];
	v9 =	vmax.f32 v56, v30;
	v56 =	vmin.f32 v40, v54;
	v30 =	vmax.f32 v5, v29  }
0xc8: {  	v5 =	vmin.f32 v5, v29;
	v15 =	vmin.f32 v23, v9;
	v9 =	vmax.f32 v23, v9  }
0xc9: {  	v29 =	vmax.f32 v4, v63;
	v4 =	vmin.f32 v4, v63;
	v8 =	vmin.f32 v8, v9  }
0xca: {  	v31 =	vld [tilespmem:s18+$0x490];
	v9 =	vmax.f32 v60, v34;
	v60 =	vmin.f32 v44, v58;
	v34 =	vmax.f32 v11, v33  }
0xcb: {  	v11 =	vmin.f32 v11, v33;
	v19 =	vmin.f32 v14, v9;
	v9 =	vmax.f32 v14, v9  }
0xcc: {  	v33 =	vmax.f32 v0, v27;
	v0 =	vmin.f32 v0, v27;
	v3 =	vmin.f32 v3, v9  }
0xcd: {  	v35 =	vld [tilespmem:s18+$0x4A0];
	v9 =	vmax.f32 v24, v38;
	v24 =	vmin.f32 v48, v62;
	v38 =	vmax.f32 v10, v37  }
0xce: {  	v10 =	vmin.f32 v10, v37;
	v20 =	vmin.f32 v13, v9;
	v9 =	vmax.f32 v13, v9  }
0xcf: {  	v37 =	vmax.f32 v1, v31;
	v1 =	vmin.f32 v1, v31;
	v6 =	vmin.f32 v6, v9  }
0xd0: {  	v39 =	vld [tilespmem:s18+$0x4B0];
	v9 =	vmax.f32 v28, v42;
	v28 =	vmin.f32 v52, v26;
	v42 =	vmax.f32 v12, v41  }
0xd1: {  	v12 =	vmin.f32 v12, v41;
	v21 =	vmin.f32 v17, v9;
	v9 =	vmax.f32 v17, v9  }
0xd2: {  	v41 =	vmax.f32 v7, v35;
	v7 =	vmin.f32 v7, v35;
	v2 =	vmin.f32 v2, v9  }
0xd3: {  	v43 =	vld [tilespmem:s18+$0x4C0];
	v9 =	vmax.f32 v32, v46;
	v32 =	vmin.f32 v56, v30;
	v46 =	vmax.f32 v5, v45  }
0xd4: {  	v5 =	vmin.f32 v5, v45;
	v22 =	vmin.f32 v15, v9;
	v9 =	vmax.f32 v15, v9  }
0xd5: {  	v45 =	vmax.f32 v4, v39;
	v4 =	vmin.f32 v4, v39;
	v8 =	vmin.f32 v8, v9  }
0xd6: {  	v47 =	vld [tilespmem:s18+$0x4D0];
	v9 =	vmax.f32 v36, v50;
	v36 =	vmin.f32 v60, v34;
	v50 =	vmax.f32 v11, v49  }
0xd7: {  	v11 =	vmin.f32 v11, v49;
	v23 =	vmin.f32 v19, v9;
	v9 =	vmax.f32 v19, v9  }
0xd8: {  	v49 =	vmax.f32 v0, v43;
	v0 =	vmin.f32 v0, v43;
	v3 =	vmin.f32 v3, v9  }
0xd9: {  	v51 =	vld [tilespmem:s18+$0x4E0];
	v9 =	vmax.f32 v40, v54;
	v40 =	vmin.f32 v24, v38;
	v54 =	vmax.f32 v10, v53  }
0xda: {  	v10 =	vmin.f32 v10, v53;
	v14 =	vmin.f32 v20, v9;
	v9 =	vmax.f32 v20, v9  }
0xdb: {  	v53 =	vmax.f32 v1, v47;
	v1 =	vmin.f32 v1, v47;
	v6 =	vmin.f32 v6, v9  }
0xdc: {  	v55 =	vld [tilespmem:s18+$0x4F0];
	v9 =	vmax.f32 v44, v58;
	v44 =	vmin.f32 v28, v42;
	v58 =	vmax.f32 v12, v57  }
0xdd: {  	v12 =	vmin.f32 v12, v57;
	v13 =	vmin.f32 v21, v9;
	v9 =	vmax.f32 v21, v9  }
0xde: {  	v57 =	vmax.f32 v7, v51;
	v7 =	vmin.f32 v7, v51;
	v2 =	vmin.f32 v2, v9  }
0xdf: {  	v59 =	vld [tilespmem:s18+$0x500];
	v9 =	vmax.f32 v48, v62;
	v48 =	vmin.f32 v32, v46;
	v62 =	vmax.f32 v5, v61  }
0xe0: {  	v5 =	vmin.f32 v5, v61;
	v17 =	vmin.f32 v22, v9;
	v9 =	vmax.f32 v22, v9  }
0xe1: {  	v61 =	vmax.f32 v4, v55;
	v4 =	vmin.f32 v4, v55;
	v8 =	vmin.f32 v8, v9  }
0xe2: {  	v63 =	vld [tilespmem:s18+$0x510];
	v9 =	vmax.f32 v52, v26;
	v52 =	vmin.f32 v36, v50;
	v26 =	vmax.f32 v11, v25  }
0xe3: {  	v11 =	vmin.f32 v11, v25;
	v15 =	vmin.f32 v23, v9;
	v9 =	vmax.f32 v23, v9  }
0xe4: {  	v25 =	vmax.f32 v0, v59;
	v0 =	vmin.f32 v0, v59;
	v3 =	vmin.f32 v3, v9  }
0xe5: {  	v27 =	vld [tilespmem:s18+$0x520];
	v9 =	vmax.f32 v56, v30;
	v56 =	vmin.f32 v40, v54;
	v30 =	vmax.f32 v10, v29  }
0xe6: {  	v10 =	vmin.f32 v10, v29;
	v19 =	vmin.f32 v14, v9;
	v9 =	vmax.f32 v14, v9  }
0xe7: {  	v29 =	vmax.f32 v1, v63;
	v1 =	vmin.f32 v1, v63;
	v6 =	vmin.f32 v6, v9  }
0xe8: {  	v31 =	vld [tilespmem:s18+$0x530];
	v9 =	vmax.f32 v60, v34;
	v60 =	vmin.f32 v44, v58;
	v34 =	vmax.f32 v12, v33  }
0xe9: {  	v12 =	vmin.f32 v12, v33;
	v20 =	vmin.f32 v13, v9;
	v9 =	vmax.f32 v13, v9  }
0xea: {  	v33 =	vmax.f32 v7, v27;
	v7 =	vmin.f32 v7, v27;
	v2 =	vmin.f32 v2, v9  }
0xeb: {  	v35 =	vld [tilespmem:s18+$0x540];
	v9 =	vmax.f32 v24, v38;
	v24 =	vmin.f32 v48, v62;
	v38 =	vmax.f32 v5, v37  }
0xec: {  	v5 =	vmin.f32 v5, v37;
	v21 =	vmin.f32 v17, v9;
	v9 =	vmax.f32 v17, v9  }
0xed: {  	v37 =	vmax.f32 v4, v31;
	v4 =	vmin.f32 v4, v31;
	v8 =	vmin.f32 v8, v9  }
0xee: {  	v39 =	vld [tilespmem:s18+$0x550];
	v9 =	vmax.f32 v28, v42;
	v28 =	vmin.f32 v52, v26;
	v42 =	vmax.f32 v11, v41  }
0xef: {  	v11 =	vmin.f32 v11, v41;
	v22 =	vmin.f32 v15, v9;
	v9 =	vmax.f32 v15, v9  }
0xf0: {  	v41 =	vmax.f32 v0, v35;
	v0 =	vmin.f32 v0, v35;
	v3 =	vmin.f32 v3, v9  }
0xf1: {  	v43 =	vld [tilespmem:s18+$0x560];
	v9 =	vmax.f32 v32, v46;
	v32 =	vmin.f32 v56, v30;
	v46 =	vmax.f32 v10, v45  }
0xf2: {  	v10 =	vmin.f32 v10, v45;
	v23 =	vmin.f32 v19, v9;
	v9 =	vmax.f32 v19, v9  }
0xf3: {  	v45 =	vmax.f32 v1, v39;
	v1 =	vmin.f32 v1, v39;
	v6 =	vmin.f32 v6, v9  }
0xf4: {  	v47 =	vld [tilespmem:s18+$0x570];
	v9 =	vmax.f32 v36, v50;
	v36 =	vmin.f32 v60, v34;
	v50 =	vmax.f32 v12, v49  }
0xf5: {  	v12 =	vmin.f32 v12, v49;
	v14 =	vmin.f32 v20, v9;
	v9 =	vmax.f32 v20, v9  }
0xf6: {  	v49 =	vmax.f32 v7, v43;
	v7 =	vmin.f32 v7, v43;
	v2 =	vmin.f32 v2, v9  }
0xf7: {  	v51 =	vld [tilespmem:s18+$0x580];
	v9 =	vmax.f32 v40, v54;
	v40 =	vmin.f32 v24, v38;
	v54 =	vmax.f32 v5, v53  }
0xf8: {  	v5 =	vmin.f32 v5, v53;
	v13 =	vmin.f32 v21, v9;
	v9 =	vmax.f32 v21, v9  }
0xf9: {  	v53 =	vmax.f32 v4, v47;
	v4 =	vmin.f32 v4, v47;
	v8 =	vmin.f32 v8, v9  }
0xfa: {  	v55 =	vld [tilespmem:s18+$0x590];
	v9 =	vmax.f32 v44, v58;
	v44 =	vmin.f32 v28, v42;
	v58 =	vmax.f32 v11, v57  }
0xfb: {  	v11 =	vmin.f32 v11, v57;
	v17 =	vmin.f32 v22, v9;
	v9 =	vmax.f32 v22, v9  }
0xfc: {  	v57 =	vmax.f32 v0, v51;
	v0 =	vmin.f32 v0, v51;
	v3 =	vmin.f32 v3, v9  }
0xfd: {  	v59 =	vld [tilespmem:s18+$0x5A0];
	v9 =	vmax.f32 v48, v62;
	v48 =	vmin.f32 v32, v46;
	v62 =	vmax.f32 v10, v61  }
0xfe: {  	v10 =	vmin.f32 v10, v61;
	v15 =	vmin.f32 v23, v9;
	v9 =	vmax.f32 v23, v9  }
0xff: {  	v61 =	vmax.f32 v1, v55;
	v1 =	vmin.f32 v1, v55;
	v6 =	vmin.f32 v6, v9  }
0x100: {  	v63 =	vld [tilespmem:s18+$0x5B0];
	v9 =	vmax.f32 v52, v26;
	v52 =	vmin.f32 v36, v50;
	v26 =	vmax.f32 v12, v25  }
0x101: {  	v12 =	vmin.f32 v12, v25;
	v19 =	vmin.f32 v14, v9;
	v9 =	vmax.f32 v14, v9  }
0x102: {  	v25 =	vmax.f32 v7, v59;
	v7 =	vmin.f32 v7, v59;
	v2 =	vmin.f32 v2, v9  }
0x103: {  	v27 =	vld [tilespmem:s18+$0x5C0];
	v9 =	vmax.f32 v56, v30;
	v56 =	vmin.f32 v40, v54;
	v30 =	vmax.f32 v5, v29  }
0x104: {  	v5 =	vmin.f32 v5, v29;
	v20 =	vmin.f32 v13, v9;
	v9 =	vmax.f32 v13, v9  }
0x105: {  	v29 =	vmax.f32 v4, v63;
	v4 =	vmin.f32 v4, v63;
	v8 =	vmin.f32 v8, v9  }
0x106: {  	v31 =	vld [tilespmem:s18+$0x5D0];
	v9 =	vmax.f32 v60, v34;
	v60 =	vmin.f32 v44, v58;
	v34 =	vmax.f32 v11, v33  }
0x107: {  	v11 =	vmin.f32 v11, v33;
	v21 =	vmin.f32 v17, v9;
	v9 =	vmax.f32 v17, v9  }
0x108: {  	v33 =	vmax.f32 v0, v27;
	v0 =	vmin.f32 v0, v27;
	v3 =	vmin.f32 v3, v9  }
0x109: {  	v35 =	vld [tilespmem:s18+$0x5E0];
	v9 =	vmax.f32 v24, v38;
	v24 =	vmin.f32 v48, v62;
	v38 =	vmax.f32 v10, v37  }
0x10a: {  	v10 =	vmin.f32 v10, v37;
	v22 =	vmin.f32 v15, v9;
	v9 =	vmax.f32 v15, v9  }
0x10b: {  	v37 =	vmax.f32 v1, v31;
	v1 =	vmin.f32 v1, v31;
	v6 =	vmin.f32 v6, v9  }
0x10c: {  	v39 =	vld [tilespmem:s18+$0x5F0];
	v9 =	vmax.f32 v28, v42;
	v28 =	vmin.f32 v52, v26;
	v42 =	vmax.f32 v12, v41  }
0x10d: {  	v12 =	vmin.f32 v12, v41;
	v23 =	vmin.f32 v19, v9;
	v9 =	vmax.f32 v19, v9  }
0x10e: {  	v41 =	vmax.f32 v7, v35;
	v7 =	vmin.f32 v7, v35;
	v2 =	vmin.f32 v2, v9  }
0x10f: {  	v43 =	vld [tilespmem:s18+$0x600];
	v9 =	vmax.f32 v32, v46;
	v32 =	vmin.f32 v56, v30;
	v46 =	vmax.f32 v5, v45  }
0x110: {  	v5 =	vmin.f32 v5, v45;
	v14 =	vmin.f32 v20, v9;
	v9 =	vmax.f32 v20, v9  }
0x111: {  	v45 =	vmax.f32 v4, v39;
	v4 =	vmin.f32 v4, v39;
	v8 =	vmin.f32 v8, v9  }
0x112: {  	v47 =	vld [tilespmem:s18+$0x610];
	v9 =	vmax.f32 v36, v50;
	v36 =	vmin.f32 v60, v34;
	v50 =	vmax.f32 v11, v49  }
0x113: {  	v11 =	vmin.f32 v11, v49;
	v13 =	vmin.f32 v21, v9;
	v9 =	vmax.f32 v21, v9  }
0x114: {  	v49 =	vmax.f32 v0, v43;
	v0 =	vmin.f32 v0, v43;
	v3 =	vmin.f32 v3, v9  }
0x115: {  	v51 =	vld [tilespmem:s18+$0x620];
	v9 =	vmax.f32 v40, v54;
	v40 =	vmin.f32 v24, v38;
	v54 =	vmax.f32 v10, v53  }
0x116: {  	v10 =	vmin.f32 v10, v53;
	v17 =	vmin.f32 v22, v9;
	v9 =	vmax.f32 v22, v9  }
0x117: {  	v53 =	vmax.f32 v1, v47;
	v1 =	vmin.f32 v1, v47;
	v6 =	vmin.f32 v6, v9  }
0x118: {  	v55 =	vld [tilespmem:s18+$0x630];
	v9 =	vmax.f32 v44, v58;
	v44 =	vmin.f32 v28, v42;
	v58 =	vmax.f32 v12, v57  }
0x119: {  	v12 =	vmin.f32 v12, v57;
	v15 =	vmin.f32 v23, v9;
	v9 =	vmax.f32 v23, v9  }
0x11a: {  	v57 =	vmax.f32 v7, v51;
	v7 =	vmin.f32 v7, v51;
	v2 =	vmin.f32 v2, v9  }
0x11b: {  	v59 =	vld [tilespmem:s18+$0x640];
	v9 =	vmax.f32 v48, v62;
	v48 =	vmin.f32 v32, v46;
	v62 =	vmax.f32 v5, v61  }
0x11c: {  	v5 =	vmin.f32 v5, v61;
	v19 =	vmin.f32 v14, v9;
	v9 =	vmax.f32 v14, v9  }
0x11d: {  	v61 =	vmax.f32 v4, v55;
	v4 =	vmin.f32 v4, v55;
	v8 =	vmin.f32 v8, v9  }
0x11e: {  	v63 =	vld [tilespmem:s18+$0x650];
	v9 =	vmax.f32 v52, v26;
	v52 =	vmin.f32 v36, v50;
	v26 =	vmax.f32 v11, v25  }
0x11f: {  	v11 =	vmin.f32 v11, v25;
	v20 =	vmin.f32 v13, v9;
	v9 =	vmax.f32 v13, v9  }
0x120: {  	v25 =	vmax.f32 v0, v59;
	v0 =	vmin.f32 v0, v59;
	v3 =	vmin.f32 v3, v9  }
0x121: {  	v27 =	vld [tilespmem:s18+$0x660];
	v9 =	vmax.f32 v56, v30;
	v56 =	vmin.f32 v40, v54;
	v30 =	vmax.f32 v10, v29  }
0x122: {  	v10 =	vmin.f32 v10, v29;
	v21 =	vmin.f32 v17, v9;
	v9 =	vmax.f32 v17, v9  }
0x123: {  	v29 =	vmax.f32 v1, v63;
	v1 =	vmin.f32 v1, v63;
	v6 =	vmin.f32 v6, v9  }
0x124: {  	v31 =	vld [tilespmem:s18+$0x670];
	v9 =	vmax.f32 v60, v34;
	v60 =	vmin.f32 v44, v58;
	v34 =	vmax.f32 v12, v33  }
0x125: {  	v12 =	vmin.f32 v12, v33;
	v22 =	vmin.f32 v15, v9;
	v9 =	vmax.f32 v15, v9  }
0x126: {  	v33 =	vmax.f32 v7, v27;
	v7 =	vmin.f32 v7, v27;
	v2 =	vmin.f32 v2, v9  }
0x127: {  	v35 =	vld [tilespmem:s18+$0x680];
	v9 =	vmax.f32 v24, v38;
	v24 =	vmin.f32 v48, v62;
	v38 =	vmax.f32 v5, v37  }
0x128: {  	v5 =	vmin.f32 v5, v37;
	v23 =	vmin.f32 v19, v9;
	v9 =	vmax.f32 v19, v9  }
0x129: {  	v37 =	vmax.f32 v4, v31;
	v4 =	vmin.f32 v4, v31;
	v8 =	vmin.f32 v8, v9  }
0x12a: {  	v39 =	vld [tilespmem:s18+$0x690];
	v9 =	vmax.f32 v28, v42;
	v28 =	vmin.f32 v52, v26;
	v42 =	vmax.f32 v11, v41  }
0x12b: {  	v11 =	vmin.f32 v11, v41;
	v14 =	vmin.f32 v20, v9;
	v9 =	vmax.f32 v20, v9  }
0x12c: {  	v41 =	vmax.f32 v0, v35;
	v0 =	vmin.f32 v0, v35;
	v3 =	vmin.f32 v3, v9  }
0x12d: {  	v43 =	vld [tilespmem:s18+$0x6A0];
	v9 =	vmax.f32 v32, v46;
	v32 =	vmin.f32 v56, v30;
	v46 =	vmax.f32 v10, v45  }
0x12e: {  	v10 =	vmin.f32 v10, v45;
	v13 =	vmin.f32 v21, v9;
	v9 =	vmax.f32 v21, v9  }
0x12f: {  	v45 =	vmax.f32 v1, v39;
	v1 =	vmin.f32 v1, v39;
	v6 =	vmin.f32 v6, v9  }
0x130: {  	v47 =	vld [tilespmem:s18+$0x6B0];
	v9 =	vmax.f32 v36, v50;
	v36 =	vmin.f32 v60, v34;
	v50 =	vmax.f32 v12, v49  }
0x131: {  	v12 =	vmin.f32 v12, v49;
	v17 =	vmin.f32 v22, v9;
	v9 =	vmax.f32 v22, v9  }
0x132: {  	v49 =	vmax.f32 v7, v43;
	v7 =	vmin.f32 v7, v43;
	v2 =	vmin.f32 v2, v9  }
0x133: {  	v51 =	vld [tilespmem:s18+$0x6C0];
	v9 =	vmax.f32 v40, v54;
	v40 =	vmin.f32 v24, v38;
	v54 =	vmax.f32 v5, v53  }
0x134: {  	v5 =	vmin.f32 v5, v53;
	v15 =	vmin.f32 v23, v9;
	v9 =	vmax.f32 v23, v9  }
0x135: {  	v53 =	vmax.f32 v4, v47;
	v4 =	vmin.f32 v4, v47;
	v8 =	vmin.f32 v8, v9  }
0x136: {  	v55 =	vld [tilespmem:s18+$0x6D0];
	v9 =	vmax.f32 v44, v58;
	v44 =	vmin.f32 v28, v42;
	v58 =	vmax.f32 v11, v57  }
0x137: {  	v11 =	vmin.f32 v11, v57;
	v19 =	vmin.f32 v14, v9;
	v9 =	vmax.f32 v14, v9  }
0x138: {  	v57 =	vmax.f32 v0, v51;
	v0 =	vmin.f32 v0, v51;
	v3 =	vmin.f32 v3, v9  }
0x139: {  	v59 =	vld [tilespmem:s18+$0x6E0];
	v9 =	vmax.f32 v48, v62;
	v48 =	vmin.f32 v32, v46;
	v62 =	vmax.f32 v10, v61  }
0x13a: {  	v10 =	vmin.f32 v10, v61;
	v20 =	vmin.f32 v13, v9;
	v9 =	vmax.f32 v13, v9  }
0x13b: {  	v61 =	vmax.f32 v1, v55;
	v1 =	vmin.f32 v1, v55;
	v6 =	vmin.f32 v6, v9  }
0x13c: {  	v63 =	vld [tilespmem:s18+$0x6F0];
	v9 =	vmax.f32 v52, v26;
	v52 =	vmin.f32 v36, v50;
	v26 =	vmax.f32 v12, v25  }
0x13d: {  	v12 =	vmin.f32 v12, v25;
	v21 =	vmin.f32 v17, v9;
	v9 =	vmax.f32 v17, v9  }
0x13e: {  	v25 =	vmax.f32 v7, v59;
	v7 =	vmin.f32 v7, v59;
	v2 =	vmin.f32 v2, v9  }
0x13f: {  	v27 =	vld [tilespmem:s18+$0x700];
	v9 =	vmax.f32 v56, v30;
	v56 =	vmin.f32 v40, v54;
	v30 =	vmax.f32 v5, v29  }
0x140: {  	v5 =	vmin.f32 v5, v29;
	v22 =	vmin.f32 v15, v9;
	v9 =	vmax.f32 v15, v9  }
0x141: {  	v29 =	vmax.f32 v4, v63;
	v4 =	vmin.f32 v4, v63;
	v8 =	vmin.f32 v8, v9  }
0x142: {  	v31 =	vld [tilespmem:s18+$0x710];
	v9 =	vmax.f32 v60, v34;
	v60 =	vmin.f32 v44, v58;
	v34 =	vmax.f32 v11, v33  }
0x143: {  	v11 =	vmin.f32 v11, v33;
	v23 =	vmin.f32 v19, v9;
	v9 =	vmax.f32 v19, v9  }
0x144: {  	v33 =	vmax.f32 v0, v27;
	v0 =	vmin.f32 v0, v27;
	v3 =	vmin.f32 v3, v9  }
0x145: {  	v35 =	vld [tilespmem:s18+$0x720];
	v9 =	vmax.f32 v24, v38;
	v24 =	vmin.f32 v48, v62;
	v38 =	vmax.f32 v10, v37  }
0x146: {  	v10 =	vmin.f32 v10, v37;
	v14 =	vmin.f32 v20, v9;
	v9 =	vmax.f32 v20, v9  }
0x147: {  	v37 =	vmax.f32 v1, v31;
	v1 =	vmin.f32 v1, v31;
	v6 =	vmin.f32 v6, v9  }
0x148: {  	v39 =	vld [tilespmem:s18+$0x730];
	v9 =	vmax.f32 v28, v42;
	v28 =	vmin.f32 v52, v26;
	v42 =	vmax.f32 v12, v41  }
0x149: {  	v12 =	vmin.f32 v12, v41;
	v13 =	vmin.f32 v21, v9;
	v9 =	vmax.f32 v21, v9  }
0x14a: {  	v41 =	vmax.f32 v7, v35;
	v7 =	vmin.f32 v7, v35;
	v2 =	vmin.f32 v2, v9  }
0x14b: {  	v43 =	vld [tilespmem:s18+$0x740];
	v9 =	vmax.f32 v32, v46;
	v32 =	vmin.f32 v56, v30;
	v46 =	vmax.f32 v5, v45  }
0x14c: {  	v5 =	vmin.f32 v5, v45;
	v17 =	vmin.f32 v22, v9;
	v9 =	vmax.f32 v22, v9  }
0x14d: {  	v45 =	vmax.f32 v4, v39;
	v4 =	vmin.f32 v4, v39;
	v8 =	vmin.f32 v8, v9  }
0x14e: {  	v47 =	vld [tilespmem:s18+$0x750];
	v9 =	vmax.f32 v36, v50;
	v36 =	vmin.f32 v60, v34;
	v50 =	vmax.f32 v11, v49  }
0x14f: {  	v11 =	vmin.f32 v11, v49;
	v15 =	vmin.f32 v23, v9;
	v9 =	vmax.f32 v23, v9  }
0x150: {  	v49 =	vmax.f32 v0, v43;
	v0 =	vmin.f32 v0, v43;
	v3 =	vmin.f32 v3, v9  }
0x151: {  	v51 =	vld [tilespmem:s18+$0x760];
	v9 =	vmax.f32 v40, v54;
	v40 =	vmin.f32 v24, v38;
	v54 =	vmax.f32 v10, v53  }
0x152: {  	v10 =	vmin.f32 v10, v53;
	v19 =	vmin.f32 v14, v9;
	v9 =	vmax.f32 v14, v9  }
0x153: {  	v53 =	vmax.f32 v1, v47;
	v1 =	vmin.f32 v1, v47;
	v6 =	vmin.f32 v6, v9  }
0x154: {  	v55 =	vld [tilespmem:s18+$0x770];
	v9 =	vmax.f32 v44, v58;
	v44 =	vmin.f32 v28, v42;
	v58 =	vmax.f32 v12, v57  }
0x155: {  	v12 =	vmin.f32 v12, v57;
	v20 =	vmin.f32 v13, v9;
	v9 =	vmax.f32 v13, v9  }
0x156: {  	v57 =	vmax.f32 v7, v51;
	v7 =	vmin.f32 v7, v51;
	v2 =	vmin.f32 v2, v9  }
0x157: {  	v59 =	vld [tilespmem:s18+$0x780];
	v9 =	vmax.f32 v48, v62;
	v48 =	vmin.f32 v32, v46;
	v62 =	vmax.f32 v5, v61  }
0x158: {  	v5 =	vmin.f32 v5, v61;
	v21 =	vmin.f32 v17, v9;
	v9 =	vmax.f32 v17, v9  }
0x159: {  	v61 =	vmax.f32 v4, v55;
	v4 =	vmin.f32 v4, v55;
	v8 =	vmin.f32 v8, v9  }
0x15a: {  	v63 =	vld [tilespmem:s18+$0x790];
	v9 =	vmax.f32 v52, v26;
	v52 =	vmin.f32 v36, v50;
	v26 =	vmax.f32 v11, v25  }
0x15b: {  	v11 =	vmin.f32 v11, v25;
	v22 =	vmin.f32 v15, v9;
	v9 =	vmax.f32 v15, v9  }
0x15c: {  	v25 =	vmax.f32 v0, v59;
	v0 =	vmin.f32 v0, v59;
	v3 =	vmin.f32 v3, v9  }
0x15d: {  	v27 =	vld [tilespmem:s18+$0x7A0];
	v9 =	vmax.f32 v56, v30;
	v56 =	vmin.f32 v40, v54;
	v30 =	vmax.f32 v10, v29  }
0x15e: {  	v10 =	vmin.f32 v10, v29;
	v23 =	vmin.f32 v19, v9;
	v9 =	vmax.f32 v19, v9  }
0x15f: {  	v29 =	vmax.f32 v1, v63;
	v1 =	vmin.f32 v1, v63;
	v6 =	vmin.f32 v6, v9  }
0x160: {  	v31 =	vld [tilespmem:s18+$0x7B0];
	v9 =	vmax.f32 v60, v34;
	v60 =	vmin.f32 v44, v58;
	v34 =	vmax.f32 v12, v33  }
0x161: {  	v12 =	vmin.f32 v12, v33;
	v14 =	vmin.f32 v20, v9;
	v9 =	vmax.f32 v20, v9  }
0x162: {  	v33 =	vmax.f32 v7, v27;
	v7 =	vmin.f32 v7, v27;
	v2 =	vmin.f32 v2, v9  }
0x163: {  	v35 =	vld [tilespmem:s18+$0x7C0];
	v9 =	vmax.f32 v24, v38;
	v24 =	vmin.f32 v48, v62;
	v38 =	vmax.f32 v5, v37  }
0x164: {  	v5 =	vmin.f32 v5, v37;
	v13 =	vmin.f32 v21, v9;
	v9 =	vmax.f32 v21, v9  }
0x165: {  	v37 =	vmax.f32 v4, v31;
	v4 =	vmin.f32 v4, v31;
	v8 =	vmin.f32 v8, v9  }
0x166: {  	v9 =	vmax.f32 v28, v42;
	v28 =	vmin.f32 v52, v26;
	v42 =	vmax.f32 v11, v41  }
0x167: {  	v11 =	vmin.f32 v11, v41;
	v17 =	vmin.f32 v22, v9;
	v9 =	vmax.f32 v22, v9  }
0x168: {  	v41 =	vmax.f32 v0, v35;
	v0 =	vmin.f32 v0, v35;
	v3 =	vmin.f32 v3, v9  }
0x169: {  	v9 =	vmax.f32 v32, v46;
	v32 =	vmin.f32 v56, v30;
	v46 =	vmax.f32 v10, v45  }
0x16a: {  	v10 =	vmin.f32 v10, v45;
	v15 =	vmin.f32 v23, v9;
	v9 =	vmax.f32 v23, v9  }
0x16b: {  	v6 =	vmin.f32 v6, v9;
	v9 =	vmax.f32 v36, v50;
	v36 =	vmin.f32 v60, v34  }
0x16c: {  	v50 =	vmax.f32 v12, v49;
	v19 =	vmin.f32 v14, v9;
	v9 =	vmax.f32 v14, v9  }
0x16d: {  	v12 =	vmin.f32 v12, v49;
	v2 =	vmin.f32 v2, v9;
	v9 =	vmax.f32 v40, v54  }
0x16e: {  	v40 =	vmin.f32 v24, v38;
	v20 =	vmin.f32 v13, v9;
	v9 =	vmax.f32 v13, v9  }
0x16f: {  	v54 =	vmax.f32 v5, v53;
	v5 =	vmin.f32 v5, v53;
	v8 =	vmin.f32 v8, v9  }
0x170: {  	v9 =	vmax.f32 v44, v58;
	v44 =	vmin.f32 v28, v42;
	v58 =	vmax.f32 v11, v57  }
0x171: {  	v11 =	vmin.f32 v11, v57;
	v21 =	vmin.f32 v17, v9;
	v9 =	vmax.f32 v17, v9  }
0x172: {  	v3 =	vmin.f32 v3, v9;
	v9 =	vmax.f32 v48, v62;
	v48 =	vmin.f32 v32, v46  }
0x173: {  	v62 =	vmax.f32 v10, v61;
	v22 =	vmin.f32 v15, v9;
	v9 =	vmax.f32 v15, v9  }
0x174: {  	v10 =	vmin.f32 v10, v61;
	v6 =	vmin.f32 v6, v9;
	v9 =	vmax.f32 v52, v26  }
0x175: {  	v52 =	vmin.f32 v36, v50;
	v23 =	vmin.f32 v19, v9;
	v9 =	vmax.f32 v19, v9  }
0x176: {  	v26 =	vmax.f32 v12, v25;
	v12 =	vmin.f32 v12, v25;
	v2 =	vmin.f32 v2, v9  }
0x177: {  	v9 =	vmax.f32 v56, v30;
	v56 =	vmin.f32 v40, v54;
	v30 =	vmax.f32 v5, v29  }
0x178: {  	v5 =	vmin.f32 v5, v29;
	v14 =	vmin.f32 v20, v9;
	v9 =	vmax.f32 v20, v9  }
0x179: {  	v8 =	vmin.f32 v8, v9;
	v9 =	vmax.f32 v60, v34;
	v60 =	vmin.f32 v44, v58  }
0x17a: {  	v34 =	vmax.f32 v11, v33;
	v13 =	vmin.f32 v21, v9;
	v9 =	vmax.f32 v21, v9  }
0x17b: {  	v11 =	vmin.f32 v11, v33;
	v3 =	vmin.f32 v3, v9;
	v9 =	vmax.f32 v24, v38  }
0x17c: {  	v24 =	vmin.f32 v48, v62;
	v17 =	vmin.f32 v22, v9;
	v9 =	vmax.f32 v22, v9  }
0x17d: {  	v38 =	vmax.f32 v10, v37;
	v6 =	vmin.f32 v6, v9;
	v9 =	vmax.f32 v28, v42  }
0x17e: {  	v10 =	vmin.f32 v10, v37;
	v15 =	vmin.f32 v23, v9;
	v9 =	vmax.f32 v23, v9  }
0x17f: {  	v28 =	vmin.f32 v52, v26;
	v2 =	vmin.f32 v2, v9;
	v9 =	vmax.f32 v32, v46  }
0x180: {  	v42 =	vmax.f32 v12, v41;
	v19 =	vmin.f32 v14, v9;
	v9 =	vmax.f32 v14, v9  }
0x181: {  	v39 =	vld [tilespmem:s18+$0x7D0];
	v12 =	vmin.f32 v12, v41;
	v8 =	vmin.f32 v8, v9;
	v9 =	vmax.f32 v36, v50  }
0x182: {  	v43 =	vmin.f32 v28, v42;
	v20 =	vmin.f32 v13, v9;
	v9 =	vmax.f32 v13, v9  }
0x183: {  	v32 =	vmin.f32 v56, v30;
	v3 =	vmin.f32 v3, v9;
	v9 =	vmax.f32 v40, v54  }
0x184: {  	v36 =	vmin.f32 v60, v34;
	v21 =	vmin.f32 v17, v9;
	v9 =	vmax.f32 v17, v9  }
0x185: {  	v40 =	vmin.f32 v24, v38;
	v6 =	vmin.f32 v6, v9;
	v9 =	vmax.f32 v44, v58  }
0x186: {  	v44 =	vmax.f32 v1, v39;
	v1 =	vmin.f32 v1, v39;
	v22 =	vmin.f32 v15, v9  }
0x187: {  	v9 =	vmax.f32 v15, v9;
	v45 =	vmax.f32 v5, v44;
	v5 =	vmin.f32 v5, v44  }
0x188: {  	v54 =	vmin.f32 v0, v1;
	v0 =	vmax.f32 v0, v1;
	v2 =	vmin.f32 v2, v9  }
0x189: {  	v9 =	vmax.f32 v48, v62;
	v46 =	vmax.f32 v32, v45;
	v48 =	vld [tilespmem:s18+$0x7F0];
	v62 =	vmin.f32 v12, v0  }
0x18a: {  	v0 =	vmax.f32 v12, v0;
	v23 =	vmin.f32 v19, v9;
	v9 =	vmax.f32 v19, v9  }
0x18b: {  	v33 =	vmin.f32 v43, v0;
	v8 =	vmin.f32 v8, v9;
	v9 =	vmax.f32 v52, v26  }
0x18c: {  	v0 =	vmax.f32 v43, v0;
	v14 =	vmin.f32 v20, v9;
	v9 =	vmax.f32 v20, v9  }
0x18d: {  	v3 =	vmin.f32 v3, v9;
	v9 =	vmax.f32 v56, v30;
	v56 =	vmin.f32 v54, v5  }
0x18e: {  	v13 =	vmin.f32 v21, v9;
	v9 =	vmax.f32 v21, v9;
	v53 =	vmin.f32 v4, v48  }
0x18f: {  	v4 =	vmax.f32 v4, v48;
	v6 =	vmin.f32 v6, v9;
	v9 =	vmax.f32 v60, v34  }
0x190: {  	v49 =	vmax.f32 v13, v46;
	v13 =	vmin.f32 v13, v46;
	v55 =	vmin.f32 v10, v4  }
0x191: {  	v4 =	vmax.f32 v10, v4;
	v17 =	vmin.f32 v22, v9;
	v9 =	vmax.f32 v22, v9  }
0x192: {  	v6 =	vmin.f32 v6, v49;
	v2 =	vmin.f32 v2, v9;
	v9 =	vmax.f32 v24, v38  }
0x193: {  	v57 =	vmin.f32 v40, v4;
	v24 =	vld [tilespmem:s18+$0x7E0];
	v15 =	vmin.f32 v23, v9;
	v9 =	vmax.f32 v23, v9  }
0x194: {  	v4 =	vmax.f32 v40, v4;
	v8 =	vmin.f32 v8, v9;
	v9 =	vmax.f32 v28, v42  }
0x195: {  	v59 =	vmin.f32 v15, v4;
	v19 =	vmin.f32 v14, v9;
	v9 =	vmax.f32 v14, v9  }
0x196: {  	v4 =	vmax.f32 v15, v4;
	v3 =	vmin.f32 v3, v9;
	v9 =	vmin.f32 v32, v45  }
0x197: {  	v4 =	vmin.f32 v8, v4;
	v26 =	vmin.f32 v19, v0;
	v58 =	vmin.f32 v56, v9  }
0x198: {  	v0 =	vmax.f32 v19, v0;
	v47 =	vmax.f32 v7, v24;
	v60 =	vmin.f32 v58, v13  }
0x199: {  	v7 =	vmin.f32 v7, v24;
	v0 =	vmin.f32 v3, v0;
	v61 =	vmin.f32 v60, v6  }
0x19a: {  	v25 =	vmax.f32 v11, v47;
	v11 =	vmin.f32 v11, v47;
	v63 =	vmin.f32 v61, v7  }
0x19b: {  	v50 =	vmax.f32 v36, v25;
	v52 =	vmin.f32 v36, v25;
	v34 =	vmin.f32 v63, v11  }
0x19c: {  	v51 =	vmax.f32 v17, v50;
	v14 =	vmin.f32 v17, v50;
	v35 =	vmin.f32 v34, v52  }
0x19d: {  	v9 =	vmax.f32 v56, v9;
	v2 =	vmin.f32 v2, v51;
	v37 =	vmin.f32 v35, v14  }
0x19e: {  	v13 =	vmax.f32 v58, v13;
	v36 =	vmax.f32 v54, v5;
	v38 =	vmin.f32 v37, v2  }
0x19f: {  	v6 =	vmax.f32 v60, v6;
	v17 =	vmin.f32 v62, v36;
	v39 =	vmin.f32 v38, v53  }
0x1a0: {  	v3 =	vmax.f32 v62, v36;
	v1 =	vmax.f32 v61, v7;
	v40 =	vmin.f32 v39, v55  }
0x1a1: {  	v27 =	vmin.f32 v33, v3;
	v29 =	vmin.f32 v17, v9;
	v41 =	vmin.f32 v40, v57  }
0x1a2: {  	v3 =	vmax.f32 v33, v3;
	v30 =	vmin.f32 v29, v13;
	v42 =	vmin.f32 v41, v59  }
0x1a3: {  	v11 =	vmax.f32 v63, v11;
	v31 =	vmin.f32 v30, v6;
	v43 =	vmin.f32 v42, v4  }
0x1a4: {  	v9 =	vmax.f32 v17, v9;
	v28 =	vmin.f32 v26, v3;
	v44 =	vmin.f32 v31, v1;
	(xrf0) =	vmin.scan.msk.f32 $0xffff, v43  }
0x1a5: {  	v3 =	vmax.f32 v26, v3;
	v18 =	vmax.f32 v34, v52;
	v45 =	vmin.f32 v44, v11  }
0x1a6: {  	v47 =	vmin.f32 v27, v9;
	v14 =	vmax.f32 v35, v14;
	v46 =	vmin.f32 v45, v18  }
0x1a7: {  	v49 =	vmax.f32 v29, v13;
	v2 =	vmax.f32 v37, v2;
	v48 =	vmin.f32 v46, v14  }
0x1a8: {  	v9 =	vmax.f32 v27, v9;
	v8 =	vmax.f32 v38, v53;
	v50 =	vmin.f32 v48, v2  }
0x1a9: {  	v51 =	vmin.f32 v47, v49;
	v21 =	vmax.f32 v39, v55;
	v52 =	vmin.f32 v50, v8  }
0x1aa: {  	v6 =	vmax.f32 v30, v6;
	v10 =	vmax.f32 v40, v57;
	v25 =	vmin.f32 v52, v21;
	v53, _, _ =	vpop (xrf0)  }
0x1ab: {  	v22 =	vmax.f32 v41, v59;
	v54 =	vmin.f32 v25, v10;
	v23 =	vbroadcast v53, $0xF  }
0x1ac: {  	v1 =	vmax.f32 v31, v1;
	v4 =	vmax.f32 v42, v4;
	v56 =	vmin.f32 v54, v22  }
0x1ad: {  	v55 =	vmin.f32 v51, v6;
	v57 =	vmin.f32 v56, v4;
	vm5 =	vle.f32 v43, v23  }
0x1ae: {  	v11 =	vmax.f32 v44, v11;
	v58 =	vmin.f32 v55, v1;
	v7 =	vsel vm5, v57, v43  }
0x1af: {  	v0 =	vmin.f32 v0, v3;
	v3 =	vmax.f32 v45, v18;
	v59 =	vmin.f32 v58, v11;
	(xrf0) =	vmin.scan.msk.f32 $0xffff, v7  }
0x1b0: {  	v60 =	vmin.f32 v28, v9;
	v14 =	vmax.f32 v46, v14;
	v61 =	vmin.f32 v59, v3  }
0x1b1: {  	v9 =	vmax.f32 v28, v9;
	v2 =	vmax.f32 v48, v2;
	v62 =	vmin.f32 v61, v14  }
0x1b2: {  	v5 =	vmax.f32 v47, v49;
	v8 =	vmax.f32 v50, v8;
	v63 =	vmin.f32 v62, v2  }
0x1b3: {  	v33 =	vmin.f32 v60, v5;
	v21 =	vmax.f32 v52, v21;
	v34 =	vmin.f32 v63, v8  }
0x1b4: {  	v6 =	vmax.f32 v51, v6;
	v10 =	vmax.f32 v25, v10;
	v35 =	vmin.f32 v34, v21  }
0x1b5: {  	v36 =	vmin.f32 v33, v6;
	v22 =	vmax.f32 v54, v22;
	v37 =	vmin.f32 v35, v10;
	v38, _, _ =	vpop (xrf0)  }
0x1b6: {  	v4 =	vmax.f32 v56, v4;
	v39 =	vmin.f32 v37, v22;
	v29 =	vbroadcast v38, $0xF  }
0x1b7: {  	v1 =	vmax.f32 v55, v1;
	v11 =	vmax.f32 v58, v11;
	v40 =	vmin.f32 v39, v4  }
0x1b8: {  	v24 =	vmin.f32 v36, v1;
	v30 =	vsel vm5, v40, v57;
	vm6 =	vle.f32 v7, v29  }
0x1b9: {  	v3 =	vmax.f32 v59, v3;
	v41 =	vmin.f32 v24, v11;
	v7 =	vsel vm6, v30, v7  }
0x1ba: {  	v0 =	vmin.f32 v0, v9;
	v42 =	vmax.f32 v61, v14;
	v43 =	vmin.f32 v41, v3;
	(xrf0) =	vmin.scan.msk.f32 $0xffff, v7  }
0x1bb: {  	v5 =	vmax.f32 v60, v5;
	v2 =	vmax.f32 v62, v2;
	v17 =	vmin.f32 v43, v42  }
0x1bc: {  	v0 =	vmin.f32 v0, v5;
	v44 =	vmax.f32 v63, v8;
	v45 =	vmin.f32 v17, v2  }
0x1bd: {  	v6 =	vmax.f32 v33, v6;
	v46 =	vmax.f32 v34, v21;
	v47 =	vmin.f32 v45, v44  }
0x1be: {  	v0 =	vmin.f32 v0, v6;
	v48 =	vmax.f32 v35, v10;
	v49 =	vmin.f32 v47, v46  }
0x1bf: {  	v1 =	vmax.f32 v36, v1;
	v50 =	vmax.f32 v37, v22;
	v51 =	vmin.f32 v49, v48  }
0x1c0: {  	v0 =	vmin.f32 v0, v1;
	v4 =	vmax.f32 v39, v4;
	v52 =	vmin.f32 v51, v50;
	v53, _, _ =	vpop (xrf0)  }
0x1c1: {  	v11 =	vmax.f32 v24, v11;
	v54 =	vmin.f32 v52, v4;
	v15 =	vbroadcast v53, $0xF  }
0x1c2: {  	v0 =	vmin.f32 v0, v11;
	v55 =	vsel vm5, v54, v40  }
0x1c3: {  	v3 =	vmax.f32 v41, v3;
	v12 =	vsel vm6, v55, v30;
	vm7 =	vle.f32 v7, v15  }
0x1c4: {  	v0 =	vmin.f32 v0, v3;
	v56 =	vmax.f32 v43, v42;
	v7 =	vsel vm7, v12, v7  }
0x1c5: {  	v0 =	vmin.f32 v0, v56;
	v2 =	vmax.f32 v17, v2;
	(xrf0) =	vmin.scan.msk.f32 $0xffff, v7  }
0x1c6: {  	v0 =	vmin.f32 v0, v2;
	v57 =	vmax.f32 v45, v44  }
0x1c7: {  	v0 =	vmin.f32 v0, v57;
	v58 =	vmax.f32 v47, v46  }
0x1c8: {  	v0 =	vmin.f32 v0, v58;
	v59 =	vmax.f32 v49, v48  }
0x1c9: {  	v0 =	vmin.f32 v0, v59;
	v60 =	vmax.f32 v51, v50  }
0x1ca: {  	v0 =	vmin.f32 v0, v60;
	v1 =	vmax.f32 v52, v4  }
0x1cb: {  	v0 =	vmin.f32 v0, v1;
	v61, _, _ =	vpop (xrf0)  }
0x1cc: {  	v0 =	vsel vm5, v0, v54;
	v1 =	vbroadcast v61, $0xF  }
0x1cd: {  	v0 =	vsel vm6, v0, v55  }
0x1ce: {  	v0 =	vsel vm7, v0, v12;
	vm5 =	vle.f32 v7, v1  }
0x1cf: {  	v0 =	vsel vm5, v0, v7  }
0x1d0: {  	(xrf0) =	vmin.scan.msk.f32 $0xffff, v0;
	_ =	sdelay $0x4  }
0x1d1: {  	v62 =	vnsel vm0, $0x7F800000, v23  }
0x1d2: {  	v0 =	vsel vm1, v62, v29;
	v63, _, _ =	vpop (xrf0)  }
0x1d3: {  	p2 =	seq.s32 s11, $0x1;
	v0 =	vsel vm2, v0, v15;
	v2 =	vbroadcast v63, $0xF  }
0x1d4: {  	p1 =	por p2, p1;
	s18 =	sand.u32 $0x1, s14;
	v0 =	vsel vm3, v0, v1  }
0x1d5: {  	s20 =	sadd.s32 s4, s17;
	s17 =	sshll.u32 @p1 s17, $0x7;
	s31 =	sshll.u32 s18, $0x7;
	v0 =	vsel vm4, v0, v2  }
0x1d6: {  	s22 =	simm.s32 $0x1;
	s20 =	sshll.u32 @p1 s20, $0x7;
	s17 =	sand.u32 @p1 $0x380, s17;
	[tilespmem:s31+$0x1000] =	vst v0  }
0x1d7: {  	s22 =	simm.s32 @!p0 $0x0;
	s20 =	sand.u32 @p1 $0xFFFFFC00, s20;
	_ =	strace $0x9000004B  }
0x1d8: {  	p0 =	seq.s32 s11, $0x40;
	s17 =	sor.u32 @p1 s17, s20;
	_ =	strace @p1 $0x8000004C  }
0x1d9: {  	s20 =	simm.s32 @p1 $0x0;
	s17 =	sshrl.u32 @p1 s17, $0x3;
	s21 =	rddreg [dreg:$0x2]  }
0x1da: {  	s18 =	sadd.s32 @p1 $0x3, s18;
	s19 =	sor.u32 $0x1000, s31;
	s17 =	sadd.s32 @p1 s21, s17  }
0x1db: {  	[hbm4b:s17+s20] =	stream.linear.scatter @p1 [tilespmem:s19], [sflag:s18], $0x80, $0x200038;
	[tilespmem:$0x1100] =	vst v63  }
0x1dc: {  	s17 =	simm.s32 $0x1;
	s19 =	simm.s32 $0x1;
	_ =	strace @p1 $0x9000004C  }
0x1dd: {  	s17 =	simm.s32 @!p1 $0x0;
	p1 =	sne.s32 s11, $0x40;
	s11 =	sadd.s32 $0xFFFFFFFF, s11  }
0x1de: {  	s18 =	sand.u32 @!p0 $0x1, s13;
	s19 =	simm.s32 @!p1 $0x0;
	p1 =	sne.s32 s11, $0x0  }
.Ltmp0:
0x1df: {  	s18 =	sadd.s32 @!p0 $0x3, s18;
	_ =	strace @!p0 $0x8000004D;
	(pc) =	sbr.rel @p1 .LBB2_2-.Ltmp0, $4  }
0x1e0: {  	_ =	swait.ge @!p0 [sflag:s18], $0x80  }
0x1e1: {  	[sflag:s18] =	ssyncset.done @!p0 $0x0  }
0x1e2: {  	s16 =	sadd.s32 s22, s16;
	s14 =	sadd.s32 s17, s14;
	[sflag:s18] =	ssyncadd.s32 @!p0 $0xFFFFFF80  }
0x1e3: {  	s15 =	sadd.s32 s17, s15;
	s13 =	sadd.s32 s19, s13;
	_ =	strace @!p0 $0x9000004D  }
0x1e4: {  	s10 =	sadd.s32 $0x1, s10  }
0x1e5: {  	p0 =	sne.s32 s10, s6  }
.Ltmp1:
0x1e6: {  	_ =	strace $0x8000004E;
	(pc) =	sbr.rel @p0 .LBB2_1-.Ltmp1, $4  }
0x1e7: {  	_ =	swait.ge [sflag:s9], $0x80  }
0x1e8: {  	[sflag:s9] =	ssyncset.done $0x0  }
0x1e9: {  	[sflag:s9] =	ssyncadd.s32 $0xFFFFFF80  }
0x1ea: {  	_ =	strace $0x9000004E  }
0x1eb: {  	_ =	sfence.sel $0x180000  }
0x1ec: {  	[bflag:$0x0] =	sbarrier.arrive $0xFFFF  }
0x1ed: {  	p0 =	sne.s32 s2, $0x0;
	_ =	strace $0x90000047  }
0x1ee: {  	s0 =	sadd.s32 @!p0 $0x100000, s0;
	[bflag:$0x2] =	sbarrier.arrive $0xFFFF  }
0x1ef: {  	[sflag:s0] =	ssyncadd.tile.s32 @!p0 $0x1;
	_ =	shalt  }
.Lfunc_end2:
_tile_overlayer_lowered:
.L_overlay_start_2:
0x1f0: {  	(tag) =	ssettag $0x2  }
0x1f1: {  	s0 =	rddreg [dreg:$0x0];
	s2 =	stileid.u32  }
0x1f2: {  	s1 =	rddreg [dreg:$0x1];
	p0 =	sne.s32 s2, $0x0  }
0x1f3: {  	s3 =	rddreg [dreg:$0x2];
	[bflag:$0x3] =	sbarrier.arrive $0xFFFF;
	s2 =	simm.s32 @!p0 $0x1C01  }
0x1f4: {  	[timem:s3], [sflag:s2] =	dma.local @!p0 [hbm:s0], s1  }
0x1f5: {  	s0 =	simm.s32 @!p0 $0x1  }
0x1f6: {  	_ =	swait.ge @!p0 [sflag:s0], s1  }
0x1f7: {  	s1 =	ssub.s32 @!p0 $0x0, s1;
	[sflag:s0] =	ssyncset.done @!p0 $0x0  }
0x1f8: {  	[sflag:s0] =	ssyncadd.s32 @!p0 s1  }
0x1f9: {  	[bflag:$0x3] =	sbarrier.arrive $0xFFFF  }
0x1fa: {  	_ =	shalt  }

</sc_bundles>
